<compile_context>
chip_gen: v7x
topology: tpu7x:2x2x1
jax: 0.10.2.dev20260603
libtpu: 0.0.44.dev20260713+nightly
codegen_flags: <defaults>
</compile_context>

<pallas_src>
import functools

import jax
import jax.numpy as jnp
from jax import lax
from jax.experimental import pallas as pl
from jax.experimental.pallas import tpu as pltpu
from jax.experimental.pallas import tpu_sc as plsc

NC = 2
NS = 16
NW = NC * NS
CH = 128


NBUF = 3


@functools.lru_cache(maxsize=None)
def _make_sc_scatter(n_pad: int, e_pad: int, d: int):
    ew = e_pad // NW
    nch = ew // CH
    rps = n_pad // NS
    mesh = plsc.VectorSubcoreMesh(core_axis_name="c", subcore_axis_name="s")

    @functools.partial(
        pl.kernel,
        out_type=jax.ShapeDtypeStruct((NC * n_pad, d), jnp.float32),
        mesh=mesh,
        scratch_types=(
            [pltpu.VMEM_SHARED((n_pad, d), jnp.float32)]
            + [pltpu.VMEM((2, CH), jnp.int32) for _ in range(NBUF)]
            + [pltpu.VMEM((CH, d), jnp.float32) for _ in range(NBUF)]
            + [pltpu.SemaphoreType.DMA for _ in range(2 * NBUF)]
        ),
    )
    def sc_scatter(h_hbm, ed_hbm, zeros_hbm, out_hbm, acc, *bufs):
        idx = bufs[0:NBUF]
        rows = bufs[NBUF:2 * NBUF]
        gsem = bufs[2 * NBUF:3 * NBUF]
        ssem = bufs[3 * NBUF:4 * NBUF]
        c = lax.axis_index("c")
        s = lax.axis_index("s")
        wid = c * NS + s
        pltpu.sync_copy(zeros_hbm.at[pl.ds(s * rps, rps)],
                        acc.at[pl.ds(s * rps, rps)])
        plsc.subcore_barrier()

        cbase = wid * nch

        def start_gather(g, b):
            pltpu.sync_copy(ed_hbm.at[cbase + g], idx[b])
            pltpu.async_copy(h_hbm.at[idx[b].at[0]], rows[b], gsem[b])

        for b in range(NBUF):
            start_gather(b, b)

        def body(i, carry):
            a = i * NBUF
            for b in range(NBUF):
                pltpu.make_async_copy(h_hbm.at[idx[b].at[0]], rows[b],
                                      gsem[b]).wait()
                pltpu.async_copy(rows[b], acc.at[idx[b].at[1]], ssem[b],
                                 add=True)
            for b in range(NBUF):
                pltpu.make_async_copy(rows[b], acc.at[idx[b].at[1]],
                                      ssem[b]).wait()
                start_gather(a + NBUF + b, b)
            return carry

        lax.fori_loop(0, nch // NBUF, body, 0)
        for b in range(NBUF):
            pltpu.make_async_copy(h_hbm.at[idx[b].at[0]], rows[b],
                                  gsem[b]).wait()

        plsc.subcore_barrier()
        pltpu.sync_copy(acc.at[pl.ds(s * rps, rps)],
                        out_hbm.at[pl.ds(c * n_pad + s * rps, rps)])

    return sc_scatter


def _tc_layer_body(x_ref, parts_ref, w1_ref, b1_ref, w2_ref, b2_ref,
                   g_ref, be_ref, eps_ref, out_ref, *, n_pad: int):
    n = x_ref.shape[0]
    h = ((1.0 + eps_ref[0, 0]) * x_ref[...]
         + parts_ref[0:n] + parts_ref[n_pad:n_pad + n])
    h = jnp.dot(h, w1_ref[...], preferred_element_type=jnp.float32) + b1_ref[...]
    h = jnp.maximum(h, 0.0)
    h = jnp.dot(h, w2_ref[...], preferred_element_type=jnp.float32) + b2_ref[...]
    h = jnp.maximum(h, 0.0)
    mu = jnp.mean(h, axis=0, keepdims=True)
    var = jnp.mean((h - mu) ** 2, axis=0, keepdims=True)
    out_ref[...] = (g_ref[...] * (h - mu) * lax.rsqrt(var + 1e-5)
                    + be_ref[...])


def _tc_layer(x, parts, n_pad, p):
    n, d = x.shape
    h = p["W1"].shape[1]
    return pl.pallas_call(
        functools.partial(_tc_layer_body, n_pad=n_pad),
        out_shape=jax.ShapeDtypeStruct((n, h), jnp.float32),
    )(x, parts, p["W1"], p["b1"].reshape(1, h), p["W2"],
      p["b2"].reshape(1, h), p["gamma"].reshape(1, h),
      p["beta"].reshape(1, h), p["eps"].reshape(1, 1))


def _tc_layer3_head_body(x_ref, parts_ref, w1_ref, b1_ref, w2_ref, b2_ref,
                         g_ref, be_ref, eps_ref, h1_ref, batch_ref,
                         f1w_ref, f1b_ref, f2w_ref, f2b_ref, out_ref,
                         *, n_pad: int, g: int):
    n = x_ref.shape[0]
    h = ((1.0 + eps_ref[0, 0]) * x_ref[...]
         + parts_ref[0:n] + parts_ref[n_pad:n_pad + n])
    h = jnp.dot(h, w1_ref[...], preferred_element_type=jnp.float32) + b1_ref[...]
    h = jnp.maximum(h, 0.0)
    h = jnp.dot(h, w2_ref[...], preferred_element_type=jnp.float32) + b2_ref[...]
    h = jnp.maximum(h, 0.0)
    mu = jnp.mean(h, axis=0, keepdims=True)
    var = jnp.mean((h - mu) ** 2, axis=0, keepdims=True)
    h3 = g_ref[...] * (h - mu) * lax.rsqrt(var + 1e-5) + be_ref[...]
    b = batch_ref[...]
    gid = lax.broadcasted_iota(jnp.int32, (g, b.shape[1]), 0)
    onehot = jnp.where(b == gid, 1.0, 0.0)
    counts = jnp.maximum(jnp.sum(onehot, axis=1, keepdims=True), 1.0)
    s1 = jnp.dot(onehot, h1_ref[...], preferred_element_type=jnp.float32)
    s2 = jnp.dot(onehot, x_ref[...], preferred_element_type=jnp.float32)
    s3 = jnp.dot(onehot, h3, preferred_element_type=jnp.float32)
    pooled = jnp.concatenate([s1, s2, s3], axis=1) / counts
    z = jnp.dot(pooled, f1w_ref[...], preferred_element_type=jnp.float32)
    z = jnp.maximum(z + f1b_ref[...], 0.0)
    logits = jnp.dot(z, f2w_ref[...], preferred_element_type=jnp.float32)
    logits = logits + f2b_ref[...]
    m = jnp.max(logits, axis=1, keepdims=True)
    shifted = logits - m
    out_ref[...] = shifted - jnp.log(
        jnp.sum(jnp.exp(shifted), axis=1, keepdims=True))


def _tc_layer3_head(h2, parts, n_pad, p, h1, batch, params):
    g = 128
    c = params["fc2_W"].shape[1]
    n = h1.shape[0]
    hdim = p["W1"].shape[1]
    fdim = params["fc1_W"].shape[1]
    return pl.pallas_call(
        functools.partial(_tc_layer3_head_body, n_pad=n_pad, g=g),
        out_shape=jax.ShapeDtypeStruct((g, c), jnp.float32),
    )(h2, parts, p["W1"], p["b1"].reshape(1, hdim), p["W2"],
      p["b2"].reshape(1, hdim), p["gamma"].reshape(1, hdim),
      p["beta"].reshape(1, hdim), p["eps"].reshape(1, 1),
      h1, batch.reshape(1, n).astype(jnp.int32),
      params["fc1_W"], params["fc1_b"].reshape(1, fdim),
      params["fc2_W"], params["fc2_b"].reshape(1, c))


def kernel(x, edge_index, batch, params):
    n, d = x.shape
    e = edge_index.shape[1]
    n_pad = ((n + NS * 8 - 1) // (NS * 8)) * NS * 8
    e_pad = ((e + NW * CH * NBUF - 1) // (NW * CH * NBUF)) * NW * CH * NBUF
    src = edge_index[0].astype(jnp.int32)
    dst = edge_index[1].astype(jnp.int32)
    pad = e_pad + NBUF * CH - e
    pad_ar = jnp.arange(pad, dtype=jnp.int32)
    src = jnp.concatenate([src, (pad_ar * 97) % n])
    dst = jnp.concatenate([dst, n + pad_ar % (n_pad - n)])
    ed = jnp.stack([src.reshape(-1, CH), dst.reshape(-1, CH)], axis=1)
    zeros = jnp.zeros((n_pad, d), jnp.float32)

    sc_scatter = _make_sc_scatter(n_pad, e_pad, d)

    layers = params["layers"]
    h1 = _tc_layer(x, sc_scatter(x, ed, zeros), n_pad, layers[0])
    h2 = _tc_layer(h1, sc_scatter(h1, ed, zeros), n_pad, layers[1])
    parts3 = sc_scatter(h2, ed, zeros)
    return _tc_layer3_head(h2, parts3, n_pad, layers[2], h1, batch, params)

# --- scband reference (transcript-rebuilt; emitter-appended) ---
"""Pipeline reference for scband-ginwith-jk-60155311948562 (READ-ONLY COPY).

The authoritative reference and input builder live on the scoring server;
editing this copy changes nothing except your own understanding.
"""

import jax, jax.numpy as jnp
import numpy as np

N = 10000
E = 320000
D = 128
H = 128
L = 3
G = 128
C = 10


def _lin(key, fi, fo):
    return jax.random.normal(key, (fi, fo), dtype=jnp.float32) * (1.0 / np.sqrt(fi))


def setup_inputs(seed: int = 0) -> dict:
    key = jax.random.key(seed)
    ks = jax.random.split(key, 64)
    x = jax.random.normal(ks[0], (N, D), dtype=jnp.float32)
    edge_index = jax.random.randint(ks[1], (2, E), 0, N)
    batch = jnp.sort(jax.random.randint(ks[2], (N,), 0, G))
    layers = []
    ki = 3
    for i in range(L):
        fi = D if i == 0 else H
        layers.append({
            'W1': _lin(ks[ki + 0], fi, H),
            'b1': jnp.zeros((H,), jnp.float32),
            'W2': _lin(ks[ki + 1], H, H),
            'b2': jnp.zeros((H,), jnp.float32),
            'gamma': jnp.ones((H,), jnp.float32),
            'beta': jnp.zeros((H,), jnp.float32),
            'eps': jnp.zeros((), jnp.float32),
        })
        ki += 2
    params = {
        'layers': layers,
        'fc1_W': _lin(ks[ki + 0], L * H, H),
        'fc1_b': jnp.zeros((H,), jnp.float32),
        'fc2_W': _lin(ks[ki + 1], H, C),
        'fc2_b': jnp.zeros((C,), jnp.float32),
    }
    return {'x': x, 'edge_index': edge_index, 'batch': batch, 'params': params}


def _batchnorm(h, gamma, beta):
    mu = jnp.mean(h, axis=0)
    var = jnp.var(h, axis=0)
    return gamma * (h - mu) / jnp.sqrt(var + 1e-5) + beta


def _gin_layer(x, edge_index, p):
    src = edge_index[0]
    dst = edge_index[1]
    agg = jnp.zeros_like(x[:, :0].repeat(1, axis=1))
    agg = jnp.zeros((x.shape[0], x.shape[1]), x.dtype).at[dst].add(x[src])
    h = (1.0 + p['eps']) * x + agg
    h = jax.nn.relu(h @ p['W1'] + p['b1'])
    h = jax.nn.relu(h @ p['W2'] + p['b2'])
    return _batchnorm(h, p['gamma'], p['beta'])


def reference(x, edge_index, batch, params):
    xs = []
    h = x
    for p in params['layers']:
        h = _gin_layer(h, edge_index, p)
        xs.append(h)
    h = jnp.concatenate(xs, axis=1)  # JumpingKnowledge mode='cat'
    sums = jax.ops.segment_sum(h, batch, num_segments=G)
    counts = jax.ops.segment_sum(jnp.ones((h.shape[0],), h.dtype), batch, num_segments=G)
    pooled = sums / jnp.maximum(counts, 1.0)[:, None]
    h = jax.nn.relu(pooled @ params['fc1_W'] + params['fc1_b'])
    # dropout p=0.5 is identity in eval mode
    logits = h @ params['fc2_W'] + params['fc2_b']
    return jax.nn.log_softmax(logits, axis=-1)

if __name__ == "__main__":
    import jax
    _d = setup_inputs()
    print(jax.jit(kernel)(*tuple(_d.values())))

</pallas_src>

<mosaic_0001>
#map = affine_map<(d0, d1) -> (0, 0)>
#map1 = affine_map<(d0, d1) -> (0, 0, 0)>
module attributes {stable_mosaic.version = 14 : i64} {
  func.func @sc_scatter(%arg0: i32, %arg1: i32, %arg2: memref<10000x128xf32, #tpu.memory_space<hbm>>, %arg3: memref<2595x2x128xi32, #tpu.memory_space<hbm>>, %arg4: memref<10112x128xf32, #tpu.memory_space<hbm>>, %arg5: memref<20224x128xf32, #tpu.memory_space<hbm>>, %arg6: memref<10112x128xf32, #tpu.memory_space<vmem_shared>>, %arg7: memref<2x128xi32, #tpu.memory_space<vmem>>, %arg8: memref<2x128xi32, #tpu.memory_space<vmem>>, %arg9: memref<2x128xi32, #tpu.memory_space<vmem>>, %arg10: memref<128x128xf32, #tpu.memory_space<vmem>>, %arg11: memref<128x128xf32, #tpu.memory_space<vmem>>, %arg12: memref<128x128xf32, #tpu.memory_space<vmem>>, %arg13: memref<!tpu.dma_semaphore, #tpu.memory_space<semaphore_mem>>, %arg14: memref<!tpu.dma_semaphore, #tpu.memory_space<semaphore_mem>>, %arg15: memref<!tpu.dma_semaphore, #tpu.memory_space<semaphore_mem>>, %arg16: memref<!tpu.dma_semaphore, #tpu.memory_space<semaphore_mem>>, %arg17: memref<!tpu.dma_semaphore, #tpu.memory_space<semaphore_mem>>, %arg18: memref<!tpu.dma_semaphore, #tpu.memory_space<semaphore_mem>>) attributes {dimension_semantics = [#tpu.dimension_semantics<core_parallel>, #tpu.dimension_semantics<subcore_parallel>], iteration_bounds = array<i64: 2, 16>, scalar_prefetch = 0 : i64, scratch_operands = 13 : i64, tpu.core_type = #tpu.core_type<sc_vector_subcore>, window_params = [{transform_indices = #map}, {transform_indices = #map1}, {transform_indices = #map}, {transform_indices = #map}]} {
    %mul3A = arith.constant 16 : i32
    %mul3A_0 = arith.muli %arg0, %mul3A : i32
    %add3A = arith.addi %mul3A_0, %arg1 : i32
    %mul3A_1 = arith.constant 632 : i32
    %mul3A_2 = arith.muli %arg1, %mul3A_1 : i32
    %mul3A_3 = arith.constant 632 : i32
    %mul3A_4 = arith.muli %arg1, %mul3A_3 : i32
    "tpu.region"() ({
      %run_scoped3A = tpu.sem_alloc : memref<!tpu.dma_semaphore, #tpu.memory_space<semaphore_mem>>
      %dma_start3A_66 = arith.constant 0 : i32
      %dma_start3A_67 = tpu.memref_slice %arg6[%mul3A_4, %dma_start3A_66] : memref<10112x128xf32, #tpu.memory_space<vmem_shared>> -> memref<632x128xf32, #tpu.memory_space<vmem_shared>>
      %dma_start3A_68 = arith.constant 0 : i32
      %dma_start3A_69 = tpu.memref_slice %arg4[%mul3A_2, %dma_start3A_68] : memref<10112x128xf32, #tpu.memory_space<hbm>> -> memref<632x128xf32, #tpu.memory_space<hbm>>
      tpu.enqueue_dma source(%dma_start3A_69 : memref<632x128xf32, #tpu.memory_space<hbm>>) target(%dma_start3A_67 : memref<632x128xf32, #tpu.memory_space<vmem_shared>>) target_semaphore(%run_scoped3A : memref<!tpu.dma_semaphore, #tpu.memory_space<semaphore_mem>>)
      %dma_wait3A_70 = arith.constant 0 : i32
      %dma_wait3A_71 = tpu.memref_slice %arg6[%mul3A_4, %dma_wait3A_70] : memref<10112x128xf32, #tpu.memory_space<vmem_shared>> -> memref<632x128xf32, #tpu.memory_space<vmem_shared>>
      %dma_wait3A_72 = arith.constant 0 : i32
      %dma_wait3A_73 = tpu.memref_slice %arg4[%mul3A_2, %dma_wait3A_72] : memref<10112x128xf32, #tpu.memory_space<hbm>> -> memref<632x128xf32, #tpu.memory_space<hbm>>
      tpu.wait_dma2 semaphore(%run_scoped3A : memref<!tpu.dma_semaphore, #tpu.memory_space<semaphore_mem>>) src(%dma_wait3A_73 : memref<632x128xf32, #tpu.memory_space<hbm>>) dst(%dma_wait3A_71 : memref<632x128xf32, #tpu.memory_space<vmem_shared>>)
      tpu.yield
    }) : () -> ()
    %barrier3A = arith.constant 0 : index
    tpu.barrier barrier_id(%barrier3A)
    %mul3A_5 = arith.constant 81 : i32
    %mul3A_6 = arith.muli %add3A, %mul3A_5 : i32
    %add3A_7 = arith.constant 0 : i32
    %add3A_8 = arith.addi %mul3A_6, %add3A_7 : i32
    "tpu.region"() ({
      %run_scoped3A = tpu.sem_alloc : memref<!tpu.dma_semaphore, #tpu.memory_space<semaphore_mem>>
      %dma_start3A_66 = arith.constant 0 : i32
      %dma_start3A_67 = arith.constant 0 : i32
      %dma_start3A_68 = tpu.memref_slice %arg3[%add3A_8, %dma_start3A_66, %dma_start3A_67] : memref<2595x2x128xi32, #tpu.memory_space<hbm>> -> memref<1x2x128xi32, #tpu.memory_space<hbm>>
      %dma_start3A_69 = tpu.memref_squeeze %dma_start3A_68 : memref<1x2x128xi32, #tpu.memory_space<hbm>> -> memref<2x128xi32, #tpu.memory_space<hbm>>
      %dma_start3A_70 = arith.constant 0 : i32
      %dma_start3A_71 = arith.constant 0 : i32
      %dma_start3A_72 = tpu.memref_slice %arg3[%add3A_8, %dma_start3A_70, %dma_start3A_71] : memref<2595x2x128xi32, #tpu.memory_space<hbm>> -> memref<1x2x128xi32, #tpu.memory_space<hbm>>
      %dma_start3A_73 = tpu.memref_squeeze %dma_start3A_72 : memref<1x2x128xi32, #tpu.memory_space<hbm>> -> memref<2x128xi32, #tpu.memory_space<hbm>>
      tpu.enqueue_dma source(%dma_start3A_73 : memref<2x128xi32, #tpu.memory_space<hbm>>) target(%arg7 : memref<2x128xi32, #tpu.memory_space<vmem>>) target_semaphore(%run_scoped3A : memref<!tpu.dma_semaphore, #tpu.memory_space<semaphore_mem>>)
      %dma_wait3A_74 = arith.constant 0 : i32
      %dma_wait3A_75 = arith.constant 0 : i32
      %dma_wait3A_76 = tpu.memref_slice %arg3[%add3A_8, %dma_wait3A_74, %dma_wait3A_75] : memref<2595x2x128xi32, #tpu.memory_space<hbm>> -> memref<1x2x128xi32, #tpu.memory_space<hbm>>
      %dma_wait3A_77 = tpu.memref_squeeze %dma_wait3A_76 : memref<1x2x128xi32, #tpu.memory_space<hbm>> -> memref<2x128xi32, #tpu.memory_space<hbm>>
      %dma_wait3A_78 = arith.constant 0 : i32
      %dma_wait3A_79 = arith.constant 0 : i32
      %dma_wait3A_80 = tpu.memref_slice %arg3[%add3A_8, %dma_wait3A_78, %dma_wait3A_79] : memref<2595x2x128xi32, #tpu.memory_space<hbm>> -> memref<1x2x128xi32, #tpu.memory_space<hbm>>
      %dma_wait3A_81 = tpu.memref_squeeze %dma_wait3A_80 : memref<1x2x128xi32, #tpu.memory_space<hbm>> -> memref<2x128xi32, #tpu.memory_space<hbm>>
      tpu.wait_dma2 semaphore(%run_scoped3A : memref<!tpu.dma_semaphore, #tpu.memory_space<semaphore_mem>>) src(%dma_wait3A_81 : memref<2x128xi32, #tpu.memory_space<hbm>>) dst(%arg7 : memref<2x128xi32, #tpu.memory_space<vmem>>)
      tpu.yield
    }) : () -> ()
    %dma_start3A = arith.constant 0 : i32
    %dma_start3A_9 = arith.constant 0 : i32
    %dma_start3A_10 = tpu.memref_slice %arg7[%dma_start3A, %dma_start3A_9] : memref<2x128xi32, #tpu.memory_space<vmem>> -> memref<1x128xi32, #tpu.memory_space<vmem>>
    %dma_start3A_11 = tpu.memref_squeeze %dma_start3A_10 : memref<1x128xi32, #tpu.memory_space<vmem>> -> memref<128xi32, #tpu.memory_space<vmem>>
    %dma_start3A_12 = arith.constant 0 : i32
    %dma_start3A_13 = arith.constant 0 : i32
    %dma_start3A_14 = tpu.memref_slice %arg2[%dma_start3A_12, %dma_start3A_13] : memref<10000x128xf32, #tpu.memory_space<hbm>> -> memref<10000x128xf32, #tpu.memory_space<hbm>>
    tpu.enqueue_indirect_dma source(%dma_start3A_14 : memref<10000x128xf32, #tpu.memory_space<hbm>>) target(%arg10 : memref<128x128xf32, #tpu.memory_space<vmem>>) offsets(%dma_start3A_11 : memref<128xi32, #tpu.memory_space<vmem>>) semaphore(%arg13 : memref<!tpu.dma_semaphore, #tpu.memory_space<semaphore_mem>>)
    %add3A_15 = arith.constant 1 : i32
    %add3A_16 = arith.addi %mul3A_6, %add3A_15 : i32
    "tpu.region"() ({
      %run_scoped3A = tpu.sem_alloc : memref<!tpu.dma_semaphore, #tpu.memory_space<semaphore_mem>>
      %dma_start3A_66 = arith.constant 0 : i32
      %dma_start3A_67 = arith.constant 0 : i32
      %dma_start3A_68 = tpu.memref_slice %arg3[%add3A_16, %dma_start3A_66, %dma_start3A_67] : memref<2595x2x128xi32, #tpu.memory_space<hbm>> -> memref<1x2x128xi32, #tpu.memory_space<hbm>>
      %dma_start3A_69 = tpu.memref_squeeze %dma_start3A_68 : memref<1x2x128xi32, #tpu.memory_space<hbm>> -> memref<2x128xi32, #tpu.memory_space<hbm>>
      %dma_start3A_70 = arith.constant 0 : i32
      %dma_start3A_71 = arith.constant 0 : i32
      %dma_start3A_72 = tpu.memref_slice %arg3[%add3A_16, %dma_start3A_70, %dma_start3A_71] : memref<2595x2x128xi32, #tpu.memory_space<hbm>> -> memref<1x2x128xi32, #tpu.memory_space<hbm>>
      %dma_start3A_73 = tpu.memref_squeeze %dma_start3A_72 : memref<1x2x128xi32, #tpu.memory_space<hbm>> -> memref<2x128xi32, #tpu.memory_space<hbm>>
      tpu.enqueue_dma source(%dma_start3A_73 : memref<2x128xi32, #tpu.memory_space<hbm>>) target(%arg8 : memref<2x128xi32, #tpu.memory_space<vmem>>) target_semaphore(%run_scoped3A : memref<!tpu.dma_semaphore, #tpu.memory_space<semaphore_mem>>)
      %dma_wait3A_74 = arith.constant 0 : i32
      %dma_wait3A_75 = arith.constant 0 : i32
      %dma_wait3A_76 = tpu.memref_slice %arg3[%add3A_16, %dma_wait3A_74, %dma_wait3A_75] : memref<2595x2x128xi32, #tpu.memory_space<hbm>> -> memref<1x2x128xi32, #tpu.memory_space<hbm>>
      %dma_wait3A_77 = tpu.memref_squeeze %dma_wait3A_76 : memref<1x2x128xi32, #tpu.memory_space<hbm>> -> memref<2x128xi32, #tpu.memory_space<hbm>>
      %dma_wait3A_78 = arith.constant 0 : i32
      %dma_wait3A_79 = arith.constant 0 : i32
      %dma_wait3A_80 = tpu.memref_slice %arg3[%add3A_16, %dma_wait3A_78, %dma_wait3A_79] : memref<2595x2x128xi32, #tpu.memory_space<hbm>> -> memref<1x2x128xi32, #tpu.memory_space<hbm>>
      %dma_wait3A_81 = tpu.memref_squeeze %dma_wait3A_80 : memref<1x2x128xi32, #tpu.memory_space<hbm>> -> memref<2x128xi32, #tpu.memory_space<hbm>>
      tpu.wait_dma2 semaphore(%run_scoped3A : memref<!tpu.dma_semaphore, #tpu.memory_space<semaphore_mem>>) src(%dma_wait3A_81 : memref<2x128xi32, #tpu.memory_space<hbm>>) dst(%arg8 : memref<2x128xi32, #tpu.memory_space<vmem>>)
      tpu.yield
    }) : () -> ()
    %dma_start3A_17 = arith.constant 0 : i32
    %dma_start3A_18 = arith.constant 0 : i32
    %dma_start3A_19 = tpu.memref_slice %arg8[%dma_start3A_17, %dma_start3A_18] : memref<2x128xi32, #tpu.memory_space<vmem>> -> memref<1x128xi32, #tpu.memory_space<vmem>>
    %dma_start3A_20 = tpu.memref_squeeze %dma_start3A_19 : memref<1x128xi32, #tpu.memory_space<vmem>> -> memref<128xi32, #tpu.memory_space<vmem>>
    %dma_start3A_21 = arith.constant 0 : i32
    %dma_start3A_22 = arith.constant 0 : i32
    %dma_start3A_23 = tpu.memref_slice %arg2[%dma_start3A_21, %dma_start3A_22] : memref<10000x128xf32, #tpu.memory_space<hbm>> -> memref<10000x128xf32, #tpu.memory_space<hbm>>
    tpu.enqueue_indirect_dma source(%dma_start3A_23 : memref<10000x128xf32, #tpu.memory_space<hbm>>) target(%arg11 : memref<128x128xf32, #tpu.memory_space<vmem>>) offsets(%dma_start3A_20 : memref<128xi32, #tpu.memory_space<vmem>>) semaphore(%arg14 : memref<!tpu.dma_semaphore, #tpu.memory_space<semaphore_mem>>)
    %add3A_24 = arith.constant 2 : i32
    %add3A_25 = arith.addi %mul3A_6, %add3A_24 : i32
    "tpu.region"() ({
      %run_scoped3A = tpu.sem_alloc : memref<!tpu.dma_semaphore, #tpu.memory_space<semaphore_mem>>
      %dma_start3A_66 = arith.constant 0 : i32
      %dma_start3A_67 = arith.constant 0 : i32
      %dma_start3A_68 = tpu.memref_slice %arg3[%add3A_25, %dma_start3A_66, %dma_start3A_67] : memref<2595x2x128xi32, #tpu.memory_space<hbm>> -> memref<1x2x128xi32, #tpu.memory_space<hbm>>
      %dma_start3A_69 = tpu.memref_squeeze %dma_start3A_68 : memref<1x2x128xi32, #tpu.memory_space<hbm>> -> memref<2x128xi32, #tpu.memory_space<hbm>>
      %dma_start3A_70 = arith.constant 0 : i32
      %dma_start3A_71 = arith.constant 0 : i32
      %dma_start3A_72 = tpu.memref_slice %arg3[%add3A_25, %dma_start3A_70, %dma_start3A_71] : memref<2595x2x128xi32, #tpu.memory_space<hbm>> -> memref<1x2x128xi32, #tpu.memory_space<hbm>>
      %dma_start3A_73 = tpu.memref_squeeze %dma_start3A_72 : memref<1x2x128xi32, #tpu.memory_space<hbm>> -> memref<2x128xi32, #tpu.memory_space<hbm>>
      tpu.enqueue_dma source(%dma_start3A_73 : memref<2x128xi32, #tpu.memory_space<hbm>>) target(%arg9 : memref<2x128xi32, #tpu.memory_space<vmem>>) target_semaphore(%run_scoped3A : memref<!tpu.dma_semaphore, #tpu.memory_space<semaphore_mem>>)
      %dma_wait3A_74 = arith.constant 0 : i32
      %dma_wait3A_75 = arith.constant 0 : i32
      %dma_wait3A_76 = tpu.memref_slice %arg3[%add3A_25, %dma_wait3A_74, %dma_wait3A_75] : memref<2595x2x128xi32, #tpu.memory_space<hbm>> -> memref<1x2x128xi32, #tpu.memory_space<hbm>>
      %dma_wait3A_77 = tpu.memref_squeeze %dma_wait3A_76 : memref<1x2x128xi32, #tpu.memory_space<hbm>> -> memref<2x128xi32, #tpu.memory_space<hbm>>
      %dma_wait3A_78 = arith.constant 0 : i32
      %dma_wait3A_79 = arith.constant 0 : i32
      %dma_wait3A_80 = tpu.memref_slice %arg3[%add3A_25, %dma_wait3A_78, %dma_wait3A_79] : memref<2595x2x128xi32, #tpu.memory_space<hbm>> -> memref<1x2x128xi32, #tpu.memory_space<hbm>>
      %dma_wait3A_81 = tpu.memref_squeeze %dma_wait3A_80 : memref<1x2x128xi32, #tpu.memory_space<hbm>> -> memref<2x128xi32, #tpu.memory_space<hbm>>
      tpu.wait_dma2 semaphore(%run_scoped3A : memref<!tpu.dma_semaphore, #tpu.memory_space<semaphore_mem>>) src(%dma_wait3A_81 : memref<2x128xi32, #tpu.memory_space<hbm>>) dst(%arg9 : memref<2x128xi32, #tpu.memory_space<vmem>>)
      tpu.yield
    }) : () -> ()
    %dma_start3A_26 = arith.constant 0 : i32
    %dma_start3A_27 = arith.constant 0 : i32
    %dma_start3A_28 = tpu.memref_slice %arg9[%dma_start3A_26, %dma_start3A_27] : memref<2x128xi32, #tpu.memory_space<vmem>> -> memref<1x128xi32, #tpu.memory_space<vmem>>
    %dma_start3A_29 = tpu.memref_squeeze %dma_start3A_28 : memref<1x128xi32, #tpu.memory_space<vmem>> -> memref<128xi32, #tpu.memory_space<vmem>>
    %dma_start3A_30 = arith.constant 0 : i32
    %dma_start3A_31 = arith.constant 0 : i32
    %dma_start3A_32 = tpu.memref_slice %arg2[%dma_start3A_30, %dma_start3A_31] : memref<10000x128xf32, #tpu.memory_space<hbm>> -> memref<10000x128xf32, #tpu.memory_space<hbm>>
    tpu.enqueue_indirect_dma source(%dma_start3A_32 : memref<10000x128xf32, #tpu.memory_space<hbm>>) target(%arg12 : memref<128x128xf32, #tpu.memory_space<vmem>>) offsets(%dma_start3A_29 : memref<128xi32, #tpu.memory_space<vmem>>) semaphore(%arg15 : memref<!tpu.dma_semaphore, #tpu.memory_space<semaphore_mem>>)
    %scan3A = arith.constant 0 : i32
    %scan3A_33 = arith.constant 0 : i32
    %scan3A_34 = arith.constant 27 : i32
    %scan3A_35 = arith.addi %scan3A_33, %scan3A_34 : i32
    %scan3A_36 = arith.constant 1 : i32
    scf.for %scan3A_66 = %scan3A_33 to %scan3A_35 step %scan3A_36  : i32 {
      %mul3A_67 = arith.constant 3 : i32
      %mul3A_68 = arith.muli %scan3A_66, %mul3A_67 : i32
      %dma_wait3A_69 = arith.constant 0 : i32
      %dma_wait3A_70 = arith.constant 0 : i32
      %dma_wait3A_71 = tpu.memref_slice %arg7[%dma_wait3A_69, %dma_wait3A_70] : memref<2x128xi32, #tpu.memory_space<vmem>> -> memref<1x128xi32, #tpu.memory_space<vmem>>
      %dma_wait3A_72 = tpu.memref_squeeze %dma_wait3A_71 : memref<1x128xi32, #tpu.memory_space<vmem>> -> memref<128xi32, #tpu.memory_space<vmem>>
      %dma_wait3A_73 = arith.constant 0 : i32
      %dma_wait3A_74 = arith.constant 0 : i32
      %dma_wait3A_75 = tpu.memref_slice %arg2[%dma_wait3A_73, %dma_wait3A_74] : memref<10000x128xf32, #tpu.memory_space<hbm>> -> memref<10000x128xf32, #tpu.memory_space<hbm>>
      tpu.wait_indirect_dma semaphore(%arg13 : memref<!tpu.dma_semaphore, #tpu.memory_space<semaphore_mem>>) src(%dma_wait3A_75 : memref<10000x128xf32, #tpu.memory_space<hbm>>) dst(%arg10 : memref<128x128xf32, #tpu.memory_space<vmem>>)
      %dma_start3A_76 = arith.constant 1 : i32
      %dma_start3A_77 = arith.constant 0 : i32
      %dma_start3A_78 = tpu.memref_slice %arg7[%dma_start3A_76, %dma_start3A_77] : memref<2x128xi32, #tpu.memory_space<vmem>> -> memref<1x128xi32, #tpu.memory_space<vmem>>
      %dma_start3A_79 = tpu.memref_squeeze %dma_start3A_78 : memref<1x128xi32, #tpu.memory_space<vmem>> -> memref<128xi32, #tpu.memory_space<vmem>>
      %dma_start3A_80 = arith.constant 0 : i32
      %dma_start3A_81 = arith.constant 0 : i32
      %dma_start3A_82 = tpu.memref_slice %arg6[%dma_start3A_80, %dma_start3A_81] : memref<10112x128xf32, #tpu.memory_space<vmem_shared>> -> memref<10112x128xf32, #tpu.memory_space<vmem_shared>>
      tpu.enqueue_indirect_dma source(%arg10 : memref<128x128xf32, #tpu.memory_space<vmem>>) target(%dma_start3A_82 : memref<10112x128xf32, #tpu.memory_space<vmem_shared>>) offsets(%dma_start3A_79 : memref<128xi32, #tpu.memory_space<vmem>>) semaphore(%arg16 : memref<!tpu.dma_semaphore, #tpu.memory_space<semaphore_mem>>) {add = true}
      %dma_wait3A_83 = arith.constant 0 : i32
      %dma_wait3A_84 = arith.constant 0 : i32
      %dma_wait3A_85 = tpu.memref_slice %arg8[%dma_wait3A_83, %dma_wait3A_84] : memref<2x128xi32, #tpu.memory_space<vmem>> -> memref<1x128xi32, #tpu.memory_space<vmem>>
      %dma_wait3A_86 = tpu.memref_squeeze %dma_wait3A_85 : memref<1x128xi32, #tpu.memory_space<vmem>> -> memref<128xi32, #tpu.memory_space<vmem>>
      %dma_wait3A_87 = arith.constant 0 : i32
      %dma_wait3A_88 = arith.constant 0 : i32
      %dma_wait3A_89 = tpu.memref_slice %arg2[%dma_wait3A_87, %dma_wait3A_88] : memref<10000x128xf32, #tpu.memory_space<hbm>> -> memref<10000x128xf32, #tpu.memory_space<hbm>>
      tpu.wait_indirect_dma semaphore(%arg14 : memref<!tpu.dma_semaphore, #tpu.memory_space<semaphore_mem>>) src(%dma_wait3A_89 : memref<10000x128xf32, #tpu.memory_space<hbm>>) dst(%arg11 : memref<128x128xf32, #tpu.memory_space<vmem>>)
      %dma_start3A_90 = arith.constant 1 : i32
      %dma_start3A_91 = arith.constant 0 : i32
      %dma_start3A_92 = tpu.memref_slice %arg8[%dma_start3A_90, %dma_start3A_91] : memref<2x128xi32, #tpu.memory_space<vmem>> -> memref<1x128xi32, #tpu.memory_space<vmem>>
      %dma_start3A_93 = tpu.memref_squeeze %dma_start3A_92 : memref<1x128xi32, #tpu.memory_space<vmem>> -> memref<128xi32, #tpu.memory_space<vmem>>
      %dma_start3A_94 = arith.constant 0 : i32
      %dma_start3A_95 = arith.constant 0 : i32
      %dma_start3A_96 = tpu.memref_slice %arg6[%dma_start3A_94, %dma_start3A_95] : memref<10112x128xf32, #tpu.memory_space<vmem_shared>> -> memref<10112x128xf32, #tpu.memory_space<vmem_shared>>
      tpu.enqueue_indirect_dma source(%arg11 : memref<128x128xf32, #tpu.memory_space<vmem>>) target(%dma_start3A_96 : memref<10112x128xf32, #tpu.memory_space<vmem_shared>>) offsets(%dma_start3A_93 : memref<128xi32, #tpu.memory_space<vmem>>) semaphore(%arg17 : memref<!tpu.dma_semaphore, #tpu.memory_space<semaphore_mem>>) {add = true}
      %dma_wait3A_97 = arith.constant 0 : i32
      %dma_wait3A_98 = arith.constant 0 : i32
      %dma_wait3A_99 = tpu.memref_slice %arg9[%dma_wait3A_97, %dma_wait3A_98] : memref<2x128xi32, #tpu.memory_space<vmem>> -> memref<1x128xi32, #tpu.memory_space<vmem>>
      %dma_wait3A_100 = tpu.memref_squeeze %dma_wait3A_99 : memref<1x128xi32, #tpu.memory_space<vmem>> -> memref<128xi32, #tpu.memory_space<vmem>>
      %dma_wait3A_101 = arith.constant 0 : i32
      %dma_wait3A_102 = arith.constant 0 : i32
      %dma_wait3A_103 = tpu.memref_slice %arg2[%dma_wait3A_101, %dma_wait3A_102] : memref<10000x128xf32, #tpu.memory_space<hbm>> -> memref<10000x128xf32, #tpu.memory_space<hbm>>
      tpu.wait_indirect_dma semaphore(%arg15 : memref<!tpu.dma_semaphore, #tpu.memory_space<semaphore_mem>>) src(%dma_wait3A_103 : memref<10000x128xf32, #tpu.memory_space<hbm>>) dst(%arg12 : memref<128x128xf32, #tpu.memory_space<vmem>>)
      %dma_start3A_104 = arith.constant 1 : i32
      %dma_start3A_105 = arith.constant 0 : i32
      %dma_start3A_106 = tpu.memref_slice %arg9[%dma_start3A_104, %dma_start3A_105] : memref<2x128xi32, #tpu.memory_space<vmem>> -> memref<1x128xi32, #tpu.memory_space<vmem>>
      %dma_start3A_107 = tpu.memref_squeeze %dma_start3A_106 : memref<1x128xi32, #tpu.memory_space<vmem>> -> memref<128xi32, #tpu.memory_space<vmem>>
      %dma_start3A_108 = arith.constant 0 : i32
      %dma_start3A_109 = arith.constant 0 : i32
      %dma_start3A_110 = tpu.memref_slice %arg6[%dma_start3A_108, %dma_start3A_109] : memref<10112x128xf32, #tpu.memory_space<vmem_shared>> -> memref<10112x128xf32, #tpu.memory_space<vmem_shared>>
      tpu.enqueue_indirect_dma source(%arg12 : memref<128x128xf32, #tpu.memory_space<vmem>>) target(%dma_start3A_110 : memref<10112x128xf32, #tpu.memory_space<vmem_shared>>) offsets(%dma_start3A_107 : memref<128xi32, #tpu.memory_space<vmem>>) semaphore(%arg18 : memref<!tpu.dma_semaphore, #tpu.memory_space<semaphore_mem>>) {add = true}
      %dma_wait3A_111 = arith.constant 1 : i32
      %dma_wait3A_112 = arith.constant 0 : i32
      %dma_wait3A_113 = tpu.memref_slice %arg7[%dma_wait3A_111, %dma_wait3A_112] : memref<2x128xi32, #tpu.memory_space<vmem>> -> memref<1x128xi32, #tpu.memory_space<vmem>>
      %dma_wait3A_114 = tpu.memref_squeeze %dma_wait3A_113 : memref<1x128xi32, #tpu.memory_space<vmem>> -> memref<128xi32, #tpu.memory_space<vmem>>
      %dma_wait3A_115 = arith.constant 0 : i32
      %dma_wait3A_116 = arith.constant 0 : i32
      %dma_wait3A_117 = tpu.memref_slice %arg6[%dma_wait3A_115, %dma_wait3A_116] : memref<10112x128xf32, #tpu.memory_space<vmem_shared>> -> memref<10112x128xf32, #tpu.memory_space<vmem_shared>>
      tpu.wait_indirect_dma semaphore(%arg16 : memref<!tpu.dma_semaphore, #tpu.memory_space<semaphore_mem>>) src(%arg10 : memref<128x128xf32, #tpu.memory_space<vmem>>) dst(%dma_wait3A_117 : memref<10112x128xf32, #tpu.memory_space<vmem_shared>>)
      %add3A_118 = arith.constant 3 : i32
      %add3A_119 = arith.addi %mul3A_68, %add3A_118 : i32
      %add3A_120 = arith.constant 0 : i32
      %add3A_121 = arith.addi %add3A_119, %add3A_120 : i32
      %add3A_122 = arith.addi %mul3A_6, %add3A_121 : i32
      "tpu.region"() ({
        %run_scoped3A = tpu.sem_alloc : memref<!tpu.dma_semaphore, #tpu.memory_space<semaphore_mem>>
        %dma_start3A_168 = arith.constant 0 : i32
        %dma_start3A_169 = arith.constant 0 : i32
        %dma_start3A_170 = tpu.memref_slice %arg3[%add3A_122, %dma_start3A_168, %dma_start3A_169] : memref<2595x2x128xi32, #tpu.memory_space<hbm>> -> memref<1x2x128xi32, #tpu.memory_space<hbm>>
        %dma_start3A_171 = tpu.memref_squeeze %dma_start3A_170 : memref<1x2x128xi32, #tpu.memory_space<hbm>> -> memref<2x128xi32, #tpu.memory_space<hbm>>
        %dma_start3A_172 = arith.constant 0 : i32
        %dma_start3A_173 = arith.constant 0 : i32
        %dma_start3A_174 = tpu.memref_slice %arg3[%add3A_122, %dma_start3A_172, %dma_start3A_173] : memref<2595x2x128xi32, #tpu.memory_space<hbm>> -> memref<1x2x128xi32, #tpu.memory_space<hbm>>
        %dma_start3A_175 = tpu.memref_squeeze %dma_start3A_174 : memref<1x2x128xi32, #tpu.memory_space<hbm>> -> memref<2x128xi32, #tpu.memory_space<hbm>>
        tpu.enqueue_dma source(%dma_start3A_175 : memref<2x128xi32, #tpu.memory_space<hbm>>) target(%arg7 : memref<2x128xi32, #tpu.memory_space<vmem>>) target_semaphore(%run_scoped3A : memref<!tpu.dma_semaphore, #tpu.memory_space<semaphore_mem>>)
        %dma_wait3A_176 = arith.constant 0 : i32
        %dma_wait3A_177 = arith.constant 0 : i32
        %dma_wait3A_178 = tpu.memref_slice %arg3[%add3A_122, %dma_wait3A_176, %dma_wait3A_177] : memref<2595x2x128xi32, #tpu.memory_space<hbm>> -> memref<1x2x128xi32, #tpu.memory_space<hbm>>
        %dma_wait3A_179 = tpu.memref_squeeze %dma_wait3A_178 : memref<1x2x128xi32, #tpu.memory_space<hbm>> -> memref<2x128xi32, #tpu.memory_space<hbm>>
        %dma_wait3A_180 = arith.constant 0 : i32
        %dma_wait3A_181 = arith.constant 0 : i32
        %dma_wait3A_182 = tpu.memref_slice %arg3[%add3A_122, %dma_wait3A_180, %dma_wait3A_181] : memref<2595x2x128xi32, #tpu.memory_space<hbm>> -> memref<1x2x128xi32, #tpu.memory_space<hbm>>
        %dma_wait3A_183 = tpu.memref_squeeze %dma_wait3A_182 : memref<1x2x128xi32, #tpu.memory_space<hbm>> -> memref<2x128xi32, #tpu.memory_space<hbm>>
        tpu.wait_dma2 semaphore(%run_scoped3A : memref<!tpu.dma_semaphore, #tpu.memory_space<semaphore_mem>>) src(%dma_wait3A_183 : memref<2x128xi32, #tpu.memory_space<hbm>>) dst(%arg7 : memref<2x128xi32, #tpu.memory_space<vmem>>)
        tpu.yield
      }) : () -> ()
      %dma_start3A_123 = arith.constant 0 : i32
      %dma_start3A_124 = arith.constant 0 : i32
      %dma_start3A_125 = tpu.memref_slice %arg7[%dma_start3A_123, %dma_start3A_124] : memref<2x128xi32, #tpu.memory_space<vmem>> -> memref<1x128xi32, #tpu.memory_space<vmem>>
      %dma_start3A_126 = tpu.memref_squeeze %dma_start3A_125 : memref<1x128xi32, #tpu.memory_space<vmem>> -> memref<128xi32, #tpu.memory_space<vmem>>
      %dma_start3A_127 = arith.constant 0 : i32
      %dma_start3A_128 = arith.constant 0 : i32
      %dma_start3A_129 = tpu.memref_slice %arg2[%dma_start3A_127, %dma_start3A_128] : memref<10000x128xf32, #tpu.memory_space<hbm>> -> memref<10000x128xf32, #tpu.memory_space<hbm>>
      tpu.enqueue_indirect_dma source(%dma_start3A_129 : memref<10000x128xf32, #tpu.memory_space<hbm>>) target(%arg10 : memref<128x128xf32, #tpu.memory_space<vmem>>) offsets(%dma_start3A_126 : memref<128xi32, #tpu.memory_space<vmem>>) semaphore(%arg13 : memref<!tpu.dma_semaphore, #tpu.memory_space<semaphore_mem>>)
      %dma_wait3A_130 = arith.constant 1 : i32
      %dma_wait3A_131 = arith.constant 0 : i32
      %dma_wait3A_132 = tpu.memref_slice %arg8[%dma_wait3A_130, %dma_wait3A_131] : memref<2x128xi32, #tpu.memory_space<vmem>> -> memref<1x128xi32, #tpu.memory_space<vmem>>
      %dma_wait3A_133 = tpu.memref_squeeze %dma_wait3A_132 : memref<1x128xi32, #tpu.memory_space<vmem>> -> memref<128xi32, #tpu.memory_space<vmem>>
      %dma_wait3A_134 = arith.constant 0 : i32
      %dma_wait3A_135 = arith.constant 0 : i32
      %dma_wait3A_136 = tpu.memref_slice %arg6[%dma_wait3A_134, %dma_wait3A_135] : memref<10112x128xf32, #tpu.memory_space<vmem_shared>> -> memref<10112x128xf32, #tpu.memory_space<vmem_shared>>
      tpu.wait_indirect_dma semaphore(%arg17 : memref<!tpu.dma_semaphore, #tpu.memory_space<semaphore_mem>>) src(%arg11 : memref<128x128xf32, #tpu.memory_space<vmem>>) dst(%dma_wait3A_136 : memref<10112x128xf32, #tpu.memory_space<vmem_shared>>)
      %add3A_137 = arith.constant 3 : i32
      %add3A_138 = arith.addi %mul3A_68, %add3A_137 : i32
      %add3A_139 = arith.constant 1 : i32
      %add3A_140 = arith.addi %add3A_138, %add3A_139 : i32
      %add3A_141 = arith.addi %mul3A_6, %add3A_140 : i32
      "tpu.region"() ({
        %run_scoped3A = tpu.sem_alloc : memref<!tpu.dma_semaphore, #tpu.memory_space<semaphore_mem>>
        %dma_start3A_168 = arith.constant 0 : i32
        %dma_start3A_169 = arith.constant 0 : i32
        %dma_start3A_170 = tpu.memref_slice %arg3[%add3A_141, %dma_start3A_168, %dma_start3A_169] : memref<2595x2x128xi32, #tpu.memory_space<hbm>> -> memref<1x2x128xi32, #tpu.memory_space<hbm>>
        %dma_start3A_171 = tpu.memref_squeeze %dma_start3A_170 : memref<1x2x128xi32, #tpu.memory_space<hbm>> -> memref<2x128xi32, #tpu.memory_space<hbm>>
        %dma_start3A_172 = arith.constant 0 : i32
        %dma_start3A_173 = arith.constant 0 : i32
        %dma_start3A_174 = tpu.memref_slice %arg3[%add3A_141, %dma_start3A_172, %dma_start3A_173] : memref<2595x2x128xi32, #tpu.memory_space<hbm>> -> memref<1x2x128xi32, #tpu.memory_space<hbm>>
        %dma_start3A_175 = tpu.memref_squeeze %dma_start3A_174 : memref<1x2x128xi32, #tpu.memory_space<hbm>> -> memref<2x128xi32, #tpu.memory_space<hbm>>
        tpu.enqueue_dma source(%dma_start3A_175 : memref<2x128xi32, #tpu.memory_space<hbm>>) target(%arg8 : memref<2x128xi32, #tpu.memory_space<vmem>>) target_semaphore(%run_scoped3A : memref<!tpu.dma_semaphore, #tpu.memory_space<semaphore_mem>>)
        %dma_wait3A_176 = arith.constant 0 : i32
        %dma_wait3A_177 = arith.constant 0 : i32
        %dma_wait3A_178 = tpu.memref_slice %arg3[%add3A_141, %dma_wait3A_176, %dma_wait3A_177] : memref<2595x2x128xi32, #tpu.memory_space<hbm>> -> memref<1x2x128xi32, #tpu.memory_space<hbm>>
        %dma_wait3A_179 = tpu.memref_squeeze %dma_wait3A_178 : memref<1x2x128xi32, #tpu.memory_space<hbm>> -> memref<2x128xi32, #tpu.memory_space<hbm>>
        %dma_wait3A_180 = arith.constant 0 : i32
        %dma_wait3A_181 = arith.constant 0 : i32
        %dma_wait3A_182 = tpu.memref_slice %arg3[%add3A_141, %dma_wait3A_180, %dma_wait3A_181] : memref<2595x2x128xi32, #tpu.memory_space<hbm>> -> memref<1x2x128xi32, #tpu.memory_space<hbm>>
        %dma_wait3A_183 = tpu.memref_squeeze %dma_wait3A_182 : memref<1x2x128xi32, #tpu.memory_space<hbm>> -> memref<2x128xi32, #tpu.memory_space<hbm>>
        tpu.wait_dma2 semaphore(%run_scoped3A : memref<!tpu.dma_semaphore, #tpu.memory_space<semaphore_mem>>) src(%dma_wait3A_183 : memref<2x128xi32, #tpu.memory_space<hbm>>) dst(%arg8 : memref<2x128xi32, #tpu.memory_space<vmem>>)
        tpu.yield
      }) : () -> ()
      %dma_start3A_142 = arith.constant 0 : i32
      %dma_start3A_143 = arith.constant 0 : i32
      %dma_start3A_144 = tpu.memref_slice %arg8[%dma_start3A_142, %dma_start3A_143] : memref<2x128xi32, #tpu.memory_space<vmem>> -> memref<1x128xi32, #tpu.memory_space<vmem>>
      %dma_start3A_145 = tpu.memref_squeeze %dma_start3A_144 : memref<1x128xi32, #tpu.memory_space<vmem>> -> memref<128xi32, #tpu.memory_space<vmem>>
      %dma_start3A_146 = arith.constant 0 : i32
      %dma_start3A_147 = arith.constant 0 : i32
      %dma_start3A_148 = tpu.memref_slice %arg2[%dma_start3A_146, %dma_start3A_147] : memref<10000x128xf32, #tpu.memory_space<hbm>> -> memref<10000x128xf32, #tpu.memory_space<hbm>>
      tpu.enqueue_indirect_dma source(%dma_start3A_148 : memref<10000x128xf32, #tpu.memory_space<hbm>>) target(%arg11 : memref<128x128xf32, #tpu.memory_space<vmem>>) offsets(%dma_start3A_145 : memref<128xi32, #tpu.memory_space<vmem>>) semaphore(%arg14 : memref<!tpu.dma_semaphore, #tpu.memory_space<semaphore_mem>>)
      %dma_wait3A_149 = arith.constant 1 : i32
      %dma_wait3A_150 = arith.constant 0 : i32
      %dma_wait3A_151 = tpu.memref_slice %arg9[%dma_wait3A_149, %dma_wait3A_150] : memref<2x128xi32, #tpu.memory_space<vmem>> -> memref<1x128xi32, #tpu.memory_space<vmem>>
      %dma_wait3A_152 = tpu.memref_squeeze %dma_wait3A_151 : memref<1x128xi32, #tpu.memory_space<vmem>> -> memref<128xi32, #tpu.memory_space<vmem>>
      %dma_wait3A_153 = arith.constant 0 : i32
      %dma_wait3A_154 = arith.constant 0 : i32
      %dma_wait3A_155 = tpu.memref_slice %arg6[%dma_wait3A_153, %dma_wait3A_154] : memref<10112x128xf32, #tpu.memory_space<vmem_shared>> -> memref<10112x128xf32, #tpu.memory_space<vmem_shared>>
      tpu.wait_indirect_dma semaphore(%arg18 : memref<!tpu.dma_semaphore, #tpu.memory_space<semaphore_mem>>) src(%arg12 : memref<128x128xf32, #tpu.memory_space<vmem>>) dst(%dma_wait3A_155 : memref<10112x128xf32, #tpu.memory_space<vmem_shared>>)
      %add3A_156 = arith.constant 3 : i32
      %add3A_157 = arith.addi %mul3A_68, %add3A_156 : i32
      %add3A_158 = arith.constant 2 : i32
      %add3A_159 = arith.addi %add3A_157, %add3A_158 : i32
      %add3A_160 = arith.addi %mul3A_6, %add3A_159 : i32
      "tpu.region"() ({
        %run_scoped3A = tpu.sem_alloc : memref<!tpu.dma_semaphore, #tpu.memory_space<semaphore_mem>>
        %dma_start3A_168 = arith.constant 0 : i32
        %dma_start3A_169 = arith.constant 0 : i32
        %dma_start3A_170 = tpu.memref_slice %arg3[%add3A_160, %dma_start3A_168, %dma_start3A_169] : memref<2595x2x128xi32, #tpu.memory_space<hbm>> -> memref<1x2x128xi32, #tpu.memory_space<hbm>>
        %dma_start3A_171 = tpu.memref_squeeze %dma_start3A_170 : memref<1x2x128xi32, #tpu.memory_space<hbm>> -> memref<2x128xi32, #tpu.memory_space<hbm>>
        %dma_start3A_172 = arith.constant 0 : i32
        %dma_start3A_173 = arith.constant 0 : i32
        %dma_start3A_174 = tpu.memref_slice %arg3[%add3A_160, %dma_start3A_172, %dma_start3A_173] : memref<2595x2x128xi32, #tpu.memory_space<hbm>> -> memref<1x2x128xi32, #tpu.memory_space<hbm>>
        %dma_start3A_175 = tpu.memref_squeeze %dma_start3A_174 : memref<1x2x128xi32, #tpu.memory_space<hbm>> -> memref<2x128xi32, #tpu.memory_space<hbm>>
        tpu.enqueue_dma source(%dma_start3A_175 : memref<2x128xi32, #tpu.memory_space<hbm>>) target(%arg9 : memref<2x128xi32, #tpu.memory_space<vmem>>) target_semaphore(%run_scoped3A : memref<!tpu.dma_semaphore, #tpu.memory_space<semaphore_mem>>)
        %dma_wait3A_176 = arith.constant 0 : i32
        %dma_wait3A_177 = arith.constant 0 : i32
        %dma_wait3A_178 = tpu.memref_slice %arg3[%add3A_160, %dma_wait3A_176, %dma_wait3A_177] : memref<2595x2x128xi32, #tpu.memory_space<hbm>> -> memref<1x2x128xi32, #tpu.memory_space<hbm>>
        %dma_wait3A_179 = tpu.memref_squeeze %dma_wait3A_178 : memref<1x2x128xi32, #tpu.memory_space<hbm>> -> memref<2x128xi32, #tpu.memory_space<hbm>>
        %dma_wait3A_180 = arith.constant 0 : i32
        %dma_wait3A_181 = arith.constant 0 : i32
        %dma_wait3A_182 = tpu.memref_slice %arg3[%add3A_160, %dma_wait3A_180, %dma_wait3A_181] : memref<2595x2x128xi32, #tpu.memory_space<hbm>> -> memref<1x2x128xi32, #tpu.memory_space<hbm>>
        %dma_wait3A_183 = tpu.memref_squeeze %dma_wait3A_182 : memref<1x2x128xi32, #tpu.memory_space<hbm>> -> memref<2x128xi32, #tpu.memory_space<hbm>>
        tpu.wait_dma2 semaphore(%run_scoped3A : memref<!tpu.dma_semaphore, #tpu.memory_space<semaphore_mem>>) src(%dma_wait3A_183 : memref<2x128xi32, #tpu.memory_space<hbm>>) dst(%arg9 : memref<2x128xi32, #tpu.memory_space<vmem>>)
        tpu.yield
      }) : () -> ()
      %dma_start3A_161 = arith.constant 0 : i32
      %dma_start3A_162 = arith.constant 0 : i32
      %dma_start3A_163 = tpu.memref_slice %arg9[%dma_start3A_161, %dma_start3A_162] : memref<2x128xi32, #tpu.memory_space<vmem>> -> memref<1x128xi32, #tpu.memory_space<vmem>>
      %dma_start3A_164 = tpu.memref_squeeze %dma_start3A_163 : memref<1x128xi32, #tpu.memory_space<vmem>> -> memref<128xi32, #tpu.memory_space<vmem>>
      %dma_start3A_165 = arith.constant 0 : i32
      %dma_start3A_166 = arith.constant 0 : i32
      %dma_start3A_167 = tpu.memref_slice %arg2[%dma_start3A_165, %dma_start3A_166] : memref<10000x128xf32, #tpu.memory_space<hbm>> -> memref<10000x128xf32, #tpu.memory_space<hbm>>
      tpu.enqueue_indirect_dma source(%dma_start3A_167 : memref<10000x128xf32, #tpu.memory_space<hbm>>) target(%arg12 : memref<128x128xf32, #tpu.memory_space<vmem>>) offsets(%dma_start3A_164 : memref<128xi32, #tpu.memory_space<vmem>>) semaphore(%arg15 : memref<!tpu.dma_semaphore, #tpu.memory_space<semaphore_mem>>)
    }
    %scan3A_37 = arith.constant 27 : i32
    %dma_wait3A = arith.constant 0 : i32
    %dma_wait3A_38 = arith.constant 0 : i32
    %dma_wait3A_39 = tpu.memref_slice %arg7[%dma_wait3A, %dma_wait3A_38] : memref<2x128xi32, #tpu.memory_space<vmem>> -> memref<1x128xi32, #tpu.memory_space<vmem>>
    %dma_wait3A_40 = tpu.memref_squeeze %dma_wait3A_39 : memref<1x128xi32, #tpu.memory_space<vmem>> -> memref<128xi32, #tpu.memory_space<vmem>>
    %dma_wait3A_41 = arith.constant 0 : i32
    %dma_wait3A_42 = arith.constant 0 : i32
    %dma_wait3A_43 = tpu.memref_slice %arg2[%dma_wait3A_41, %dma_wait3A_42] : memref<10000x128xf32, #tpu.memory_space<hbm>> -> memref<10000x128xf32, #tpu.memory_space<hbm>>
    tpu.wait_indirect_dma semaphore(%arg13 : memref<!tpu.dma_semaphore, #tpu.memory_space<semaphore_mem>>) src(%dma_wait3A_43 : memref<10000x128xf32, #tpu.memory_space<hbm>>) dst(%arg10 : memref<128x128xf32, #tpu.memory_space<vmem>>)
    %dma_wait3A_44 = arith.constant 0 : i32
    %dma_wait3A_45 = arith.constant 0 : i32
    %dma_wait3A_46 = tpu.memref_slice %arg8[%dma_wait3A_44, %dma_wait3A_45] : memref<2x128xi32, #tpu.memory_space<vmem>> -> memref<1x128xi32, #tpu.memory_space<vmem>>
    %dma_wait3A_47 = tpu.memref_squeeze %dma_wait3A_46 : memref<1x128xi32, #tpu.memory_space<vmem>> -> memref<128xi32, #tpu.memory_space<vmem>>
    %dma_wait3A_48 = arith.constant 0 : i32
    %dma_wait3A_49 = arith.constant 0 : i32
    %dma_wait3A_50 = tpu.memref_slice %arg2[%dma_wait3A_48, %dma_wait3A_49] : memref<10000x128xf32, #tpu.memory_space<hbm>> -> memref<10000x128xf32, #tpu.memory_space<hbm>>
    tpu.wait_indirect_dma semaphore(%arg14 : memref<!tpu.dma_semaphore, #tpu.memory_space<semaphore_mem>>) src(%dma_wait3A_50 : memref<10000x128xf32, #tpu.memory_space<hbm>>) dst(%arg11 : memref<128x128xf32, #tpu.memory_space<vmem>>)
    %dma_wait3A_51 = arith.constant 0 : i32
    %dma_wait3A_52 = arith.constant 0 : i32
    %dma_wait3A_53 = tpu.memref_slice %arg9[%dma_wait3A_51, %dma_wait3A_52] : memref<2x128xi32, #tpu.memory_space<vmem>> -> memref<1x128xi32, #tpu.memory_space<vmem>>
    %dma_wait3A_54 = tpu.memref_squeeze %dma_wait3A_53 : memref<1x128xi32, #tpu.memory_space<vmem>> -> memref<128xi32, #tpu.memory_space<vmem>>
    %dma_wait3A_55 = arith.constant 0 : i32
    %dma_wait3A_56 = arith.constant 0 : i32
    %dma_wait3A_57 = tpu.memref_slice %arg2[%dma_wait3A_55, %dma_wait3A_56] : memref<10000x128xf32, #tpu.memory_space<hbm>> -> memref<10000x128xf32, #tpu.memory_space<hbm>>
    tpu.wait_indirect_dma semaphore(%arg15 : memref<!tpu.dma_semaphore, #tpu.memory_space<semaphore_mem>>) src(%dma_wait3A_57 : memref<10000x128xf32, #tpu.memory_space<hbm>>) dst(%arg12 : memref<128x128xf32, #tpu.memory_space<vmem>>)
    %barrier3A_58 = arith.constant 0 : index
    tpu.barrier barrier_id(%barrier3A_58)
    %mul3A_59 = arith.constant 632 : i32
    %mul3A_60 = arith.muli %arg1, %mul3A_59 : i32
    %mul3A_61 = arith.constant 10112 : i32
    %mul3A_62 = arith.muli %arg0, %mul3A_61 : i32
    %mul3A_63 = arith.constant 632 : i32
    %mul3A_64 = arith.muli %arg1, %mul3A_63 : i32
    %add3A_65 = arith.addi %mul3A_62, %mul3A_64 : i32
    "tpu.region"() ({
      %run_scoped3A = tpu.sem_alloc : memref<!tpu.dma_semaphore, #tpu.memory_space<semaphore_mem>>
      %dma_start3A_66 = arith.constant 0 : i32
      %dma_start3A_67 = tpu.memref_slice %arg5[%add3A_65, %dma_start3A_66] : memref<20224x128xf32, #tpu.memory_space<hbm>> -> memref<632x128xf32, #tpu.memory_space<hbm>>
      %dma_start3A_68 = arith.constant 0 : i32
      %dma_start3A_69 = tpu.memref_slice %arg6[%mul3A_60, %dma_start3A_68] : memref<10112x128xf32, #tpu.memory_space<vmem_shared>> -> memref<632x128xf32, #tpu.memory_space<vmem_shared>>
      tpu.enqueue_dma source(%dma_start3A_69 : memref<632x128xf32, #tpu.memory_space<vmem_shared>>) target(%dma_start3A_67 : memref<632x128xf32, #tpu.memory_space<hbm>>) target_semaphore(%run_scoped3A : memref<!tpu.dma_semaphore, #tpu.memory_space<semaphore_mem>>)
      %dma_wait3A_70 = arith.constant 0 : i32
      %dma_wait3A_71 = tpu.memref_slice %arg5[%add3A_65, %dma_wait3A_70] : memref<20224x128xf32, #tpu.memory_space<hbm>> -> memref<632x128xf32, #tpu.memory_space<hbm>>
      %dma_wait3A_72 = arith.constant 0 : i32
      %dma_wait3A_73 = tpu.memref_slice %arg6[%mul3A_60, %dma_wait3A_72] : memref<10112x128xf32, #tpu.memory_space<vmem_shared>> -> memref<632x128xf32, #tpu.memory_space<vmem_shared>>
      tpu.wait_dma2 semaphore(%run_scoped3A : memref<!tpu.dma_semaphore, #tpu.memory_space<semaphore_mem>>) src(%dma_wait3A_73 : memref<632x128xf32, #tpu.memory_space<vmem_shared>>) dst(%dma_wait3A_71 : memref<632x128xf32, #tpu.memory_space<hbm>>)
      tpu.yield
    }) : () -> ()
    return
  }
}

#map = affine_map<(d0, d1) -> (0, 0)>
#map1 = affine_map<(d0, d1) -> (0, 0, 0)>
module attributes {stable_mosaic.version = 14 : i64} {
  func.func @sc_scatter(%arg0: i32, %arg1: i32, %arg2: memref<10000x128xf32, #tpu.memory_space<hbm>>, %arg3: memref<2595x2x128xi32, #tpu.memory_space<hbm>>, %arg4: memref<10112x128xf32, #tpu.memory_space<hbm>>, %arg5: memref<20224x128xf32, #tpu.memory_space<hbm>>, %arg6: memref<10112x128xf32, #tpu.memory_space<vmem_shared>>, %arg7: memref<2x128xi32, #tpu.memory_space<vmem>>, %arg8: memref<2x128xi32, #tpu.memory_space<vmem>>, %arg9: memref<2x128xi32, #tpu.memory_space<vmem>>, %arg10: memref<128x128xf32, #tpu.memory_space<vmem>>, %arg11: memref<128x128xf32, #tpu.memory_space<vmem>>, %arg12: memref<128x128xf32, #tpu.memory_space<vmem>>, %arg13: memref<!tpu.dma_semaphore, #tpu.memory_space<semaphore_mem>>, %arg14: memref<!tpu.dma_semaphore, #tpu.memory_space<semaphore_mem>>, %arg15: memref<!tpu.dma_semaphore, #tpu.memory_space<semaphore_mem>>, %arg16: memref<!tpu.dma_semaphore, #tpu.memory_space<semaphore_mem>>, %arg17: memref<!tpu.dma_semaphore, #tpu.memory_space<semaphore_mem>>, %arg18: memref<!tpu.dma_semaphore, #tpu.memory_space<semaphore_mem>>) attributes {dimension_semantics = [#tpu.dimension_semantics<core_parallel>, #tpu.dimension_semantics<subcore_parallel>], iteration_bounds = array<i64: 2, 16>, scalar_prefetch = 0 : i64, scratch_operands = 13 : i64, tpu.core_type = #tpu.core_type<sc_vector_subcore>, window_params = [{transform_indices = #map}, {transform_indices = #map1}, {transform_indices = #map}, {transform_indices = #map}]} {
    %mul3A = arith.constant 16 : i32
    %mul3A_0 = arith.muli %arg0, %mul3A : i32
    %add3A = arith.addi %mul3A_0, %arg1 : i32
    %mul3A_1 = arith.constant 632 : i32
    %mul3A_2 = arith.muli %arg1, %mul3A_1 : i32
    %mul3A_3 = arith.constant 632 : i32
    %mul3A_4 = arith.muli %arg1, %mul3A_3 : i32
    "tpu.region"() ({
      %run_scoped3A = tpu.sem_alloc : memref<!tpu.dma_semaphore, #tpu.memory_space<semaphore_mem>>
      %dma_start3A_66 = arith.constant 0 : i32
      %dma_start3A_67 = tpu.memref_slice %arg6[%mul3A_4, %dma_start3A_66] : memref<10112x128xf32, #tpu.memory_space<vmem_shared>> -> memref<632x128xf32, #tpu.memory_space<vmem_shared>>
      %dma_start3A_68 = arith.constant 0 : i32
      %dma_start3A_69 = tpu.memref_slice %arg4[%mul3A_2, %dma_start3A_68] : memref<10112x128xf32, #tpu.memory_space<hbm>> -> memref<632x128xf32, #tpu.memory_space<hbm>>
      tpu.enqueue_dma source(%dma_start3A_69 : memref<632x128xf32, #tpu.memory_space<hbm>>) target(%dma_start3A_67 : memref<632x128xf32, #tpu.memory_space<vmem_shared>>) target_semaphore(%run_scoped3A : memref<!tpu.dma_semaphore, #tpu.memory_space<semaphore_mem>>)
      %dma_wait3A_70 = arith.constant 0 : i32
      %dma_wait3A_71 = tpu.memref_slice %arg6[%mul3A_4, %dma_wait3A_70] : memref<10112x128xf32, #tpu.memory_space<vmem_shared>> -> memref<632x128xf32, #tpu.memory_space<vmem_shared>>
      %dma_wait3A_72 = arith.constant 0 : i32
      %dma_wait3A_73 = tpu.memref_slice %arg4[%mul3A_2, %dma_wait3A_72] : memref<10112x128xf32, #tpu.memory_space<hbm>> -> memref<632x128xf32, #tpu.memory_space<hbm>>
      tpu.wait_dma2 semaphore(%run_scoped3A : memref<!tpu.dma_semaphore, #tpu.memory_space<semaphore_mem>>) src(%dma_wait3A_73 : memref<632x128xf32, #tpu.memory_space<hbm>>) dst(%dma_wait3A_71 : memref<632x128xf32, #tpu.memory_space<vmem_shared>>)
      tpu.yield
    }) : () -> ()
    %barrier3A = arith.constant 0 : index
    tpu.barrier barrier_id(%barrier3A)
    %mul3A_5 = arith.constant 81 : i32
    %mul3A_6 = arith.muli %add3A, %mul3A_5 : i32
    %add3A_7 = arith.constant 0 : i32
    %add3A_8 = arith.addi %mul3A_6, %add3A_7 : i32
    "tpu.region"() ({
      %run_scoped3A = tpu.sem_alloc : memref<!tpu.dma_semaphore, #tpu.memory_space<semaphore_mem>>
      %dma_start3A_66 = arith.constant 0 : i32
      %dma_start3A_67 = arith.constant 0 : i32
      %dma_start3A_68 = tpu.memref_slice %arg3[%add3A_8, %dma_start3A_66, %dma_start3A_67] : memref<2595x2x128xi32, #tpu.memory_space<hbm>> -> memref<1x2x128xi32, #tpu.memory_space<hbm>>
      %dma_start3A_69 = tpu.memref_squeeze %dma_start3A_68 : memref<1x2x128xi32, #tpu.memory_space<hbm>> -> memref<2x128xi32, #tpu.memory_space<hbm>>
      %dma_start3A_70 = arith.constant 0 : i32
      %dma_start3A_71 = arith.constant 0 : i32
      %dma_start3A_72 = tpu.memref_slice %arg3[%add3A_8, %dma_start3A_70, %dma_start3A_71] : memref<2595x2x128xi32, #tpu.memory_space<hbm>> -> memref<1x2x128xi32, #tpu.memory_space<hbm>>
      %dma_start3A_73 = tpu.memref_squeeze %dma_start3A_72 : memref<1x2x128xi32, #tpu.memory_space<hbm>> -> memref<2x128xi32, #tpu.memory_space<hbm>>
      tpu.enqueue_dma source(%dma_start3A_73 : memref<2x128xi32, #tpu.memory_space<hbm>>) target(%arg7 : memref<2x128xi32, #tpu.memory_space<vmem>>) target_semaphore(%run_scoped3A : memref<!tpu.dma_semaphore, #tpu.memory_space<semaphore_mem>>)
      %dma_wait3A_74 = arith.constant 0 : i32
      %dma_wait3A_75 = arith.constant 0 : i32
      %dma_wait3A_76 = tpu.memref_slice %arg3[%add3A_8, %dma_wait3A_74, %dma_wait3A_75] : memref<2595x2x128xi32, #tpu.memory_space<hbm>> -> memref<1x2x128xi32, #tpu.memory_space<hbm>>
      %dma_wait3A_77 = tpu.memref_squeeze %dma_wait3A_76 : memref<1x2x128xi32, #tpu.memory_space<hbm>> -> memref<2x128xi32, #tpu.memory_space<hbm>>
      %dma_wait3A_78 = arith.constant 0 : i32
      %dma_wait3A_79 = arith.constant 0 : i32
      %dma_wait3A_80 = tpu.memref_slice %arg3[%add3A_8, %dma_wait3A_78, %dma_wait3A_79] : memref<2595x2x128xi32, #tpu.memory_space<hbm>> -> memref<1x2x128xi32, #tpu.memory_space<hbm>>
      %dma_wait3A_81 = tpu.memref_squeeze %dma_wait3A_80 : memref<1x2x128xi32, #tpu.memory_space<hbm>> -> memref<2x128xi32, #tpu.memory_space<hbm>>
      tpu.wait_dma2 semaphore(%run_scoped3A : memref<!tpu.dma_semaphore, #tpu.memory_space<semaphore_mem>>) src(%dma_wait3A_81 : memref<2x128xi32, #tpu.memory_space<hbm>>) dst(%arg7 : memref<2x128xi32, #tpu.memory_space<vmem>>)
      tpu.yield
    }) : () -> ()
    %dma_start3A = arith.constant 0 : i32
    %dma_start3A_9 = arith.constant 0 : i32
    %dma_start3A_10 = tpu.memref_slice %arg7[%dma_start3A, %dma_start3A_9] : memref<2x128xi32, #tpu.memory_space<vmem>> -> memref<1x128xi32, #tpu.memory_space<vmem>>
    %dma_start3A_11 = tpu.memref_squeeze %dma_start3A_10 : memref<1x128xi32, #tpu.memory_space<vmem>> -> memref<128xi32, #tpu.memory_space<vmem>>
    %dma_start3A_12 = arith.constant 0 : i32
    %dma_start3A_13 = arith.constant 0 : i32
    %dma_start3A_14 = tpu.memref_slice %arg2[%dma_start3A_12, %dma_start3A_13] : memref<10000x128xf32, #tpu.memory_space<hbm>> -> memref<10000x128xf32, #tpu.memory_space<hbm>>
    tpu.enqueue_indirect_dma source(%dma_start3A_14 : memref<10000x128xf32, #tpu.memory_space<hbm>>) target(%arg10 : memref<128x128xf32, #tpu.memory_space<vmem>>) offsets(%dma_start3A_11 : memref<128xi32, #tpu.memory_space<vmem>>) semaphore(%arg13 : memref<!tpu.dma_semaphore, #tpu.memory_space<semaphore_mem>>)
    %add3A_15 = arith.constant 1 : i32
    %add3A_16 = arith.addi %mul3A_6, %add3A_15 : i32
    "tpu.region"() ({
      %run_scoped3A = tpu.sem_alloc : memref<!tpu.dma_semaphore, #tpu.memory_space<semaphore_mem>>
      %dma_start3A_66 = arith.constant 0 : i32
      %dma_start3A_67 = arith.constant 0 : i32
      %dma_start3A_68 = tpu.memref_slice %arg3[%add3A_16, %dma_start3A_66, %dma_start3A_67] : memref<2595x2x128xi32, #tpu.memory_space<hbm>> -> memref<1x2x128xi32, #tpu.memory_space<hbm>>
      %dma_start3A_69 = tpu.memref_squeeze %dma_start3A_68 : memref<1x2x128xi32, #tpu.memory_space<hbm>> -> memref<2x128xi32, #tpu.memory_space<hbm>>
      %dma_start3A_70 = arith.constant 0 : i32
      %dma_start3A_71 = arith.constant 0 : i32
      %dma_start3A_72 = tpu.memref_slice %arg3[%add3A_16, %dma_start3A_70, %dma_start3A_71] : memref<2595x2x128xi32, #tpu.memory_space<hbm>> -> memref<1x2x128xi32, #tpu.memory_space<hbm>>
      %dma_start3A_73 = tpu.memref_squeeze %dma_start3A_72 : memref<1x2x128xi32, #tpu.memory_space<hbm>> -> memref<2x128xi32, #tpu.memory_space<hbm>>
      tpu.enqueue_dma source(%dma_start3A_73 : memref<2x128xi32, #tpu.memory_space<hbm>>) target(%arg8 : memref<2x128xi32, #tpu.memory_space<vmem>>) target_semaphore(%run_scoped3A : memref<!tpu.dma_semaphore, #tpu.memory_space<semaphore_mem>>)
      %dma_wait3A_74 = arith.constant 0 : i32
      %dma_wait3A_75 = arith.constant 0 : i32
      %dma_wait3A_76 = tpu.memref_slice %arg3[%add3A_16, %dma_wait3A_74, %dma_wait3A_75] : memref<2595x2x128xi32, #tpu.memory_space<hbm>> -> memref<1x2x128xi32, #tpu.memory_space<hbm>>
      %dma_wait3A_77 = tpu.memref_squeeze %dma_wait3A_76 : memref<1x2x128xi32, #tpu.memory_space<hbm>> -> memref<2x128xi32, #tpu.memory_space<hbm>>
      %dma_wait3A_78 = arith.constant 0 : i32
      %dma_wait3A_79 = arith.constant 0 : i32
      %dma_wait3A_80 = tpu.memref_slice %arg3[%add3A_16, %dma_wait3A_78, %dma_wait3A_79] : memref<2595x2x128xi32, #tpu.memory_space<hbm>> -> memref<1x2x128xi32, #tpu.memory_space<hbm>>
      %dma_wait3A_81 = tpu.memref_squeeze %dma_wait3A_80 : memref<1x2x128xi32, #tpu.memory_space<hbm>> -> memref<2x128xi32, #tpu.memory_space<hbm>>
      tpu.wait_dma2 semaphore(%run_scoped3A : memref<!tpu.dma_semaphore, #tpu.memory_space<semaphore_mem>>) src(%dma_wait3A_81 : memref<2x128xi32, #tpu.memory_space<hbm>>) dst(%arg8 : memref<2x128xi32, #tpu.memory_space<vmem>>)
      tpu.yield
    }) : () -> ()
    %dma_start3A_17 = arith.constant 0 : i32
    %dma_start3A_18 = arith.constant 0 : i32
    %dma_start3A_19 = tpu.memref_slice %arg8[%dma_start3A_17, %dma_start3A_18] : memref<2x128xi32, #tpu.memory_space<vmem>> -> memref<1x128xi32, #tpu.memory_space<vmem>>
    %dma_start3A_20 = tpu.memref_squeeze %dma_start3A_19 : memref<1x128xi32, #tpu.memory_space<vmem>> -> memref<128xi32, #tpu.memory_space<vmem>>
    %dma_start3A_21 = arith.constant 0 : i32
    %dma_start3A_22 = arith.constant 0 : i32
    %dma_start3A_23 = tpu.memref_slice %arg2[%dma_start3A_21, %dma_start3A_22] : memref<10000x128xf32, #tpu.memory_space<hbm>> -> memref<10000x128xf32, #tpu.memory_space<hbm>>
    tpu.enqueue_indirect_dma source(%dma_start3A_23 : memref<10000x128xf32, #tpu.memory_space<hbm>>) target(%arg11 : memref<128x128xf32, #tpu.memory_space<vmem>>) offsets(%dma_start3A_20 : memref<128xi32, #tpu.memory_space<vmem>>) semaphore(%arg14 : memref<!tpu.dma_semaphore, #tpu.memory_space<semaphore_mem>>)
    %add3A_24 = arith.constant 2 : i32
    %add3A_25 = arith.addi %mul3A_6, %add3A_24 : i32
    "tpu.region"() ({
      %run_scoped3A = tpu.sem_alloc : memref<!tpu.dma_semaphore, #tpu.memory_space<semaphore_mem>>
      %dma_start3A_66 = arith.constant 0 : i32
      %dma_start3A_67 = arith.constant 0 : i32
      %dma_start3A_68 = tpu.memref_slice %arg3[%add3A_25, %dma_start3A_66, %dma_start3A_67] : memref<2595x2x128xi32, #tpu.memory_space<hbm>> -> memref<1x2x128xi32, #tpu.memory_space<hbm>>
      %dma_start3A_69 = tpu.memref_squeeze %dma_start3A_68 : memref<1x2x128xi32, #tpu.memory_space<hbm>> -> memref<2x128xi32, #tpu.memory_space<hbm>>
      %dma_start3A_70 = arith.constant 0 : i32
      %dma_start3A_71 = arith.constant 0 : i32
      %dma_start3A_72 = tpu.memref_slice %arg3[%add3A_25, %dma_start3A_70, %dma_start3A_71] : memref<2595x2x128xi32, #tpu.memory_space<hbm>> -> memref<1x2x128xi32, #tpu.memory_space<hbm>>
      %dma_start3A_73 = tpu.memref_squeeze %dma_start3A_72 : memref<1x2x128xi32, #tpu.memory_space<hbm>> -> memref<2x128xi32, #tpu.memory_space<hbm>>
      tpu.enqueue_dma source(%dma_start3A_73 : memref<2x128xi32, #tpu.memory_space<hbm>>) target(%arg9 : memref<2x128xi32, #tpu.memory_space<vmem>>) target_semaphore(%run_scoped3A : memref<!tpu.dma_semaphore, #tpu.memory_space<semaphore_mem>>)
      %dma_wait3A_74 = arith.constant 0 : i32
      %dma_wait3A_75 = arith.constant 0 : i32
      %dma_wait3A_76 = tpu.memref_slice %arg3[%add3A_25, %dma_wait3A_74, %dma_wait3A_75] : memref<2595x2x128xi32, #tpu.memory_space<hbm>> -> memref<1x2x128xi32, #tpu.memory_space<hbm>>
      %dma_wait3A_77 = tpu.memref_squeeze %dma_wait3A_76 : memref<1x2x128xi32, #tpu.memory_space<hbm>> -> memref<2x128xi32, #tpu.memory_space<hbm>>
      %dma_wait3A_78 = arith.constant 0 : i32
      %dma_wait3A_79 = arith.constant 0 : i32
      %dma_wait3A_80 = tpu.memref_slice %arg3[%add3A_25, %dma_wait3A_78, %dma_wait3A_79] : memref<2595x2x128xi32, #tpu.memory_space<hbm>> -> memref<1x2x128xi32, #tpu.memory_space<hbm>>
      %dma_wait3A_81 = tpu.memref_squeeze %dma_wait3A_80 : memref<1x2x128xi32, #tpu.memory_space<hbm>> -> memref<2x128xi32, #tpu.memory_space<hbm>>
      tpu.wait_dma2 semaphore(%run_scoped3A : memref<!tpu.dma_semaphore, #tpu.memory_space<semaphore_mem>>) src(%dma_wait3A_81 : memref<2x128xi32, #tpu.memory_space<hbm>>) dst(%arg9 : memref<2x128xi32, #tpu.memory_space<vmem>>)
      tpu.yield
    }) : () -> ()
    %dma_start3A_26 = arith.constant 0 : i32
    %dma_start3A_27 = arith.constant 0 : i32
    %dma_start3A_28 = tpu.memref_slice %arg9[%dma_start3A_26, %dma_start3A_27] : memref<2x128xi32, #tpu.memory_space<vmem>> -> memref<1x128xi32, #tpu.memory_space<vmem>>
    %dma_start3A_29 = tpu.memref_squeeze %dma_start3A_28 : memref<1x128xi32, #tpu.memory_space<vmem>> -> memref<128xi32, #tpu.memory_space<vmem>>
    %dma_start3A_30 = arith.constant 0 : i32
    %dma_start3A_31 = arith.constant 0 : i32
    %dma_start3A_32 = tpu.memref_slice %arg2[%dma_start3A_30, %dma_start3A_31] : memref<10000x128xf32, #tpu.memory_space<hbm>> -> memref<10000x128xf32, #tpu.memory_space<hbm>>
    tpu.enqueue_indirect_dma source(%dma_start3A_32 : memref<10000x128xf32, #tpu.memory_space<hbm>>) target(%arg12 : memref<128x128xf32, #tpu.memory_space<vmem>>) offsets(%dma_start3A_29 : memref<128xi32, #tpu.memory_space<vmem>>) semaphore(%arg15 : memref<!tpu.dma_semaphore, #tpu.memory_space<semaphore_mem>>)
    %scan3A = arith.constant 0 : i32
    %scan3A_33 = arith.constant 0 : i32
    %scan3A_34 = arith.constant 27 : i32
    %scan3A_35 = arith.addi %scan3A_33, %scan3A_34 : i32
    %scan3A_36 = arith.constant 1 : i32
    scf.for %scan3A_66 = %scan3A_33 to %scan3A_35 step %scan3A_36  : i32 {
      %mul3A_67 = arith.constant 3 : i32
      %mul3A_68 = arith.muli %scan3A_66, %mul3A_67 : i32
      %dma_wait3A_69 = arith.constant 0 : i32
      %dma_wait3A_70 = arith.constant 0 : i32
      %dma_wait3A_71 = tpu.memref_slice %arg7[%dma_wait3A_69, %dma_wait3A_70] : memref<2x128xi32, #tpu.memory_space<vmem>> -> memref<1x128xi32, #tpu.memory_space<vmem>>
      %dma_wait3A_72 = tpu.memref_squeeze %dma_wait3A_71 : memref<1x128xi32, #tpu.memory_space<vmem>> -> memref<128xi32, #tpu.memory_space<vmem>>
      %dma_wait3A_73 = arith.constant 0 : i32
      %dma_wait3A_74 = arith.constant 0 : i32
      %dma_wait3A_75 = tpu.memref_slice %arg2[%dma_wait3A_73, %dma_wait3A_74] : memref<10000x128xf32, #tpu.memory_space<hbm>> -> memref<10000x128xf32, #tpu.memory_space<hbm>>
      tpu.wait_indirect_dma semaphore(%arg13 : memref<!tpu.dma_semaphore, #tpu.memory_space<semaphore_mem>>) src(%dma_wait3A_75 : memref<10000x128xf32, #tpu.memory_space<hbm>>) dst(%arg10 : memref<128x128xf32, #tpu.memory_space<vmem>>)
      %dma_start3A_76 = arith.constant 1 : i32
      %dma_start3A_77 = arith.constant 0 : i32
      %dma_start3A_78 = tpu.memref_slice %arg7[%dma_start3A_76, %dma_start3A_77] : memref<2x128xi32, #tpu.memory_space<vmem>> -> memref<1x128xi32, #tpu.memory_space<vmem>>
      %dma_start3A_79 = tpu.memref_squeeze %dma_start3A_78 : memref<1x128xi32, #tpu.memory_space<vmem>> -> memref<128xi32, #tpu.memory_space<vmem>>
      %dma_start3A_80 = arith.constant 0 : i32
      %dma_start3A_81 = arith.constant 0 : i32
      %dma_start3A_82 = tpu.memref_slice %arg6[%dma_start3A_80, %dma_start3A_81] : memref<10112x128xf32, #tpu.memory_space<vmem_shared>> -> memref<10112x128xf32, #tpu.memory_space<vmem_shared>>
      tpu.enqueue_indirect_dma source(%arg10 : memref<128x128xf32, #tpu.memory_space<vmem>>) target(%dma_start3A_82 : memref<10112x128xf32, #tpu.memory_space<vmem_shared>>) offsets(%dma_start3A_79 : memref<128xi32, #tpu.memory_space<vmem>>) semaphore(%arg16 : memref<!tpu.dma_semaphore, #tpu.memory_space<semaphore_mem>>) {add = true}
      %dma_wait3A_83 = arith.constant 0 : i32
      %dma_wait3A_84 = arith.constant 0 : i32
      %dma_wait3A_85 = tpu.memref_slice %arg8[%dma_wait3A_83, %dma_wait3A_84] : memref<2x128xi32, #tpu.memory_space<vmem>> -> memref<1x128xi32, #tpu.memory_space<vmem>>
      %dma_wait3A_86 = tpu.memref_squeeze %dma_wait3A_85 : memref<1x128xi32, #tpu.memory_space<vmem>> -> memref<128xi32, #tpu.memory_space<vmem>>
      %dma_wait3A_87 = arith.constant 0 : i32
      %dma_wait3A_88 = arith.constant 0 : i32
      %dma_wait3A_89 = tpu.memref_slice %arg2[%dma_wait3A_87, %dma_wait3A_88] : memref<10000x128xf32, #tpu.memory_space<hbm>> -> memref<10000x128xf32, #tpu.memory_space<hbm>>
      tpu.wait_indirect_dma semaphore(%arg14 : memref<!tpu.dma_semaphore, #tpu.memory_space<semaphore_mem>>) src(%dma_wait3A_89 : memref<10000x128xf32, #tpu.memory_space<hbm>>) dst(%arg11 : memref<128x128xf32, #tpu.memory_space<vmem>>)
      %dma_start3A_90 = arith.constant 1 : i32
      %dma_start3A_91 = arith.constant 0 : i32
      %dma_start3A_92 = tpu.memref_slice %arg8[%dma_start3A_90, %dma_start3A_91] : memref<2x128xi32, #tpu.memory_space<vmem>> -> memref<1x128xi32, #tpu.memory_space<vmem>>
      %dma_start3A_93 = tpu.memref_squeeze %dma_start3A_92 : memref<1x128xi32, #tpu.memory_space<vmem>> -> memref<128xi32, #tpu.memory_space<vmem>>
      %dma_start3A_94 = arith.constant 0 : i32
      %dma_start3A_95 = arith.constant 0 : i32
      %dma_start3A_96 = tpu.memref_slice %arg6[%dma_start3A_94, %dma_start3A_95] : memref<10112x128xf32, #tpu.memory_space<vmem_shared>> -> memref<10112x128xf32, #tpu.memory_space<vmem_shared>>
      tpu.enqueue_indirect_dma source(%arg11 : memref<128x128xf32, #tpu.memory_space<vmem>>) target(%dma_start3A_96 : memref<10112x128xf32, #tpu.memory_space<vmem_shared>>) offsets(%dma_start3A_93 : memref<128xi32, #tpu.memory_space<vmem>>) semaphore(%arg17 : memref<!tpu.dma_semaphore, #tpu.memory_space<semaphore_mem>>) {add = true}
      %dma_wait3A_97 = arith.constant 0 : i32
      %dma_wait3A_98 = arith.constant 0 : i32
      %dma_wait3A_99 = tpu.memref_slice %arg9[%dma_wait3A_97, %dma_wait3A_98] : memref<2x128xi32, #tpu.memory_space<vmem>> -> memref<1x128xi32, #tpu.memory_space<vmem>>
      %dma_wait3A_100 = tpu.memref_squeeze %dma_wait3A_99 : memref<1x128xi32, #tpu.memory_space<vmem>> -> memref<128xi32, #tpu.memory_space<vmem>>
      %dma_wait3A_101 = arith.constant 0 : i32
      %dma_wait3A_102 = arith.constant 0 : i32
      %dma_wait3A_103 = tpu.memref_slice %arg2[%dma_wait3A_101, %dma_wait3A_102] : memref<10000x128xf32, #tpu.memory_space<hbm>> -> memref<10000x128xf32, #tpu.memory_space<hbm>>
      tpu.wait_indirect_dma semaphore(%arg15 : memref<!tpu.dma_semaphore, #tpu.memory_space<semaphore_mem>>) src(%dma_wait3A_103 : memref<10000x128xf32, #tpu.memory_space<hbm>>) dst(%arg12 : memref<128x128xf32, #tpu.memory_space<vmem>>)
      %dma_start3A_104 = arith.constant 1 : i32
      %dma_start3A_105 = arith.constant 0 : i32
      %dma_start3A_106 = tpu.memref_slice %arg9[%dma_start3A_104, %dma_start3A_105] : memref<2x128xi32, #tpu.memory_space<vmem>> -> memref<1x128xi32, #tpu.memory_space<vmem>>
      %dma_start3A_107 = tpu.memref_squeeze %dma_start3A_106 : memref<1x128xi32, #tpu.memory_space<vmem>> -> memref<128xi32, #tpu.memory_space<vmem>>
      %dma_start3A_108 = arith.constant 0 : i32
      %dma_start3A_109 = arith.constant 0 : i32
      %dma_start3A_110 = tpu.memref_slice %arg6[%dma_start3A_108, %dma_start3A_109] : memref<10112x128xf32, #tpu.memory_space<vmem_shared>> -> memref<10112x128xf32, #tpu.memory_space<vmem_shared>>
      tpu.enqueue_indirect_dma source(%arg12 : memref<128x128xf32, #tpu.memory_space<vmem>>) target(%dma_start3A_110 : memref<10112x128xf32, #tpu.memory_space<vmem_shared>>) offsets(%dma_start3A_107 : memref<128xi32, #tpu.memory_space<vmem>>) semaphore(%arg18 : memref<!tpu.dma_semaphore, #tpu.memory_space<semaphore_mem>>) {add = true}
      %dma_wait3A_111 = arith.constant 1 : i32
      %dma_wait3A_112 = arith.constant 0 : i32
      %dma_wait3A_113 = tpu.memref_slice %arg7[%dma_wait3A_111, %dma_wait3A_112] : memref<2x128xi32, #tpu.memory_space<vmem>> -> memref<1x128xi32, #tpu.memory_space<vmem>>
      %dma_wait3A_114 = tpu.memref_squeeze %dma_wait3A_113 : memref<1x128xi32, #tpu.memory_space<vmem>> -> memref<128xi32, #tpu.memory_space<vmem>>
      %dma_wait3A_115 = arith.constant 0 : i32
      %dma_wait3A_116 = arith.constant 0 : i32
      %dma_wait3A_117 = tpu.memref_slice %arg6[%dma_wait3A_115, %dma_wait3A_116] : memref<10112x128xf32, #tpu.memory_space<vmem_shared>> -> memref<10112x128xf32, #tpu.memory_space<vmem_shared>>
      tpu.wait_indirect_dma semaphore(%arg16 : memref<!tpu.dma_semaphore, #tpu.memory_space<semaphore_mem>>) src(%arg10 : memref<128x128xf32, #tpu.memory_space<vmem>>) dst(%dma_wait3A_117 : memref<10112x128xf32, #tpu.memory_space<vmem_shared>>)
      %add3A_118 = arith.constant 3 : i32
      %add3A_119 = arith.addi %mul3A_68, %add3A_118 : i32
      %add3A_120 = arith.constant 0 : i32
      %add3A_121 = arith.addi %add3A_119, %add3A_120 : i32
      %add3A_122 = arith.addi %mul3A_6, %add3A_121 : i32
      "tpu.region"() ({
        %run_scoped3A = tpu.sem_alloc : memref<!tpu.dma_semaphore, #tpu.memory_space<semaphore_mem>>
        %dma_start3A_168 = arith.constant 0 : i32
        %dma_start3A_169 = arith.constant 0 : i32
        %dma_start3A_170 = tpu.memref_slice %arg3[%add3A_122, %dma_start3A_168, %dma_start3A_169] : memref<2595x2x128xi32, #tpu.memory_space<hbm>> -> memref<1x2x128xi32, #tpu.memory_space<hbm>>
        %dma_start3A_171 = tpu.memref_squeeze %dma_start3A_170 : memref<1x2x128xi32, #tpu.memory_space<hbm>> -> memref<2x128xi32, #tpu.memory_space<hbm>>
        %dma_start3A_172 = arith.constant 0 : i32
        %dma_start3A_173 = arith.constant 0 : i32
        %dma_start3A_174 = tpu.memref_slice %arg3[%add3A_122, %dma_start3A_172, %dma_start3A_173] : memref<2595x2x128xi32, #tpu.memory_space<hbm>> -> memref<1x2x128xi32, #tpu.memory_space<hbm>>
        %dma_start3A_175 = tpu.memref_squeeze %dma_start3A_174 : memref<1x2x128xi32, #tpu.memory_space<hbm>> -> memref<2x128xi32, #tpu.memory_space<hbm>>
        tpu.enqueue_dma source(%dma_start3A_175 : memref<2x128xi32, #tpu.memory_space<hbm>>) target(%arg7 : memref<2x128xi32, #tpu.memory_space<vmem>>) target_semaphore(%run_scoped3A : memref<!tpu.dma_semaphore, #tpu.memory_space<semaphore_mem>>)
        %dma_wait3A_176 = arith.constant 0 : i32
        %dma_wait3A_177 = arith.constant 0 : i32
        %dma_wait3A_178 = tpu.memref_slice %arg3[%add3A_122, %dma_wait3A_176, %dma_wait3A_177] : memref<2595x2x128xi32, #tpu.memory_space<hbm>> -> memref<1x2x128xi32, #tpu.memory_space<hbm>>
        %dma_wait3A_179 = tpu.memref_squeeze %dma_wait3A_178 : memref<1x2x128xi32, #tpu.memory_space<hbm>> -> memref<2x128xi32, #tpu.memory_space<hbm>>
        %dma_wait3A_180 = arith.constant 0 : i32
        %dma_wait3A_181 = arith.constant 0 : i32
        %dma_wait3A_182 = tpu.memref_slice %arg3[%add3A_122, %dma_wait3A_180, %dma_wait3A_181] : memref<2595x2x128xi32, #tpu.memory_space<hbm>> -> memref<1x2x128xi32, #tpu.memory_space<hbm>>
        %dma_wait3A_183 = tpu.memref_squeeze %dma_wait3A_182 : memref<1x2x128xi32, #tpu.memory_space<hbm>> -> memref<2x128xi32, #tpu.memory_space<hbm>>
        tpu.wait_dma2 semaphore(%run_scoped3A : memref<!tpu.dma_semaphore, #tpu.memory_space<semaphore_mem>>) src(%dma_wait3A_183 : memref<2x128xi32, #tpu.memory_space<hbm>>) dst(%arg7 : memref<2x128xi32, #tpu.memory_space<vmem>>)
        tpu.yield
      }) : () -> ()
      %dma_start3A_123 = arith.constant 0 : i32
      %dma_start3A_124 = arith.constant 0 : i32
      %dma_start3A_125 = tpu.memref_slice %arg7[%dma_start3A_123, %dma_start3A_124] : memref<2x128xi32, #tpu.memory_space<vmem>> -> memref<1x128xi32, #tpu.memory_space<vmem>>
      %dma_start3A_126 = tpu.memref_squeeze %dma_start3A_125 : memref<1x128xi32, #tpu.memory_space<vmem>> -> memref<128xi32, #tpu.memory_space<vmem>>
      %dma_start3A_127 = arith.constant 0 : i32
      %dma_start3A_128 = arith.constant 0 : i32
      %dma_start3A_129 = tpu.memref_slice %arg2[%dma_start3A_127, %dma_start3A_128] : memref<10000x128xf32, #tpu.memory_space<hbm>> -> memref<10000x128xf32, #tpu.memory_space<hbm>>
      tpu.enqueue_indirect_dma source(%dma_start3A_129 : memref<10000x128xf32, #tpu.memory_space<hbm>>) target(%arg10 : memref<128x128xf32, #tpu.memory_space<vmem>>) offsets(%dma_start3A_126 : memref<128xi32, #tpu.memory_space<vmem>>) semaphore(%arg13 : memref<!tpu.dma_semaphore, #tpu.memory_space<semaphore_mem>>)
      %dma_wait3A_130 = arith.constant 1 : i32
      %dma_wait3A_131 = arith.constant 0 : i32
      %dma_wait3A_132 = tpu.memref_slice %arg8[%dma_wait3A_130, %dma_wait3A_131] : memref<2x128xi32, #tpu.memory_space<vmem>> -> memref<1x128xi32, #tpu.memory_space<vmem>>
      %dma_wait3A_133 = tpu.memref_squeeze %dma_wait3A_132 : memref<1x128xi32, #tpu.memory_space<vmem>> -> memref<128xi32, #tpu.memory_space<vmem>>
      %dma_wait3A_134 = arith.constant 0 : i32
      %dma_wait3A_135 = arith.constant 0 : i32
      %dma_wait3A_136 = tpu.memref_slice %arg6[%dma_wait3A_134, %dma_wait3A_135] : memref<10112x128xf32, #tpu.memory_space<vmem_shared>> -> memref<10112x128xf32, #tpu.memory_space<vmem_shared>>
      tpu.wait_indirect_dma semaphore(%arg17 : memref<!tpu.dma_semaphore, #tpu.memory_space<semaphore_mem>>) src(%arg11 : memref<128x128xf32, #tpu.memory_space<vmem>>) dst(%dma_wait3A_136 : memref<10112x128xf32, #tpu.memory_space<vmem_shared>>)
      %add3A_137 = arith.constant 3 : i32
      %add3A_138 = arith.addi %mul3A_68, %add3A_137 : i32
      %add3A_139 = arith.constant 1 : i32
      %add3A_140 = arith.addi %add3A_138, %add3A_139 : i32
      %add3A_141 = arith.addi %mul3A_6, %add3A_140 : i32
      "tpu.region"() ({
        %run_scoped3A = tpu.sem_alloc : memref<!tpu.dma_semaphore, #tpu.memory_space<semaphore_mem>>
        %dma_start3A_168 = arith.constant 0 : i32
        %dma_start3A_169 = arith.constant 0 : i32
        %dma_start3A_170 = tpu.memref_slice %arg3[%add3A_141, %dma_start3A_168, %dma_start3A_169] : memref<2595x2x128xi32, #tpu.memory_space<hbm>> -> memref<1x2x128xi32, #tpu.memory_space<hbm>>
        %dma_start3A_171 = tpu.memref_squeeze %dma_start3A_170 : memref<1x2x128xi32, #tpu.memory_space<hbm>> -> memref<2x128xi32, #tpu.memory_space<hbm>>
        %dma_start3A_172 = arith.constant 0 : i32
        %dma_start3A_173 = arith.constant 0 : i32
        %dma_start3A_174 = tpu.memref_slice %arg3[%add3A_141, %dma_start3A_172, %dma_start3A_173] : memref<2595x2x128xi32, #tpu.memory_space<hbm>> -> memref<1x2x128xi32, #tpu.memory_space<hbm>>
        %dma_start3A_175 = tpu.memref_squeeze %dma_start3A_174 : memref<1x2x128xi32, #tpu.memory_space<hbm>> -> memref<2x128xi32, #tpu.memory_space<hbm>>
        tpu.enqueue_dma source(%dma_start3A_175 : memref<2x128xi32, #tpu.memory_space<hbm>>) target(%arg8 : memref<2x128xi32, #tpu.memory_space<vmem>>) target_semaphore(%run_scoped3A : memref<!tpu.dma_semaphore, #tpu.memory_space<semaphore_mem>>)
        %dma_wait3A_176 = arith.constant 0 : i32
        %dma_wait3A_177 = arith.constant 0 : i32
        %dma_wait3A_178 = tpu.memref_slice %arg3[%add3A_141, %dma_wait3A_176, %dma_wait3A_177] : memref<2595x2x128xi32, #tpu.memory_space<hbm>> -> memref<1x2x128xi32, #tpu.memory_space<hbm>>
        %dma_wait3A_179 = tpu.memref_squeeze %dma_wait3A_178 : memref<1x2x128xi32, #tpu.memory_space<hbm>> -> memref<2x128xi32, #tpu.memory_space<hbm>>
        %dma_wait3A_180 = arith.constant 0 : i32
        %dma_wait3A_181 = arith.constant 0 : i32
        %dma_wait3A_182 = tpu.memref_slice %arg3[%add3A_141, %dma_wait3A_180, %dma_wait3A_181] : memref<2595x2x128xi32, #tpu.memory_space<hbm>> -> memref<1x2x128xi32, #tpu.memory_space<hbm>>
        %dma_wait3A_183 = tpu.memref_squeeze %dma_wait3A_182 : memref<1x2x128xi32, #tpu.memory_space<hbm>> -> memref<2x128xi32, #tpu.memory_space<hbm>>
        tpu.wait_dma2 semaphore(%run_scoped3A : memref<!tpu.dma_semaphore, #tpu.memory_space<semaphore_mem>>) src(%dma_wait3A_183 : memref<2x128xi32, #tpu.memory_space<hbm>>) dst(%arg8 : memref<2x128xi32, #tpu.memory_space<vmem>>)
        tpu.yield
      }) : () -> ()
      %dma_start3A_142 = arith.constant 0 : i32
      %dma_start3A_143 = arith.constant 0 : i32
      %dma_start3A_144 = tpu.memref_slice %arg8[%dma_start3A_142, %dma_start3A_143] : memref<2x128xi32, #tpu.memory_space<vmem>> -> memref<1x128xi32, #tpu.memory_space<vmem>>
      %dma_start3A_145 = tpu.memref_squeeze %dma_start3A_144 : memref<1x128xi32, #tpu.memory_space<vmem>> -> memref<128xi32, #tpu.memory_space<vmem>>
      %dma_start3A_146 = arith.constant 0 : i32
      %dma_start3A_147 = arith.constant 0 : i32
      %dma_start3A_148 = tpu.memref_slice %arg2[%dma_start3A_146, %dma_start3A_147] : memref<10000x128xf32, #tpu.memory_space<hbm>> -> memref<10000x128xf32, #tpu.memory_space<hbm>>
      tpu.enqueue_indirect_dma source(%dma_start3A_148 : memref<10000x128xf32, #tpu.memory_space<hbm>>) target(%arg11 : memref<128x128xf32, #tpu.memory_space<vmem>>) offsets(%dma_start3A_145 : memref<128xi32, #tpu.memory_space<vmem>>) semaphore(%arg14 : memref<!tpu.dma_semaphore, #tpu.memory_space<semaphore_mem>>)
      %dma_wait3A_149 = arith.constant 1 : i32
      %dma_wait3A_150 = arith.constant 0 : i32
      %dma_wait3A_151 = tpu.memref_slice %arg9[%dma_wait3A_149, %dma_wait3A_150] : memref<2x128xi32, #tpu.memory_space<vmem>> -> memref<1x128xi32, #tpu.memory_space<vmem>>
      %dma_wait3A_152 = tpu.memref_squeeze %dma_wait3A_151 : memref<1x128xi32, #tpu.memory_space<vmem>> -> memref<128xi32, #tpu.memory_space<vmem>>
      %dma_wait3A_153 = arith.constant 0 : i32
      %dma_wait3A_154 = arith.constant 0 : i32
      %dma_wait3A_155 = tpu.memref_slice %arg6[%dma_wait3A_153, %dma_wait3A_154] : memref<10112x128xf32, #tpu.memory_space<vmem_shared>> -> memref<10112x128xf32, #tpu.memory_space<vmem_shared>>
      tpu.wait_indirect_dma semaphore(%arg18 : memref<!tpu.dma_semaphore, #tpu.memory_space<semaphore_mem>>) src(%arg12 : memref<128x128xf32, #tpu.memory_space<vmem>>) dst(%dma_wait3A_155 : memref<10112x128xf32, #tpu.memory_space<vmem_shared>>)
      %add3A_156 = arith.constant 3 : i32
      %add3A_157 = arith.addi %mul3A_68, %add3A_156 : i32
      %add3A_158 = arith.constant 2 : i32
      %add3A_159 = arith.addi %add3A_157, %add3A_158 : i32
      %add3A_160 = arith.addi %mul3A_6, %add3A_159 : i32
      "tpu.region"() ({
        %run_scoped3A = tpu.sem_alloc : memref<!tpu.dma_semaphore, #tpu.memory_space<semaphore_mem>>
        %dma_start3A_168 = arith.constant 0 : i32
        %dma_start3A_169 = arith.constant 0 : i32
        %dma_start3A_170 = tpu.memref_slice %arg3[%add3A_160, %dma_start3A_168, %dma_start3A_169] : memref<2595x2x128xi32, #tpu.memory_space<hbm>> -> memref<1x2x128xi32, #tpu.memory_space<hbm>>
        %dma_start3A_171 = tpu.memref_squeeze %dma_start3A_170 : memref<1x2x128xi32, #tpu.memory_space<hbm>> -> memref<2x128xi32, #tpu.memory_space<hbm>>
        %dma_start3A_172 = arith.constant 0 : i32
        %dma_start3A_173 = arith.constant 0 : i32
        %dma_start3A_174 = tpu.memref_slice %arg3[%add3A_160, %dma_start3A_172, %dma_start3A_173] : memref<2595x2x128xi32, #tpu.memory_space<hbm>> -> memref<1x2x128xi32, #tpu.memory_space<hbm>>
        %dma_start3A_175 = tpu.memref_squeeze %dma_start3A_174 : memref<1x2x128xi32, #tpu.memory_space<hbm>> -> memref<2x128xi32, #tpu.memory_space<hbm>>
        tpu.enqueue_dma source(%dma_start3A_175 : memref<2x128xi32, #tpu.memory_space<hbm>>) target(%arg9 : memref<2x128xi32, #tpu.memory_space<vmem>>) target_semaphore(%run_scoped3A : memref<!tpu.dma_semaphore, #tpu.memory_space<semaphore_mem>>)
        %dma_wait3A_176 = arith.constant 0 : i32
        %dma_wait3A_177 = arith.constant 0 : i32
        %dma_wait3A_178 = tpu.memref_slice %arg3[%add3A_160, %dma_wait3A_176, %dma_wait3A_177] : memref<2595x2x128xi32, #tpu.memory_space<hbm>> -> memref<1x2x128xi32, #tpu.memory_space<hbm>>
        %dma_wait3A_179 = tpu.memref_squeeze %dma_wait3A_178 : memref<1x2x128xi32, #tpu.memory_space<hbm>> -> memref<2x128xi32, #tpu.memory_space<hbm>>
        %dma_wait3A_180 = arith.constant 0 : i32
        %dma_wait3A_181 = arith.constant 0 : i32
        %dma_wait3A_182 = tpu.memref_slice %arg3[%add3A_160, %dma_wait3A_180, %dma_wait3A_181] : memref<2595x2x128xi32, #tpu.memory_space<hbm>> -> memref<1x2x128xi32, #tpu.memory_space<hbm>>
        %dma_wait3A_183 = tpu.memref_squeeze %dma_wait3A_182 : memref<1x2x128xi32, #tpu.memory_space<hbm>> -> memref<2x128xi32, #tpu.memory_space<hbm>>
        tpu.wait_dma2 semaphore(%run_scoped3A : memref<!tpu.dma_semaphore, #tpu.memory_space<semaphore_mem>>) src(%dma_wait3A_183 : memref<2x128xi32, #tpu.memory_space<hbm>>) dst(%arg9 : memref<2x128xi32, #tpu.memory_space<vmem>>)
        tpu.yield
      }) : () -> ()
      %dma_start3A_161 = arith.constant 0 : i32
      %dma_start3A_162 = arith.constant 0 : i32
      %dma_start3A_163 = tpu.memref_slice %arg9[%dma_start3A_161, %dma_start3A_162] : memref<2x128xi32, #tpu.memory_space<vmem>> -> memref<1x128xi32, #tpu.memory_space<vmem>>
      %dma_start3A_164 = tpu.memref_squeeze %dma_start3A_163 : memref<1x128xi32, #tpu.memory_space<vmem>> -> memref<128xi32, #tpu.memory_space<vmem>>
      %dma_start3A_165 = arith.constant 0 : i32
      %dma_start3A_166 = arith.constant 0 : i32
      %dma_start3A_167 = tpu.memref_slice %arg2[%dma_start3A_165, %dma_start3A_166] : memref<10000x128xf32, #tpu.memory_space<hbm>> -> memref<10000x128xf32, #tpu.memory_space<hbm>>
      tpu.enqueue_indirect_dma source(%dma_start3A_167 : memref<10000x128xf32, #tpu.memory_space<hbm>>) target(%arg12 : memref<128x128xf32, #tpu.memory_space<vmem>>) offsets(%dma_start3A_164 : memref<128xi32, #tpu.memory_space<vmem>>) semaphore(%arg15 : memref<!tpu.dma_semaphore, #tpu.memory_space<semaphore_mem>>)
    }
    %scan3A_37 = arith.constant 27 : i32
    %dma_wait3A = arith.constant 0 : i32
    %dma_wait3A_38 = arith.constant 0 : i32
    %dma_wait3A_39 = tpu.memref_slice %arg7[%dma_wait3A, %dma_wait3A_38] : memref<2x128xi32, #tpu.memory_space<vmem>> -> memref<1x128xi32, #tpu.memory_space<vmem>>
    %dma_wait3A_40 = tpu.memref_squeeze %dma_wait3A_39 : memref<1x128xi32, #tpu.memory_space<vmem>> -> memref<128xi32, #tpu.memory_space<vmem>>
    %dma_wait3A_41 = arith.constant 0 : i32
    %dma_wait3A_42 = arith.constant 0 : i32
    %dma_wait3A_43 = tpu.memref_slice %arg2[%dma_wait3A_41, %dma_wait3A_42] : memref<10000x128xf32, #tpu.memory_space<hbm>> -> memref<10000x128xf32, #tpu.memory_space<hbm>>
    tpu.wait_indirect_dma semaphore(%arg13 : memref<!tpu.dma_semaphore, #tpu.memory_space<semaphore_mem>>) src(%dma_wait3A_43 : memref<10000x128xf32, #tpu.memory_space<hbm>>) dst(%arg10 : memref<128x128xf32, #tpu.memory_space<vmem>>)
    %dma_wait3A_44 = arith.constant 0 : i32
    %dma_wait3A_45 = arith.constant 0 : i32
    %dma_wait3A_46 = tpu.memref_slice %arg8[%dma_wait3A_44, %dma_wait3A_45] : memref<2x128xi32, #tpu.memory_space<vmem>> -> memref<1x128xi32, #tpu.memory_space<vmem>>
    %dma_wait3A_47 = tpu.memref_squeeze %dma_wait3A_46 : memref<1x128xi32, #tpu.memory_space<vmem>> -> memref<128xi32, #tpu.memory_space<vmem>>
    %dma_wait3A_48 = arith.constant 0 : i32
    %dma_wait3A_49 = arith.constant 0 : i32
    %dma_wait3A_50 = tpu.memref_slice %arg2[%dma_wait3A_48, %dma_wait3A_49] : memref<10000x128xf32, #tpu.memory_space<hbm>> -> memref<10000x128xf32, #tpu.memory_space<hbm>>
    tpu.wait_indirect_dma semaphore(%arg14 : memref<!tpu.dma_semaphore, #tpu.memory_space<semaphore_mem>>) src(%dma_wait3A_50 : memref<10000x128xf32, #tpu.memory_space<hbm>>) dst(%arg11 : memref<128x128xf32, #tpu.memory_space<vmem>>)
    %dma_wait3A_51 = arith.constant 0 : i32
    %dma_wait3A_52 = arith.constant 0 : i32
    %dma_wait3A_53 = tpu.memref_slice %arg9[%dma_wait3A_51, %dma_wait3A_52] : memref<2x128xi32, #tpu.memory_space<vmem>> -> memref<1x128xi32, #tpu.memory_space<vmem>>
    %dma_wait3A_54 = tpu.memref_squeeze %dma_wait3A_53 : memref<1x128xi32, #tpu.memory_space<vmem>> -> memref<128xi32, #tpu.memory_space<vmem>>
    %dma_wait3A_55 = arith.constant 0 : i32
    %dma_wait3A_56 = arith.constant 0 : i32
    %dma_wait3A_57 = tpu.memref_slice %arg2[%dma_wait3A_55, %dma_wait3A_56] : memref<10000x128xf32, #tpu.memory_space<hbm>> -> memref<10000x128xf32, #tpu.memory_space<hbm>>
    tpu.wait_indirect_dma semaphore(%arg15 : memref<!tpu.dma_semaphore, #tpu.memory_space<semaphore_mem>>) src(%dma_wait3A_57 : memref<10000x128xf32, #tpu.memory_space<hbm>>) dst(%arg12 : memref<128x128xf32, #tpu.memory_space<vmem>>)
    %barrier3A_58 = arith.constant 0 : index
    tpu.barrier barrier_id(%barrier3A_58)
    %mul3A_59 = arith.constant 632 : i32
    %mul3A_60 = arith.muli %arg1, %mul3A_59 : i32
    %mul3A_61 = arith.constant 10112 : i32
    %mul3A_62 = arith.muli %arg0, %mul3A_61 : i32
    %mul3A_63 = arith.constant 632 : i32
    %mul3A_64 = arith.muli %arg1, %mul3A_63 : i32
    %add3A_65 = arith.addi %mul3A_62, %mul3A_64 : i32
    "tpu.region"() ({
      %run_scoped3A = tpu.sem_alloc : memref<!tpu.dma_semaphore, #tpu.memory_space<semaphore_mem>>
      %dma_start3A_66 = arith.constant 0 : i32
      %dma_start3A_67 = tpu.memref_slice %arg5[%add3A_65, %dma_start3A_66] : memref<20224x128xf32, #tpu.memory_space<hbm>> -> memref<632x128xf32, #tpu.memory_space<hbm>>
      %dma_start3A_68 = arith.constant 0 : i32
      %dma_start3A_69 = tpu.memref_slice %arg6[%mul3A_60, %dma_start3A_68] : memref<10112x128xf32, #tpu.memory_space<vmem_shared>> -> memref<632x128xf32, #tpu.memory_space<vmem_shared>>
      tpu.enqueue_dma source(%dma_start3A_69 : memref<632x128xf32, #tpu.memory_space<vmem_shared>>) target(%dma_start3A_67 : memref<632x128xf32, #tpu.memory_space<hbm>>) target_semaphore(%run_scoped3A : memref<!tpu.dma_semaphore, #tpu.memory_space<semaphore_mem>>)
      %dma_wait3A_70 = arith.constant 0 : i32
      %dma_wait3A_71 = tpu.memref_slice %arg5[%add3A_65, %dma_wait3A_70] : memref<20224x128xf32, #tpu.memory_space<hbm>> -> memref<632x128xf32, #tpu.memory_space<hbm>>
      %dma_wait3A_72 = arith.constant 0 : i32
      %dma_wait3A_73 = tpu.memref_slice %arg6[%mul3A_60, %dma_wait3A_72] : memref<10112x128xf32, #tpu.memory_space<vmem_shared>> -> memref<632x128xf32, #tpu.memory_space<vmem_shared>>
      tpu.wait_dma2 semaphore(%run_scoped3A : memref<!tpu.dma_semaphore, #tpu.memory_space<semaphore_mem>>) src(%dma_wait3A_73 : memref<632x128xf32, #tpu.memory_space<vmem_shared>>) dst(%dma_wait3A_71 : memref<632x128xf32, #tpu.memory_space<hbm>>)
      tpu.yield
    }) : () -> ()
    return
  }
}

#map = affine_map<(d0, d1) -> (0, 0)>
#map1 = affine_map<(d0, d1) -> (0, 0, 0)>
module attributes {stable_mosaic.version = 14 : i64} {
  func.func @sc_scatter(%arg0: i32, %arg1: i32, %arg2: memref<10000x128xf32, #tpu.memory_space<hbm>>, %arg3: memref<2595x2x128xi32, #tpu.memory_space<hbm>>, %arg4: memref<10112x128xf32, #tpu.memory_space<hbm>>, %arg5: memref<20224x128xf32, #tpu.memory_space<hbm>>, %arg6: memref<10112x128xf32, #tpu.memory_space<vmem_shared>>, %arg7: memref<2x128xi32, #tpu.memory_space<vmem>>, %arg8: memref<2x128xi32, #tpu.memory_space<vmem>>, %arg9: memref<2x128xi32, #tpu.memory_space<vmem>>, %arg10: memref<128x128xf32, #tpu.memory_space<vmem>>, %arg11: memref<128x128xf32, #tpu.memory_space<vmem>>, %arg12: memref<128x128xf32, #tpu.memory_space<vmem>>, %arg13: memref<!tpu.dma_semaphore, #tpu.memory_space<semaphore_mem>>, %arg14: memref<!tpu.dma_semaphore, #tpu.memory_space<semaphore_mem>>, %arg15: memref<!tpu.dma_semaphore, #tpu.memory_space<semaphore_mem>>, %arg16: memref<!tpu.dma_semaphore, #tpu.memory_space<semaphore_mem>>, %arg17: memref<!tpu.dma_semaphore, #tpu.memory_space<semaphore_mem>>, %arg18: memref<!tpu.dma_semaphore, #tpu.memory_space<semaphore_mem>>) attributes {dimension_semantics = [#tpu.dimension_semantics<core_parallel>, #tpu.dimension_semantics<subcore_parallel>], iteration_bounds = array<i64: 2, 16>, scalar_prefetch = 0 : i64, scratch_operands = 13 : i64, tpu.core_type = #tpu.core_type<sc_vector_subcore>, window_params = [{transform_indices = #map}, {transform_indices = #map1}, {transform_indices = #map}, {transform_indices = #map}]} {
    %mul3A = arith.constant 16 : i32
    %mul3A_0 = arith.muli %arg0, %mul3A : i32
    %add3A = arith.addi %mul3A_0, %arg1 : i32
    %mul3A_1 = arith.constant 632 : i32
    %mul3A_2 = arith.muli %arg1, %mul3A_1 : i32
    %mul3A_3 = arith.constant 632 : i32
    %mul3A_4 = arith.muli %arg1, %mul3A_3 : i32
    "tpu.region"() ({
      %run_scoped3A = tpu.sem_alloc : memref<!tpu.dma_semaphore, #tpu.memory_space<semaphore_mem>>
      %dma_start3A_66 = arith.constant 0 : i32
      %dma_start3A_67 = tpu.memref_slice %arg6[%mul3A_4, %dma_start3A_66] : memref<10112x128xf32, #tpu.memory_space<vmem_shared>> -> memref<632x128xf32, #tpu.memory_space<vmem_shared>>
      %dma_start3A_68 = arith.constant 0 : i32
      %dma_start3A_69 = tpu.memref_slice %arg4[%mul3A_2, %dma_start3A_68] : memref<10112x128xf32, #tpu.memory_space<hbm>> -> memref<632x128xf32, #tpu.memory_space<hbm>>
      tpu.enqueue_dma source(%dma_start3A_69 : memref<632x128xf32, #tpu.memory_space<hbm>>) target(%dma_start3A_67 : memref<632x128xf32, #tpu.memory_space<vmem_shared>>) target_semaphore(%run_scoped3A : memref<!tpu.dma_semaphore, #tpu.memory_space<semaphore_mem>>)
      %dma_wait3A_70 = arith.constant 0 : i32
      %dma_wait3A_71 = tpu.memref_slice %arg6[%mul3A_4, %dma_wait3A_70] : memref<10112x128xf32, #tpu.memory_space<vmem_shared>> -> memref<632x128xf32, #tpu.memory_space<vmem_shared>>
      %dma_wait3A_72 = arith.constant 0 : i32
      %dma_wait3A_73 = tpu.memref_slice %arg4[%mul3A_2, %dma_wait3A_72] : memref<10112x128xf32, #tpu.memory_space<hbm>> -> memref<632x128xf32, #tpu.memory_space<hbm>>
      tpu.wait_dma2 semaphore(%run_scoped3A : memref<!tpu.dma_semaphore, #tpu.memory_space<semaphore_mem>>) src(%dma_wait3A_73 : memref<632x128xf32, #tpu.memory_space<hbm>>) dst(%dma_wait3A_71 : memref<632x128xf32, #tpu.memory_space<vmem_shared>>)
      tpu.yield
    }) : () -> ()
    %barrier3A = arith.constant 0 : index
    tpu.barrier barrier_id(%barrier3A)
    %mul3A_5 = arith.constant 81 : i32
    %mul3A_6 = arith.muli %add3A, %mul3A_5 : i32
    %add3A_7 = arith.constant 0 : i32
    %add3A_8 = arith.addi %mul3A_6, %add3A_7 : i32
    "tpu.region"() ({
      %run_scoped3A = tpu.sem_alloc : memref<!tpu.dma_semaphore, #tpu.memory_space<semaphore_mem>>
      %dma_start3A_66 = arith.constant 0 : i32
      %dma_start3A_67 = arith.constant 0 : i32
      %dma_start3A_68 = tpu.memref_slice %arg3[%add3A_8, %dma_start3A_66, %dma_start3A_67] : memref<2595x2x128xi32, #tpu.memory_space<hbm>> -> memref<1x2x128xi32, #tpu.memory_space<hbm>>
      %dma_start3A_69 = tpu.memref_squeeze %dma_start3A_68 : memref<1x2x128xi32, #tpu.memory_space<hbm>> -> memref<2x128xi32, #tpu.memory_space<hbm>>
      %dma_start3A_70 = arith.constant 0 : i32
      %dma_start3A_71 = arith.constant 0 : i32
      %dma_start3A_72 = tpu.memref_slice %arg3[%add3A_8, %dma_start3A_70, %dma_start3A_71] : memref<2595x2x128xi32, #tpu.memory_space<hbm>> -> memref<1x2x128xi32, #tpu.memory_space<hbm>>
      %dma_start3A_73 = tpu.memref_squeeze %dma_start3A_72 : memref<1x2x128xi32, #tpu.memory_space<hbm>> -> memref<2x128xi32, #tpu.memory_space<hbm>>
      tpu.enqueue_dma source(%dma_start3A_73 : memref<2x128xi32, #tpu.memory_space<hbm>>) target(%arg7 : memref<2x128xi32, #tpu.memory_space<vmem>>) target_semaphore(%run_scoped3A : memref<!tpu.dma_semaphore, #tpu.memory_space<semaphore_mem>>)
      %dma_wait3A_74 = arith.constant 0 : i32
      %dma_wait3A_75 = arith.constant 0 : i32
      %dma_wait3A_76 = tpu.memref_slice %arg3[%add3A_8, %dma_wait3A_74, %dma_wait3A_75] : memref<2595x2x128xi32, #tpu.memory_space<hbm>> -> memref<1x2x128xi32, #tpu.memory_space<hbm>>
      %dma_wait3A_77 = tpu.memref_squeeze %dma_wait3A_76 : memref<1x2x128xi32, #tpu.memory_space<hbm>> -> memref<2x128xi32, #tpu.memory_space<hbm>>
      %dma_wait3A_78 = arith.constant 0 : i32
      %dma_wait3A_79 = arith.constant 0 : i32
      %dma_wait3A_80 = tpu.memref_slice %arg3[%add3A_8, %dma_wait3A_78, %dma_wait3A_79] : memref<2595x2x128xi32, #tpu.memory_space<hbm>> -> memref<1x2x128xi32, #tpu.memory_space<hbm>>
      %dma_wait3A_81 = tpu.memref_squeeze %dma_wait3A_80 : memref<1x2x128xi32, #tpu.memory_space<hbm>> -> memref<2x128xi32, #tpu.memory_space<hbm>>
      tpu.wait_dma2 semaphore(%run_scoped3A : memref<!tpu.dma_semaphore, #tpu.memory_space<semaphore_mem>>) src(%dma_wait3A_81 : memref<2x128xi32, #tpu.memory_space<hbm>>) dst(%arg7 : memref<2x128xi32, #tpu.memory_space<vmem>>)
      tpu.yield
    }) : () -> ()
    %dma_start3A = arith.constant 0 : i32
    %dma_start3A_9 = arith.constant 0 : i32
    %dma_start3A_10 = tpu.memref_slice %arg7[%dma_start3A, %dma_start3A_9] : memref<2x128xi32, #tpu.memory_space<vmem>> -> memref<1x128xi32, #tpu.memory_space<vmem>>
    %dma_start3A_11 = tpu.memref_squeeze %dma_start3A_10 : memref<1x128xi32, #tpu.memory_space<vmem>> -> memref<128xi32, #tpu.memory_space<vmem>>
    %dma_start3A_12 = arith.constant 0 : i32
    %dma_start3A_13 = arith.constant 0 : i32
    %dma_start3A_14 = tpu.memref_slice %arg2[%dma_start3A_12, %dma_start3A_13] : memref<10000x128xf32, #tpu.memory_space<hbm>> -> memref<10000x128xf32, #tpu.memory_space<hbm>>
    tpu.enqueue_indirect_dma source(%dma_start3A_14 : memref<10000x128xf32, #tpu.memory_space<hbm>>) target(%arg10 : memref<128x128xf32, #tpu.memory_space<vmem>>) offsets(%dma_start3A_11 : memref<128xi32, #tpu.memory_space<vmem>>) semaphore(%arg13 : memref<!tpu.dma_semaphore, #tpu.memory_space<semaphore_mem>>)
    %add3A_15 = arith.constant 1 : i32
    %add3A_16 = arith.addi %mul3A_6, %add3A_15 : i32
    "tpu.region"() ({
      %run_scoped3A = tpu.sem_alloc : memref<!tpu.dma_semaphore, #tpu.memory_space<semaphore_mem>>
      %dma_start3A_66 = arith.constant 0 : i32
      %dma_start3A_67 = arith.constant 0 : i32
      %dma_start3A_68 = tpu.memref_slice %arg3[%add3A_16, %dma_start3A_66, %dma_start3A_67] : memref<2595x2x128xi32, #tpu.memory_space<hbm>> -> memref<1x2x128xi32, #tpu.memory_space<hbm>>
      %dma_start3A_69 = tpu.memref_squeeze %dma_start3A_68 : memref<1x2x128xi32, #tpu.memory_space<hbm>> -> memref<2x128xi32, #tpu.memory_space<hbm>>
      %dma_start3A_70 = arith.constant 0 : i32
      %dma_start3A_71 = arith.constant 0 : i32
      %dma_start3A_72 = tpu.memref_slice %arg3[%add3A_16, %dma_start3A_70, %dma_start3A_71] : memref<2595x2x128xi32, #tpu.memory_space<hbm>> -> memref<1x2x128xi32, #tpu.memory_space<hbm>>
      %dma_start3A_73 = tpu.memref_squeeze %dma_start3A_72 : memref<1x2x128xi32, #tpu.memory_space<hbm>> -> memref<2x128xi32, #tpu.memory_space<hbm>>
      tpu.enqueue_dma source(%dma_start3A_73 : memref<2x128xi32, #tpu.memory_space<hbm>>) target(%arg8 : memref<2x128xi32, #tpu.memory_space<vmem>>) target_semaphore(%run_scoped3A : memref<!tpu.dma_semaphore, #tpu.memory_space<semaphore_mem>>)
      %dma_wait3A_74 = arith.constant 0 : i32
      %dma_wait3A_75 = arith.constant 0 : i32
      %dma_wait3A_76 = tpu.memref_slice %arg3[%add3A_16, %dma_wait3A_74, %dma_wait3A_75] : memref<2595x2x128xi32, #tpu.memory_space<hbm>> -> memref<1x2x128xi32, #tpu.memory_space<hbm>>
      %dma_wait3A_77 = tpu.memref_squeeze %dma_wait3A_76 : memref<1x2x128xi32, #tpu.memory_space<hbm>> -> memref<2x128xi32, #tpu.memory_space<hbm>>
      %dma_wait3A_78 = arith.constant 0 : i32
      %dma_wait3A_79 = arith.constant 0 : i32
      %dma_wait3A_80 = tpu.memref_slice %arg3[%add3A_16, %dma_wait3A_78, %dma_wait3A_79] : memref<2595x2x128xi32, #tpu.memory_space<hbm>> -> memref<1x2x128xi32, #tpu.memory_space<hbm>>
      %dma_wait3A_81 = tpu.memref_squeeze %dma_wait3A_80 : memref<1x2x128xi32, #tpu.memory_space<hbm>> -> memref<2x128xi32, #tpu.memory_space<hbm>>
      tpu.wait_dma2 semaphore(%run_scoped3A : memref<!tpu.dma_semaphore, #tpu.memory_space<semaphore_mem>>) src(%dma_wait3A_81 : memref<2x128xi32, #tpu.memory_space<hbm>>) dst(%arg8 : memref<2x128xi32, #tpu.memory_space<vmem>>)
      tpu.yield
    }) : () -> ()
    %dma_start3A_17 = arith.constant 0 : i32
    %dma_start3A_18 = arith.constant 0 : i32
    %dma_start3A_19 = tpu.memref_slice %arg8[%dma_start3A_17, %dma_start3A_18] : memref<2x128xi32, #tpu.memory_space<vmem>> -> memref<1x128xi32, #tpu.memory_space<vmem>>
    %dma_start3A_20 = tpu.memref_squeeze %dma_start3A_19 : memref<1x128xi32, #tpu.memory_space<vmem>> -> memref<128xi32, #tpu.memory_space<vmem>>
    %dma_start3A_21 = arith.constant 0 : i32
    %dma_start3A_22 = arith.constant 0 : i32
    %dma_start3A_23 = tpu.memref_slice %arg2[%dma_start3A_21, %dma_start3A_22] : memref<10000x128xf32, #tpu.memory_space<hbm>> -> memref<10000x128xf32, #tpu.memory_space<hbm>>
    tpu.enqueue_indirect_dma source(%dma_start3A_23 : memref<10000x128xf32, #tpu.memory_space<hbm>>) target(%arg11 : memref<128x128xf32, #tpu.memory_space<vmem>>) offsets(%dma_start3A_20 : memref<128xi32, #tpu.memory_space<vmem>>) semaphore(%arg14 : memref<!tpu.dma_semaphore, #tpu.memory_space<semaphore_mem>>)
    %add3A_24 = arith.constant 2 : i32
    %add3A_25 = arith.addi %mul3A_6, %add3A_24 : i32
    "tpu.region"() ({
      %run_scoped3A = tpu.sem_alloc : memref<!tpu.dma_semaphore, #tpu.memory_space<semaphore_mem>>
      %dma_start3A_66 = arith.constant 0 : i32
      %dma_start3A_67 = arith.constant 0 : i32
      %dma_start3A_68 = tpu.memref_slice %arg3[%add3A_25, %dma_start3A_66, %dma_start3A_67] : memref<2595x2x128xi32, #tpu.memory_space<hbm>> -> memref<1x2x128xi32, #tpu.memory_space<hbm>>
      %dma_start3A_69 = tpu.memref_squeeze %dma_start3A_68 : memref<1x2x128xi32, #tpu.memory_space<hbm>> -> memref<2x128xi32, #tpu.memory_space<hbm>>
      %dma_start3A_70 = arith.constant 0 : i32
      %dma_start3A_71 = arith.constant 0 : i32
      %dma_start3A_72 = tpu.memref_slice %arg3[%add3A_25, %dma_start3A_70, %dma_start3A_71] : memref<2595x2x128xi32, #tpu.memory_space<hbm>> -> memref<1x2x128xi32, #tpu.memory_space<hbm>>
      %dma_start3A_73 = tpu.memref_squeeze %dma_start3A_72 : memref<1x2x128xi32, #tpu.memory_space<hbm>> -> memref<2x128xi32, #tpu.memory_space<hbm>>
      tpu.enqueue_dma source(%dma_start3A_73 : memref<2x128xi32, #tpu.memory_space<hbm>>) target(%arg9 : memref<2x128xi32, #tpu.memory_space<vmem>>) target_semaphore(%run_scoped3A : memref<!tpu.dma_semaphore, #tpu.memory_space<semaphore_mem>>)
      %dma_wait3A_74 = arith.constant 0 : i32
      %dma_wait3A_75 = arith.constant 0 : i32
      %dma_wait3A_76 = tpu.memref_slice %arg3[%add3A_25, %dma_wait3A_74, %dma_wait3A_75] : memref<2595x2x128xi32, #tpu.memory_space<hbm>> -> memref<1x2x128xi32, #tpu.memory_space<hbm>>
      %dma_wait3A_77 = tpu.memref_squeeze %dma_wait3A_76 : memref<1x2x128xi32, #tpu.memory_space<hbm>> -> memref<2x128xi32, #tpu.memory_space<hbm>>
      %dma_wait3A_78 = arith.constant 0 : i32
      %dma_wait3A_79 = arith.constant 0 : i32
      %dma_wait3A_80 = tpu.memref_slice %arg3[%add3A_25, %dma_wait3A_78, %dma_wait3A_79] : memref<2595x2x128xi32, #tpu.memory_space<hbm>> -> memref<1x2x128xi32, #tpu.memory_space<hbm>>
      %dma_wait3A_81 = tpu.memref_squeeze %dma_wait3A_80 : memref<1x2x128xi32, #tpu.memory_space<hbm>> -> memref<2x128xi32, #tpu.memory_space<hbm>>
      tpu.wait_dma2 semaphore(%run_scoped3A : memref<!tpu.dma_semaphore, #tpu.memory_space<semaphore_mem>>) src(%dma_wait3A_81 : memref<2x128xi32, #tpu.memory_space<hbm>>) dst(%arg9 : memref<2x128xi32, #tpu.memory_space<vmem>>)
      tpu.yield
    }) : () -> ()
    %dma_start3A_26 = arith.constant 0 : i32
    %dma_start3A_27 = arith.constant 0 : i32
    %dma_start3A_28 = tpu.memref_slice %arg9[%dma_start3A_26, %dma_start3A_27] : memref<2x128xi32, #tpu.memory_space<vmem>> -> memref<1x128xi32, #tpu.memory_space<vmem>>
    %dma_start3A_29 = tpu.memref_squeeze %dma_start3A_28 : memref<1x128xi32, #tpu.memory_space<vmem>> -> memref<128xi32, #tpu.memory_space<vmem>>
    %dma_start3A_30 = arith.constant 0 : i32
    %dma_start3A_31 = arith.constant 0 : i32
    %dma_start3A_32 = tpu.memref_slice %arg2[%dma_start3A_30, %dma_start3A_31] : memref<10000x128xf32, #tpu.memory_space<hbm>> -> memref<10000x128xf32, #tpu.memory_space<hbm>>
    tpu.enqueue_indirect_dma source(%dma_start3A_32 : memref<10000x128xf32, #tpu.memory_space<hbm>>) target(%arg12 : memref<128x128xf32, #tpu.memory_space<vmem>>) offsets(%dma_start3A_29 : memref<128xi32, #tpu.memory_space<vmem>>) semaphore(%arg15 : memref<!tpu.dma_semaphore, #tpu.memory_space<semaphore_mem>>)
    %scan3A = arith.constant 0 : i32
    %scan3A_33 = arith.constant 0 : i32
    %scan3A_34 = arith.constant 27 : i32
    %scan3A_35 = arith.addi %scan3A_33, %scan3A_34 : i32
    %scan3A_36 = arith.constant 1 : i32
    scf.for %scan3A_66 = %scan3A_33 to %scan3A_35 step %scan3A_36  : i32 {
      %mul3A_67 = arith.constant 3 : i32
      %mul3A_68 = arith.muli %scan3A_66, %mul3A_67 : i32
      %dma_wait3A_69 = arith.constant 0 : i32
      %dma_wait3A_70 = arith.constant 0 : i32
      %dma_wait3A_71 = tpu.memref_slice %arg7[%dma_wait3A_69, %dma_wait3A_70] : memref<2x128xi32, #tpu.memory_space<vmem>> -> memref<1x128xi32, #tpu.memory_space<vmem>>
      %dma_wait3A_72 = tpu.memref_squeeze %dma_wait3A_71 : memref<1x128xi32, #tpu.memory_space<vmem>> -> memref<128xi32, #tpu.memory_space<vmem>>
      %dma_wait3A_73 = arith.constant 0 : i32
      %dma_wait3A_74 = arith.constant 0 : i32
      %dma_wait3A_75 = tpu.memref_slice %arg2[%dma_wait3A_73, %dma_wait3A_74] : memref<10000x128xf32, #tpu.memory_space<hbm>> -> memref<10000x128xf32, #tpu.memory_space<hbm>>
      tpu.wait_indirect_dma semaphore(%arg13 : memref<!tpu.dma_semaphore, #tpu.memory_space<semaphore_mem>>) src(%dma_wait3A_75 : memref<10000x128xf32, #tpu.memory_space<hbm>>) dst(%arg10 : memref<128x128xf32, #tpu.memory_space<vmem>>)
      %dma_start3A_76 = arith.constant 1 : i32
      %dma_start3A_77 = arith.constant 0 : i32
      %dma_start3A_78 = tpu.memref_slice %arg7[%dma_start3A_76, %dma_start3A_77] : memref<2x128xi32, #tpu.memory_space<vmem>> -> memref<1x128xi32, #tpu.memory_space<vmem>>
      %dma_start3A_79 = tpu.memref_squeeze %dma_start3A_78 : memref<1x128xi32, #tpu.memory_space<vmem>> -> memref<128xi32, #tpu.memory_space<vmem>>
      %dma_start3A_80 = arith.constant 0 : i32
      %dma_start3A_81 = arith.constant 0 : i32
      %dma_start3A_82 = tpu.memref_slice %arg6[%dma_start3A_80, %dma_start3A_81] : memref<10112x128xf32, #tpu.memory_space<vmem_shared>> -> memref<10112x128xf32, #tpu.memory_space<vmem_shared>>
      tpu.enqueue_indirect_dma source(%arg10 : memref<128x128xf32, #tpu.memory_space<vmem>>) target(%dma_start3A_82 : memref<10112x128xf32, #tpu.memory_space<vmem_shared>>) offsets(%dma_start3A_79 : memref<128xi32, #tpu.memory_space<vmem>>) semaphore(%arg16 : memref<!tpu.dma_semaphore, #tpu.memory_space<semaphore_mem>>) {add = true}
      %dma_wait3A_83 = arith.constant 0 : i32
      %dma_wait3A_84 = arith.constant 0 : i32
      %dma_wait3A_85 = tpu.memref_slice %arg8[%dma_wait3A_83, %dma_wait3A_84] : memref<2x128xi32, #tpu.memory_space<vmem>> -> memref<1x128xi32, #tpu.memory_space<vmem>>
      %dma_wait3A_86 = tpu.memref_squeeze %dma_wait3A_85 : memref<1x128xi32, #tpu.memory_space<vmem>> -> memref<128xi32, #tpu.memory_space<vmem>>
      %dma_wait3A_87 = arith.constant 0 : i32
      %dma_wait3A_88 = arith.constant 0 : i32
      %dma_wait3A_89 = tpu.memref_slice %arg2[%dma_wait3A_87, %dma_wait3A_88] : memref<10000x128xf32, #tpu.memory_space<hbm>> -> memref<10000x128xf32, #tpu.memory_space<hbm>>
      tpu.wait_indirect_dma semaphore(%arg14 : memref<!tpu.dma_semaphore, #tpu.memory_space<semaphore_mem>>) src(%dma_wait3A_89 : memref<10000x128xf32, #tpu.memory_space<hbm>>) dst(%arg11 : memref<128x128xf32, #tpu.memory_space<vmem>>)
      %dma_start3A_90 = arith.constant 1 : i32
      %dma_start3A_91 = arith.constant 0 : i32
      %dma_start3A_92 = tpu.memref_slice %arg8[%dma_start3A_90, %dma_start3A_91] : memref<2x128xi32, #tpu.memory_space<vmem>> -> memref<1x128xi32, #tpu.memory_space<vmem>>
      %dma_start3A_93 = tpu.memref_squeeze %dma_start3A_92 : memref<1x128xi32, #tpu.memory_space<vmem>> -> memref<128xi32, #tpu.memory_space<vmem>>
      %dma_start3A_94 = arith.constant 0 : i32
      %dma_start3A_95 = arith.constant 0 : i32
      %dma_start3A_96 = tpu.memref_slice %arg6[%dma_start3A_94, %dma_start3A_95] : memref<10112x128xf32, #tpu.memory_space<vmem_shared>> -> memref<10112x128xf32, #tpu.memory_space<vmem_shared>>
      tpu.enqueue_indirect_dma source(%arg11 : memref<128x128xf32, #tpu.memory_space<vmem>>) target(%dma_start3A_96 : memref<10112x128xf32, #tpu.memory_space<vmem_shared>>) offsets(%dma_start3A_93 : memref<128xi32, #tpu.memory_space<vmem>>) semaphore(%arg17 : memref<!tpu.dma_semaphore, #tpu.memory_space<semaphore_mem>>) {add = true}
      %dma_wait3A_97 = arith.constant 0 : i32
      %dma_wait3A_98 = arith.constant 0 : i32
      %dma_wait3A_99 = tpu.memref_slice %arg9[%dma_wait3A_97, %dma_wait3A_98] : memref<2x128xi32, #tpu.memory_space<vmem>> -> memref<1x128xi32, #tpu.memory_space<vmem>>
      %dma_wait3A_100 = tpu.memref_squeeze %dma_wait3A_99 : memref<1x128xi32, #tpu.memory_space<vmem>> -> memref<128xi32, #tpu.memory_space<vmem>>
      %dma_wait3A_101 = arith.constant 0 : i32
      %dma_wait3A_102 = arith.constant 0 : i32
      %dma_wait3A_103 = tpu.memref_slice %arg2[%dma_wait3A_101, %dma_wait3A_102] : memref<10000x128xf32, #tpu.memory_space<hbm>> -> memref<10000x128xf32, #tpu.memory_space<hbm>>
      tpu.wait_indirect_dma semaphore(%arg15 : memref<!tpu.dma_semaphore, #tpu.memory_space<semaphore_mem>>) src(%dma_wait3A_103 : memref<10000x128xf32, #tpu.memory_space<hbm>>) dst(%arg12 : memref<128x128xf32, #tpu.memory_space<vmem>>)
      %dma_start3A_104 = arith.constant 1 : i32
      %dma_start3A_105 = arith.constant 0 : i32
      %dma_start3A_106 = tpu.memref_slice %arg9[%dma_start3A_104, %dma_start3A_105] : memref<2x128xi32, #tpu.memory_space<vmem>> -> memref<1x128xi32, #tpu.memory_space<vmem>>
      %dma_start3A_107 = tpu.memref_squeeze %dma_start3A_106 : memref<1x128xi32, #tpu.memory_space<vmem>> -> memref<128xi32, #tpu.memory_space<vmem>>
      %dma_start3A_108 = arith.constant 0 : i32
      %dma_start3A_109 = arith.constant 0 : i32
      %dma_start3A_110 = tpu.memref_slice %arg6[%dma_start3A_108, %dma_start3A_109] : memref<10112x128xf32, #tpu.memory_space<vmem_shared>> -> memref<10112x128xf32, #tpu.memory_space<vmem_shared>>
      tpu.enqueue_indirect_dma source(%arg12 : memref<128x128xf32, #tpu.memory_space<vmem>>) target(%dma_start3A_110 : memref<10112x128xf32, #tpu.memory_space<vmem_shared>>) offsets(%dma_start3A_107 : memref<128xi32, #tpu.memory_space<vmem>>) semaphore(%arg18 : memref<!tpu.dma_semaphore, #tpu.memory_space<semaphore_mem>>) {add = true}
      %dma_wait3A_111 = arith.constant 1 : i32
      %dma_wait3A_112 = arith.constant 0 : i32
      %dma_wait3A_113 = tpu.memref_slice %arg7[%dma_wait3A_111, %dma_wait3A_112] : memref<2x128xi32, #tpu.memory_space<vmem>> -> memref<1x128xi32, #tpu.memory_space<vmem>>
      %dma_wait3A_114 = tpu.memref_squeeze %dma_wait3A_113 : memref<1x128xi32, #tpu.memory_space<vmem>> -> memref<128xi32, #tpu.memory_space<vmem>>
      %dma_wait3A_115 = arith.constant 0 : i32
      %dma_wait3A_116 = arith.constant 0 : i32
      %dma_wait3A_117 = tpu.memref_slice %arg6[%dma_wait3A_115, %dma_wait3A_116] : memref<10112x128xf32, #tpu.memory_space<vmem_shared>> -> memref<10112x128xf32, #tpu.memory_space<vmem_shared>>
      tpu.wait_indirect_dma semaphore(%arg16 : memref<!tpu.dma_semaphore, #tpu.memory_space<semaphore_mem>>) src(%arg10 : memref<128x128xf32, #tpu.memory_space<vmem>>) dst(%dma_wait3A_117 : memref<10112x128xf32, #tpu.memory_space<vmem_shared>>)
      %add3A_118 = arith.constant 3 : i32
      %add3A_119 = arith.addi %mul3A_68, %add3A_118 : i32
      %add3A_120 = arith.constant 0 : i32
      %add3A_121 = arith.addi %add3A_119, %add3A_120 : i32
      %add3A_122 = arith.addi %mul3A_6, %add3A_121 : i32
      "tpu.region"() ({
        %run_scoped3A = tpu.sem_alloc : memref<!tpu.dma_semaphore, #tpu.memory_space<semaphore_mem>>
        %dma_start3A_168 = arith.constant 0 : i32
        %dma_start3A_169 = arith.constant 0 : i32
        %dma_start3A_170 = tpu.memref_slice %arg3[%add3A_122, %dma_start3A_168, %dma_start3A_169] : memref<2595x2x128xi32, #tpu.memory_space<hbm>> -> memref<1x2x128xi32, #tpu.memory_space<hbm>>
        %dma_start3A_171 = tpu.memref_squeeze %dma_start3A_170 : memref<1x2x128xi32, #tpu.memory_space<hbm>> -> memref<2x128xi32, #tpu.memory_space<hbm>>
        %dma_start3A_172 = arith.constant 0 : i32
        %dma_start3A_173 = arith.constant 0 : i32
        %dma_start3A_174 = tpu.memref_slice %arg3[%add3A_122, %dma_start3A_172, %dma_start3A_173] : memref<2595x2x128xi32, #tpu.memory_space<hbm>> -> memref<1x2x128xi32, #tpu.memory_space<hbm>>
        %dma_start3A_175 = tpu.memref_squeeze %dma_start3A_174 : memref<1x2x128xi32, #tpu.memory_space<hbm>> -> memref<2x128xi32, #tpu.memory_space<hbm>>
        tpu.enqueue_dma source(%dma_start3A_175 : memref<2x128xi32, #tpu.memory_space<hbm>>) target(%arg7 : memref<2x128xi32, #tpu.memory_space<vmem>>) target_semaphore(%run_scoped3A : memref<!tpu.dma_semaphore, #tpu.memory_space<semaphore_mem>>)
        %dma_wait3A_176 = arith.constant 0 : i32
        %dma_wait3A_177 = arith.constant 0 : i32
        %dma_wait3A_178 = tpu.memref_slice %arg3[%add3A_122, %dma_wait3A_176, %dma_wait3A_177] : memref<2595x2x128xi32, #tpu.memory_space<hbm>> -> memref<1x2x128xi32, #tpu.memory_space<hbm>>
        %dma_wait3A_179 = tpu.memref_squeeze %dma_wait3A_178 : memref<1x2x128xi32, #tpu.memory_space<hbm>> -> memref<2x128xi32, #tpu.memory_space<hbm>>
        %dma_wait3A_180 = arith.constant 0 : i32
        %dma_wait3A_181 = arith.constant 0 : i32
        %dma_wait3A_182 = tpu.memref_slice %arg3[%add3A_122, %dma_wait3A_180, %dma_wait3A_181] : memref<2595x2x128xi32, #tpu.memory_space<hbm>> -> memref<1x2x128xi32, #tpu.memory_space<hbm>>
        %dma_wait3A_183 = tpu.memref_squeeze %dma_wait3A_182 : memref<1x2x128xi32, #tpu.memory_space<hbm>> -> memref<2x128xi32, #tpu.memory_space<hbm>>
        tpu.wait_dma2 semaphore(%run_scoped3A : memref<!tpu.dma_semaphore, #tpu.memory_space<semaphore_mem>>) src(%dma_wait3A_183 : memref<2x128xi32, #tpu.memory_space<hbm>>) dst(%arg7 : memref<2x128xi32, #tpu.memory_space<vmem>>)
        tpu.yield
      }) : () -> ()
      %dma_start3A_123 = arith.constant 0 : i32
      %dma_start3A_124 = arith.constant 0 : i32
      %dma_start3A_125 = tpu.memref_slice %arg7[%dma_start3A_123, %dma_start3A_124] : memref<2x128xi32, #tpu.memory_space<vmem>> -> memref<1x128xi32, #tpu.memory_space<vmem>>
      %dma_start3A_126 = tpu.memref_squeeze %dma_start3A_125 : memref<1x128xi32, #tpu.memory_space<vmem>> -> memref<128xi32, #tpu.memory_space<vmem>>
      %dma_start3A_127 = arith.constant 0 : i32
      %dma_start3A_128 = arith.constant 0 : i32
      %dma_start3A_129 = tpu.memref_slice %arg2[%dma_start3A_127, %dma_start3A_128] : memref<10000x128xf32, #tpu.memory_space<hbm>> -> memref<10000x128xf32, #tpu.memory_space<hbm>>
      tpu.enqueue_indirect_dma source(%dma_start3A_129 : memref<10000x128xf32, #tpu.memory_space<hbm>>) target(%arg10 : memref<128x128xf32, #tpu.memory_space<vmem>>) offsets(%dma_start3A_126 : memref<128xi32, #tpu.memory_space<vmem>>) semaphore(%arg13 : memref<!tpu.dma_semaphore, #tpu.memory_space<semaphore_mem>>)
      %dma_wait3A_130 = arith.constant 1 : i32
      %dma_wait3A_131 = arith.constant 0 : i32
      %dma_wait3A_132 = tpu.memref_slice %arg8[%dma_wait3A_130, %dma_wait3A_131] : memref<2x128xi32, #tpu.memory_space<vmem>> -> memref<1x128xi32, #tpu.memory_space<vmem>>
      %dma_wait3A_133 = tpu.memref_squeeze %dma_wait3A_132 : memref<1x128xi32, #tpu.memory_space<vmem>> -> memref<128xi32, #tpu.memory_space<vmem>>
      %dma_wait3A_134 = arith.constant 0 : i32
      %dma_wait3A_135 = arith.constant 0 : i32
      %dma_wait3A_136 = tpu.memref_slice %arg6[%dma_wait3A_134, %dma_wait3A_135] : memref<10112x128xf32, #tpu.memory_space<vmem_shared>> -> memref<10112x128xf32, #tpu.memory_space<vmem_shared>>
      tpu.wait_indirect_dma semaphore(%arg17 : memref<!tpu.dma_semaphore, #tpu.memory_space<semaphore_mem>>) src(%arg11 : memref<128x128xf32, #tpu.memory_space<vmem>>) dst(%dma_wait3A_136 : memref<10112x128xf32, #tpu.memory_space<vmem_shared>>)
      %add3A_137 = arith.constant 3 : i32
      %add3A_138 = arith.addi %mul3A_68, %add3A_137 : i32
      %add3A_139 = arith.constant 1 : i32
      %add3A_140 = arith.addi %add3A_138, %add3A_139 : i32
      %add3A_141 = arith.addi %mul3A_6, %add3A_140 : i32
      "tpu.region"() ({
        %run_scoped3A = tpu.sem_alloc : memref<!tpu.dma_semaphore, #tpu.memory_space<semaphore_mem>>
        %dma_start3A_168 = arith.constant 0 : i32
        %dma_start3A_169 = arith.constant 0 : i32
        %dma_start3A_170 = tpu.memref_slice %arg3[%add3A_141, %dma_start3A_168, %dma_start3A_169] : memref<2595x2x128xi32, #tpu.memory_space<hbm>> -> memref<1x2x128xi32, #tpu.memory_space<hbm>>
        %dma_start3A_171 = tpu.memref_squeeze %dma_start3A_170 : memref<1x2x128xi32, #tpu.memory_space<hbm>> -> memref<2x128xi32, #tpu.memory_space<hbm>>
        %dma_start3A_172 = arith.constant 0 : i32
        %dma_start3A_173 = arith.constant 0 : i32
        %dma_start3A_174 = tpu.memref_slice %arg3[%add3A_141, %dma_start3A_172, %dma_start3A_173] : memref<2595x2x128xi32, #tpu.memory_space<hbm>> -> memref<1x2x128xi32, #tpu.memory_space<hbm>>
        %dma_start3A_175 = tpu.memref_squeeze %dma_start3A_174 : memref<1x2x128xi32, #tpu.memory_space<hbm>> -> memref<2x128xi32, #tpu.memory_space<hbm>>
        tpu.enqueue_dma source(%dma_start3A_175 : memref<2x128xi32, #tpu.memory_space<hbm>>) target(%arg8 : memref<2x128xi32, #tpu.memory_space<vmem>>) target_semaphore(%run_scoped3A : memref<!tpu.dma_semaphore, #tpu.memory_space<semaphore_mem>>)
        %dma_wait3A_176 = arith.constant 0 : i32
        %dma_wait3A_177 = arith.constant 0 : i32
        %dma_wait3A_178 = tpu.memref_slice %arg3[%add3A_141, %dma_wait3A_176, %dma_wait3A_177] : memref<2595x2x128xi32, #tpu.memory_space<hbm>> -> memref<1x2x128xi32, #tpu.memory_space<hbm>>
        %dma_wait3A_179 = tpu.memref_squeeze %dma_wait3A_178 : memref<1x2x128xi32, #tpu.memory_space<hbm>> -> memref<2x128xi32, #tpu.memory_space<hbm>>
        %dma_wait3A_180 = arith.constant 0 : i32
        %dma_wait3A_181 = arith.constant 0 : i32
        %dma_wait3A_182 = tpu.memref_slice %arg3[%add3A_141, %dma_wait3A_180, %dma_wait3A_181] : memref<2595x2x128xi32, #tpu.memory_space<hbm>> -> memref<1x2x128xi32, #tpu.memory_space<hbm>>
        %dma_wait3A_183 = tpu.memref_squeeze %dma_wait3A_182 : memref<1x2x128xi32, #tpu.memory_space<hbm>> -> memref<2x128xi32, #tpu.memory_space<hbm>>
        tpu.wait_dma2 semaphore(%run_scoped3A : memref<!tpu.dma_semaphore, #tpu.memory_space<semaphore_mem>>) src(%dma_wait3A_183 : memref<2x128xi32, #tpu.memory_space<hbm>>) dst(%arg8 : memref<2x128xi32, #tpu.memory_space<vmem>>)
        tpu.yield
      }) : () -> ()
      %dma_start3A_142 = arith.constant 0 : i32
      %dma_start3A_143 = arith.constant 0 : i32
      %dma_start3A_144 = tpu.memref_slice %arg8[%dma_start3A_142, %dma_start3A_143] : memref<2x128xi32, #tpu.memory_space<vmem>> -> memref<1x128xi32, #tpu.memory_space<vmem>>
      %dma_start3A_145 = tpu.memref_squeeze %dma_start3A_144 : memref<1x128xi32, #tpu.memory_space<vmem>> -> memref<128xi32, #tpu.memory_space<vmem>>
      %dma_start3A_146 = arith.constant 0 : i32
      %dma_start3A_147 = arith.constant 0 : i32
      %dma_start3A_148 = tpu.memref_slice %arg2[%dma_start3A_146, %dma_start3A_147] : memref<10000x128xf32, #tpu.memory_space<hbm>> -> memref<10000x128xf32, #tpu.memory_space<hbm>>
      tpu.enqueue_indirect_dma source(%dma_start3A_148 : memref<10000x128xf32, #tpu.memory_space<hbm>>) target(%arg11 : memref<128x128xf32, #tpu.memory_space<vmem>>) offsets(%dma_start3A_145 : memref<128xi32, #tpu.memory_space<vmem>>) semaphore(%arg14 : memref<!tpu.dma_semaphore, #tpu.memory_space<semaphore_mem>>)
      %dma_wait3A_149 = arith.constant 1 : i32
      %dma_wait3A_150 = arith.constant 0 : i32
      %dma_wait3A_151 = tpu.memref_slice %arg9[%dma_wait3A_149, %dma_wait3A_150] : memref<2x128xi32, #tpu.memory_space<vmem>> -> memref<1x128xi32, #tpu.memory_space<vmem>>
      %dma_wait3A_152 = tpu.memref_squeeze %dma_wait3A_151 : memref<1x128xi32, #tpu.memory_space<vmem>> -> memref<128xi32, #tpu.memory_space<vmem>>
      %dma_wait3A_153 = arith.constant 0 : i32
      %dma_wait3A_154 = arith.constant 0 : i32
      %dma_wait3A_155 = tpu.memref_slice %arg6[%dma_wait3A_153, %dma_wait3A_154] : memref<10112x128xf32, #tpu.memory_space<vmem_shared>> -> memref<10112x128xf32, #tpu.memory_space<vmem_shared>>
      tpu.wait_indirect_dma semaphore(%arg18 : memref<!tpu.dma_semaphore, #tpu.memory_space<semaphore_mem>>) src(%arg12 : memref<128x128xf32, #tpu.memory_space<vmem>>) dst(%dma_wait3A_155 : memref<10112x128xf32, #tpu.memory_space<vmem_shared>>)
      %add3A_156 = arith.constant 3 : i32
      %add3A_157 = arith.addi %mul3A_68, %add3A_156 : i32
      %add3A_158 = arith.constant 2 : i32
      %add3A_159 = arith.addi %add3A_157, %add3A_158 : i32
      %add3A_160 = arith.addi %mul3A_6, %add3A_159 : i32
      "tpu.region"() ({
        %run_scoped3A = tpu.sem_alloc : memref<!tpu.dma_semaphore, #tpu.memory_space<semaphore_mem>>
        %dma_start3A_168 = arith.constant 0 : i32
        %dma_start3A_169 = arith.constant 0 : i32
        %dma_start3A_170 = tpu.memref_slice %arg3[%add3A_160, %dma_start3A_168, %dma_start3A_169] : memref<2595x2x128xi32, #tpu.memory_space<hbm>> -> memref<1x2x128xi32, #tpu.memory_space<hbm>>
        %dma_start3A_171 = tpu.memref_squeeze %dma_start3A_170 : memref<1x2x128xi32, #tpu.memory_space<hbm>> -> memref<2x128xi32, #tpu.memory_space<hbm>>
        %dma_start3A_172 = arith.constant 0 : i32
        %dma_start3A_173 = arith.constant 0 : i32
        %dma_start3A_174 = tpu.memref_slice %arg3[%add3A_160, %dma_start3A_172, %dma_start3A_173] : memref<2595x2x128xi32, #tpu.memory_space<hbm>> -> memref<1x2x128xi32, #tpu.memory_space<hbm>>
        %dma_start3A_175 = tpu.memref_squeeze %dma_start3A_174 : memref<1x2x128xi32, #tpu.memory_space<hbm>> -> memref<2x128xi32, #tpu.memory_space<hbm>>
        tpu.enqueue_dma source(%dma_start3A_175 : memref<2x128xi32, #tpu.memory_space<hbm>>) target(%arg9 : memref<2x128xi32, #tpu.memory_space<vmem>>) target_semaphore(%run_scoped3A : memref<!tpu.dma_semaphore, #tpu.memory_space<semaphore_mem>>)
        %dma_wait3A_176 = arith.constant 0 : i32
        %dma_wait3A_177 = arith.constant 0 : i32
        %dma_wait3A_178 = tpu.memref_slice %arg3[%add3A_160, %dma_wait3A_176, %dma_wait3A_177] : memref<2595x2x128xi32, #tpu.memory_space<hbm>> -> memref<1x2x128xi32, #tpu.memory_space<hbm>>
        %dma_wait3A_179 = tpu.memref_squeeze %dma_wait3A_178 : memref<1x2x128xi32, #tpu.memory_space<hbm>> -> memref<2x128xi32, #tpu.memory_space<hbm>>
        %dma_wait3A_180 = arith.constant 0 : i32
        %dma_wait3A_181 = arith.constant 0 : i32
        %dma_wait3A_182 = tpu.memref_slice %arg3[%add3A_160, %dma_wait3A_180, %dma_wait3A_181] : memref<2595x2x128xi32, #tpu.memory_space<hbm>> -> memref<1x2x128xi32, #tpu.memory_space<hbm>>
        %dma_wait3A_183 = tpu.memref_squeeze %dma_wait3A_182 : memref<1x2x128xi32, #tpu.memory_space<hbm>> -> memref<2x128xi32, #tpu.memory_space<hbm>>
        tpu.wait_dma2 semaphore(%run_scoped3A : memref<!tpu.dma_semaphore, #tpu.memory_space<semaphore_mem>>) src(%dma_wait3A_183 : memref<2x128xi32, #tpu.memory_space<hbm>>) dst(%arg9 : memref<2x128xi32, #tpu.memory_space<vmem>>)
        tpu.yield
      }) : () -> ()
      %dma_start3A_161 = arith.constant 0 : i32
      %dma_start3A_162 = arith.constant 0 : i32
      %dma_start3A_163 = tpu.memref_slice %arg9[%dma_start3A_161, %dma_start3A_162] : memref<2x128xi32, #tpu.memory_space<vmem>> -> memref<1x128xi32, #tpu.memory_space<vmem>>
      %dma_start3A_164 = tpu.memref_squeeze %dma_start3A_163 : memref<1x128xi32, #tpu.memory_space<vmem>> -> memref<128xi32, #tpu.memory_space<vmem>>
      %dma_start3A_165 = arith.constant 0 : i32
      %dma_start3A_166 = arith.constant 0 : i32
      %dma_start3A_167 = tpu.memref_slice %arg2[%dma_start3A_165, %dma_start3A_166] : memref<10000x128xf32, #tpu.memory_space<hbm>> -> memref<10000x128xf32, #tpu.memory_space<hbm>>
      tpu.enqueue_indirect_dma source(%dma_start3A_167 : memref<10000x128xf32, #tpu.memory_space<hbm>>) target(%arg12 : memref<128x128xf32, #tpu.memory_space<vmem>>) offsets(%dma_start3A_164 : memref<128xi32, #tpu.memory_space<vmem>>) semaphore(%arg15 : memref<!tpu.dma_semaphore, #tpu.memory_space<semaphore_mem>>)
    }
    %scan3A_37 = arith.constant 27 : i32
    %dma_wait3A = arith.constant 0 : i32
    %dma_wait3A_38 = arith.constant 0 : i32
    %dma_wait3A_39 = tpu.memref_slice %arg7[%dma_wait3A, %dma_wait3A_38] : memref<2x128xi32, #tpu.memory_space<vmem>> -> memref<1x128xi32, #tpu.memory_space<vmem>>
    %dma_wait3A_40 = tpu.memref_squeeze %dma_wait3A_39 : memref<1x128xi32, #tpu.memory_space<vmem>> -> memref<128xi32, #tpu.memory_space<vmem>>
    %dma_wait3A_41 = arith.constant 0 : i32
    %dma_wait3A_42 = arith.constant 0 : i32
    %dma_wait3A_43 = tpu.memref_slice %arg2[%dma_wait3A_41, %dma_wait3A_42] : memref<10000x128xf32, #tpu.memory_space<hbm>> -> memref<10000x128xf32, #tpu.memory_space<hbm>>
    tpu.wait_indirect_dma semaphore(%arg13 : memref<!tpu.dma_semaphore, #tpu.memory_space<semaphore_mem>>) src(%dma_wait3A_43 : memref<10000x128xf32, #tpu.memory_space<hbm>>) dst(%arg10 : memref<128x128xf32, #tpu.memory_space<vmem>>)
    %dma_wait3A_44 = arith.constant 0 : i32
    %dma_wait3A_45 = arith.constant 0 : i32
    %dma_wait3A_46 = tpu.memref_slice %arg8[%dma_wait3A_44, %dma_wait3A_45] : memref<2x128xi32, #tpu.memory_space<vmem>> -> memref<1x128xi32, #tpu.memory_space<vmem>>
    %dma_wait3A_47 = tpu.memref_squeeze %dma_wait3A_46 : memref<1x128xi32, #tpu.memory_space<vmem>> -> memref<128xi32, #tpu.memory_space<vmem>>
    %dma_wait3A_48 = arith.constant 0 : i32
    %dma_wait3A_49 = arith.constant 0 : i32
    %dma_wait3A_50 = tpu.memref_slice %arg2[%dma_wait3A_48, %dma_wait3A_49] : memref<10000x128xf32, #tpu.memory_space<hbm>> -> memref<10000x128xf32, #tpu.memory_space<hbm>>
    tpu.wait_indirect_dma semaphore(%arg14 : memref<!tpu.dma_semaphore, #tpu.memory_space<semaphore_mem>>) src(%dma_wait3A_50 : memref<10000x128xf32, #tpu.memory_space<hbm>>) dst(%arg11 : memref<128x128xf32, #tpu.memory_space<vmem>>)
    %dma_wait3A_51 = arith.constant 0 : i32
    %dma_wait3A_52 = arith.constant 0 : i32
    %dma_wait3A_53 = tpu.memref_slice %arg9[%dma_wait3A_51, %dma_wait3A_52] : memref<2x128xi32, #tpu.memory_space<vmem>> -> memref<1x128xi32, #tpu.memory_space<vmem>>
    %dma_wait3A_54 = tpu.memref_squeeze %dma_wait3A_53 : memref<1x128xi32, #tpu.memory_space<vmem>> -> memref<128xi32, #tpu.memory_space<vmem>>
    %dma_wait3A_55 = arith.constant 0 : i32
    %dma_wait3A_56 = arith.constant 0 : i32
    %dma_wait3A_57 = tpu.memref_slice %arg2[%dma_wait3A_55, %dma_wait3A_56] : memref<10000x128xf32, #tpu.memory_space<hbm>> -> memref<10000x128xf32, #tpu.memory_space<hbm>>
    tpu.wait_indirect_dma semaphore(%arg15 : memref<!tpu.dma_semaphore, #tpu.memory_space<semaphore_mem>>) src(%dma_wait3A_57 : memref<10000x128xf32, #tpu.memory_space<hbm>>) dst(%arg12 : memref<128x128xf32, #tpu.memory_space<vmem>>)
    %barrier3A_58 = arith.constant 0 : index
    tpu.barrier barrier_id(%barrier3A_58)
    %mul3A_59 = arith.constant 632 : i32
    %mul3A_60 = arith.muli %arg1, %mul3A_59 : i32
    %mul3A_61 = arith.constant 10112 : i32
    %mul3A_62 = arith.muli %arg0, %mul3A_61 : i32
    %mul3A_63 = arith.constant 632 : i32
    %mul3A_64 = arith.muli %arg1, %mul3A_63 : i32
    %add3A_65 = arith.addi %mul3A_62, %mul3A_64 : i32
    "tpu.region"() ({
      %run_scoped3A = tpu.sem_alloc : memref<!tpu.dma_semaphore, #tpu.memory_space<semaphore_mem>>
      %dma_start3A_66 = arith.constant 0 : i32
      %dma_start3A_67 = tpu.memref_slice %arg5[%add3A_65, %dma_start3A_66] : memref<20224x128xf32, #tpu.memory_space<hbm>> -> memref<632x128xf32, #tpu.memory_space<hbm>>
      %dma_start3A_68 = arith.constant 0 : i32
      %dma_start3A_69 = tpu.memref_slice %arg6[%mul3A_60, %dma_start3A_68] : memref<10112x128xf32, #tpu.memory_space<vmem_shared>> -> memref<632x128xf32, #tpu.memory_space<vmem_shared>>
      tpu.enqueue_dma source(%dma_start3A_69 : memref<632x128xf32, #tpu.memory_space<vmem_shared>>) target(%dma_start3A_67 : memref<632x128xf32, #tpu.memory_space<hbm>>) target_semaphore(%run_scoped3A : memref<!tpu.dma_semaphore, #tpu.memory_space<semaphore_mem>>)
      %dma_wait3A_70 = arith.constant 0 : i32
      %dma_wait3A_71 = tpu.memref_slice %arg5[%add3A_65, %dma_wait3A_70] : memref<20224x128xf32, #tpu.memory_space<hbm>> -> memref<632x128xf32, #tpu.memory_space<hbm>>
      %dma_wait3A_72 = arith.constant 0 : i32
      %dma_wait3A_73 = tpu.memref_slice %arg6[%mul3A_60, %dma_wait3A_72] : memref<10112x128xf32, #tpu.memory_space<vmem_shared>> -> memref<632x128xf32, #tpu.memory_space<vmem_shared>>
      tpu.wait_dma2 semaphore(%run_scoped3A : memref<!tpu.dma_semaphore, #tpu.memory_space<semaphore_mem>>) src(%dma_wait3A_73 : memref<632x128xf32, #tpu.memory_space<vmem_shared>>) dst(%dma_wait3A_71 : memref<632x128xf32, #tpu.memory_space<hbm>>)
      tpu.yield
    }) : () -> ()
    return
  }
}

module attributes {stable_mosaic.version = 14 : i64} {
  func.func @_tc_layer_body(%arg0: memref<10000x128xf32, #tpu.memory_space<vmem>>, %arg1: memref<20224x128xf32, #tpu.memory_space<vmem>>, %arg2: memref<128x128xf32, #tpu.memory_space<vmem>>, %arg3: memref<1x128xf32, #tpu.memory_space<vmem>>, %arg4: memref<128x128xf32, #tpu.memory_space<vmem>>, %arg5: memref<1x128xf32, #tpu.memory_space<vmem>>, %arg6: memref<1x128xf32, #tpu.memory_space<vmem>>, %arg7: memref<1x128xf32, #tpu.memory_space<vmem>>, %arg8: memref<1x1xf32, #tpu.memory_space<vmem>>, %arg9: memref<10000x128xf32, #tpu.memory_space<vmem>>) attributes {dimension_semantics = [], scalar_prefetch = 0 : i64, scratch_operands = 0 : i64, tpu.core_type = #tpu.core_type<tc>} {
    %get3A = arith.constant 0 : index
    %get3A_0 = arith.constant 0 : index
    %get3A_1 = vector.load %arg8[%get3A, %get3A_0] : memref<1x1xf32, #tpu.memory_space<vmem>>, vector<1x1xf32>
    %get3A_2 = vector.extract %get3A_1[0, 0] : f32 from vector<1x1xf32>
    %add3A = arith.constant 1.000000e+00 : f32
    %add3A_3 = arith.addf %add3A, %get3A_2 : f32
    %get3A_4 = arith.constant 0 : index
    %get3A_5 = arith.constant 0 : index
    %get3A_6 = vector.load %arg0[%get3A_4, %get3A_5] : memref<10000x128xf32, #tpu.memory_space<vmem>>, vector<10000x128xf32>
    %mul3A = vector.broadcast %add3A_3 : f32 to vector<10000x128xf32>
    %mul3A_7 = arith.mulf %mul3A, %get3A_6 : vector<10000x128xf32>
    %get3A_8 = arith.constant 0 : index
    %get3A_9 = arith.constant 0 : index
    %get3A_10 = vector.load %arg1[%get3A_8, %get3A_9] : memref<20224x128xf32, #tpu.memory_space<vmem>>, vector<10000x128xf32>
    %add3A_11 = arith.addf %mul3A_7, %get3A_10 : vector<10000x128xf32>
    %get3A_12 = arith.constant 10112 : index
    %get3A_13 = arith.constant 0 : index
    %get3A_14 = vector.load %arg1[%get3A_12, %get3A_13] : memref<20224x128xf32, #tpu.memory_space<vmem>>, vector<10000x128xf32>
    %add3A_15 = arith.addf %add3A_11, %get3A_14 : vector<10000x128xf32>
    %get3A_16 = arith.constant 0 : index
    %get3A_17 = arith.constant 0 : index
    %get3A_18 = vector.load %arg2[%get3A_16, %get3A_17] : memref<128x128xf32, #tpu.memory_space<vmem>>, vector<128x128xf32>
    %dot_general3A = arith.constant dense<0.000000e+00> : vector<10000x128xf32>
    %dot_general3A_19 = tpu.matmul %add3A_15, %get3A_18, %dot_general3A {dimension_numbers = #tpu.dot_dimension_numbers<[1], [0], [0], [1], [0, 0, 1, 1], [], []>, transpose_lhs_hint = false} : vector<10000x128xf32>, vector<128x128xf32>, vector<10000x128xf32> -> vector<10000x128xf32>
    %get3A_20 = arith.constant 0 : index
    %get3A_21 = arith.constant 0 : index
    %get3A_22 = vector.load %arg3[%get3A_20, %get3A_21] : memref<1x128xf32, #tpu.memory_space<vmem>>, vector<1x128xf32>
    %add3A_23 = vector.broadcast %get3A_22 : vector<1x128xf32> to vector<10000x128xf32>
    %add3A_24 = arith.addf %dot_general3A_19, %add3A_23 : vector<10000x128xf32>
    %max3A = arith.constant 0.000000e+00 : f32
    %max3A_25 = vector.broadcast %max3A : f32 to vector<10000x128xf32>
    %max3A_26 = arith.maximumf %add3A_24, %max3A_25 : vector<10000x128xf32>
    %get3A_27 = arith.constant 0 : index
    %get3A_28 = arith.constant 0 : index
    %get3A_29 = vector.load %arg4[%get3A_27, %get3A_28] : memref<128x128xf32, #tpu.memory_space<vmem>>, vector<128x128xf32>
    %dot_general3A_30 = arith.constant dense<0.000000e+00> : vector<10000x128xf32>
    %dot_general3A_31 = tpu.matmul %max3A_26, %get3A_29, %dot_general3A_30 {dimension_numbers = #tpu.dot_dimension_numbers<[1], [0], [0], [1], [0, 0, 1, 1], [], []>, transpose_lhs_hint = false} : vector<10000x128xf32>, vector<128x128xf32>, vector<10000x128xf32> -> vector<10000x128xf32>
    %get3A_32 = arith.constant 0 : index
    %get3A_33 = arith.constant 0 : index
    %get3A_34 = vector.load %arg5[%get3A_32, %get3A_33] : memref<1x128xf32, #tpu.memory_space<vmem>>, vector<1x128xf32>
    %add3A_35 = vector.broadcast %get3A_34 : vector<1x128xf32> to vector<10000x128xf32>
    %add3A_36 = arith.addf %dot_general3A_31, %add3A_35 : vector<10000x128xf32>
    %max3A_37 = arith.constant 0.000000e+00 : f32
    %max3A_38 = vector.broadcast %max3A_37 : f32 to vector<10000x128xf32>
    %max3A_39 = arith.maximumf %add3A_36, %max3A_38 : vector<10000x128xf32>
    %reduce_sum3A = arith.constant dense<0.000000e+00> : vector<128xf32>
    %reduce_sum3A_40 = vector.multi_reduction <add>, %max3A_39, %reduce_sum3A [0] : vector<10000x128xf32> to vector<128xf32>
    %broadcast_in_dim3A = vector.shape_cast %reduce_sum3A_40 : vector<128xf32> to vector<1x128xf32>
    %div3A = arith.constant 1.000000e+04 : f32
    %div3A_41 = vector.broadcast %div3A : f32 to vector<1x128xf32>
    %div3A_42 = arith.divf %broadcast_in_dim3A, %div3A_41 : vector<1x128xf32>
    %sub3A = vector.broadcast %div3A_42 : vector<1x128xf32> to vector<10000x128xf32>
    %sub3A_43 = arith.subf %max3A_39, %sub3A : vector<10000x128xf32>
    %integer_pow3A = arith.mulf %sub3A_43, %sub3A_43 : vector<10000x128xf32>
    %reduce_sum3A_44 = arith.constant dense<0.000000e+00> : vector<128xf32>
    %reduce_sum3A_45 = vector.multi_reduction <add>, %integer_pow3A, %reduce_sum3A_44 [0] : vector<10000x128xf32> to vector<128xf32>
    %broadcast_in_dim3A_46 = vector.shape_cast %reduce_sum3A_45 : vector<128xf32> to vector<1x128xf32>
    %div3A_47 = arith.constant 1.000000e+04 : f32
    %div3A_48 = vector.broadcast %div3A_47 : f32 to vector<1x128xf32>
    %div3A_49 = arith.divf %broadcast_in_dim3A_46, %div3A_48 : vector<1x128xf32>
    %get3A_50 = arith.constant 0 : index
    %get3A_51 = arith.constant 0 : index
    %get3A_52 = vector.load %arg6[%get3A_50, %get3A_51] : memref<1x128xf32, #tpu.memory_space<vmem>>, vector<1x128xf32>
    %sub3A_53 = vector.broadcast %div3A_42 : vector<1x128xf32> to vector<10000x128xf32>
    %sub3A_54 = arith.subf %max3A_39, %sub3A_53 : vector<10000x128xf32>
    %mul3A_55 = vector.broadcast %get3A_52 : vector<1x128xf32> to vector<10000x128xf32>
    %mul3A_56 = arith.mulf %mul3A_55, %sub3A_54 : vector<10000x128xf32>
    %add3A_57 = arith.constant 9.99999974E-6 : f32
    %add3A_58 = vector.broadcast %add3A_57 : f32 to vector<1x128xf32>
    %add3A_59 = arith.addf %div3A_49, %add3A_58 : vector<1x128xf32>
    %rsqrt3A = math.rsqrt %add3A_59 : vector<1x128xf32>
    %mul3A_60 = vector.broadcast %rsqrt3A : vector<1x128xf32> to vector<10000x128xf32>
    %mul3A_61 = arith.mulf %mul3A_56, %mul3A_60 : vector<10000x128xf32>
    %get3A_62 = arith.constant 0 : index
    %get3A_63 = arith.constant 0 : index
    %get3A_64 = vector.load %arg7[%get3A_62, %get3A_63] : memref<1x128xf32, #tpu.memory_space<vmem>>, vector<1x128xf32>
    %add3A_65 = vector.broadcast %get3A_64 : vector<1x128xf32> to vector<10000x128xf32>
    %add3A_66 = arith.addf %mul3A_61, %add3A_65 : vector<10000x128xf32>
    %swap3A = arith.constant 0 : index
    %swap3A_67 = arith.constant 0 : index
    %swap3A_68 = vector.load %arg9[%swap3A, %swap3A_67] : memref<10000x128xf32, #tpu.memory_space<vmem>>, vector<10000x128xf32>
    tpu.vector_store %arg9[%swap3A, %swap3A_67], %add3A_66 {strides = array<i32>} : memref<10000x128xf32, #tpu.memory_space<vmem>>, vector<10000x128xf32>,
    return
  }
}

module attributes {stable_mosaic.version = 14 : i64} {
  func.func @_tc_layer3_head_body(%arg0: memref<10000x128xf32, #tpu.memory_space<vmem>>, %arg1: memref<20224x128xf32, #tpu.memory_space<vmem>>, %arg2: memref<128x128xf32, #tpu.memory_space<vmem>>, %arg3: memref<1x128xf32, #tpu.memory_space<vmem>>, %arg4: memref<128x128xf32, #tpu.memory_space<vmem>>, %arg5: memref<1x128xf32, #tpu.memory_space<vmem>>, %arg6: memref<1x128xf32, #tpu.memory_space<vmem>>, %arg7: memref<1x128xf32, #tpu.memory_space<vmem>>, %arg8: memref<1x1xf32, #tpu.memory_space<vmem>>, %arg9: memref<10000x128xf32, #tpu.memory_space<vmem>>, %arg10: memref<1x10000xi32, #tpu.memory_space<vmem>>, %arg11: memref<384x128xf32, #tpu.memory_space<vmem>>, %arg12: memref<1x128xf32, #tpu.memory_space<vmem>>, %arg13: memref<128x10xf32, #tpu.memory_space<vmem>>, %arg14: memref<1x10xf32, #tpu.memory_space<vmem>>, %arg15: memref<128x10xf32, #tpu.memory_space<vmem>>) attributes {dimension_semantics = [], scalar_prefetch = 0 : i64, scratch_operands = 0 : i64, tpu.core_type = #tpu.core_type<tc>} {
    %get3A = arith.constant 0 : index
    %get3A_0 = arith.constant 0 : index
    %get3A_1 = vector.load %arg8[%get3A, %get3A_0] : memref<1x1xf32, #tpu.memory_space<vmem>>, vector<1x1xf32>
    %get3A_2 = vector.extract %get3A_1[0, 0] : f32 from vector<1x1xf32>
    %add3A = arith.constant 1.000000e+00 : f32
    %add3A_3 = arith.addf %add3A, %get3A_2 : f32
    %get3A_4 = arith.constant 0 : index
    %get3A_5 = arith.constant 0 : index
    %get3A_6 = vector.load %arg0[%get3A_4, %get3A_5] : memref<10000x128xf32, #tpu.memory_space<vmem>>, vector<10000x128xf32>
    %mul3A = vector.broadcast %add3A_3 : f32 to vector<10000x128xf32>
    %mul3A_7 = arith.mulf %mul3A, %get3A_6 : vector<10000x128xf32>
    %get3A_8 = arith.constant 0 : index
    %get3A_9 = arith.constant 0 : index
    %get3A_10 = vector.load %arg1[%get3A_8, %get3A_9] : memref<20224x128xf32, #tpu.memory_space<vmem>>, vector<10000x128xf32>
    %add3A_11 = arith.addf %mul3A_7, %get3A_10 : vector<10000x128xf32>
    %get3A_12 = arith.constant 10112 : index
    %get3A_13 = arith.constant 0 : index
    %get3A_14 = vector.load %arg1[%get3A_12, %get3A_13] : memref<20224x128xf32, #tpu.memory_space<vmem>>, vector<10000x128xf32>
    %add3A_15 = arith.addf %add3A_11, %get3A_14 : vector<10000x128xf32>
    %get3A_16 = arith.constant 0 : index
    %get3A_17 = arith.constant 0 : index
    %get3A_18 = vector.load %arg2[%get3A_16, %get3A_17] : memref<128x128xf32, #tpu.memory_space<vmem>>, vector<128x128xf32>
    %dot_general3A = arith.constant dense<0.000000e+00> : vector<10000x128xf32>
    %dot_general3A_19 = tpu.matmul %add3A_15, %get3A_18, %dot_general3A {dimension_numbers = #tpu.dot_dimension_numbers<[1], [0], [0], [1], [0, 0, 1, 1], [], []>, transpose_lhs_hint = false} : vector<10000x128xf32>, vector<128x128xf32>, vector<10000x128xf32> -> vector<10000x128xf32>
    %get3A_20 = arith.constant 0 : index
    %get3A_21 = arith.constant 0 : index
    %get3A_22 = vector.load %arg3[%get3A_20, %get3A_21] : memref<1x128xf32, #tpu.memory_space<vmem>>, vector<1x128xf32>
    %add3A_23 = vector.broadcast %get3A_22 : vector<1x128xf32> to vector<10000x128xf32>
    %add3A_24 = arith.addf %dot_general3A_19, %add3A_23 : vector<10000x128xf32>
    %max3A = arith.constant 0.000000e+00 : f32
    %max3A_25 = vector.broadcast %max3A : f32 to vector<10000x128xf32>
    %max3A_26 = arith.maximumf %add3A_24, %max3A_25 : vector<10000x128xf32>
    %get3A_27 = arith.constant 0 : index
    %get3A_28 = arith.constant 0 : index
    %get3A_29 = vector.load %arg4[%get3A_27, %get3A_28] : memref<128x128xf32, #tpu.memory_space<vmem>>, vector<128x128xf32>
    %dot_general3A_30 = arith.constant dense<0.000000e+00> : vector<10000x128xf32>
    %dot_general3A_31 = tpu.matmul %max3A_26, %get3A_29, %dot_general3A_30 {dimension_numbers = #tpu.dot_dimension_numbers<[1], [0], [0], [1], [0, 0, 1, 1], [], []>, transpose_lhs_hint = false} : vector<10000x128xf32>, vector<128x128xf32>, vector<10000x128xf32> -> vector<10000x128xf32>
    %get3A_32 = arith.constant 0 : index
    %get3A_33 = arith.constant 0 : index
    %get3A_34 = vector.load %arg5[%get3A_32, %get3A_33] : memref<1x128xf32, #tpu.memory_space<vmem>>, vector<1x128xf32>
    %add3A_35 = vector.broadcast %get3A_34 : vector<1x128xf32> to vector<10000x128xf32>
    %add3A_36 = arith.addf %dot_general3A_31, %add3A_35 : vector<10000x128xf32>
    %max3A_37 = arith.constant 0.000000e+00 : f32
    %max3A_38 = vector.broadcast %max3A_37 : f32 to vector<10000x128xf32>
    %max3A_39 = arith.maximumf %add3A_36, %max3A_38 : vector<10000x128xf32>
    %reduce_sum3A = arith.constant dense<0.000000e+00> : vector<128xf32>
    %reduce_sum3A_40 = vector.multi_reduction <add>, %max3A_39, %reduce_sum3A [0] : vector<10000x128xf32> to vector<128xf32>
    %broadcast_in_dim3A = vector.shape_cast %reduce_sum3A_40 : vector<128xf32> to vector<1x128xf32>
    %div3A = arith.constant 1.000000e+04 : f32
    %div3A_41 = vector.broadcast %div3A : f32 to vector<1x128xf32>
    %div3A_42 = arith.divf %broadcast_in_dim3A, %div3A_41 : vector<1x128xf32>
    %sub3A = vector.broadcast %div3A_42 : vector<1x128xf32> to vector<10000x128xf32>
    %sub3A_43 = arith.subf %max3A_39, %sub3A : vector<10000x128xf32>
    %integer_pow3A = arith.mulf %sub3A_43, %sub3A_43 : vector<10000x128xf32>
    %reduce_sum3A_44 = arith.constant dense<0.000000e+00> : vector<128xf32>
    %reduce_sum3A_45 = vector.multi_reduction <add>, %integer_pow3A, %reduce_sum3A_44 [0] : vector<10000x128xf32> to vector<128xf32>
    %broadcast_in_dim3A_46 = vector.shape_cast %reduce_sum3A_45 : vector<128xf32> to vector<1x128xf32>
    %div3A_47 = arith.constant 1.000000e+04 : f32
    %div3A_48 = vector.broadcast %div3A_47 : f32 to vector<1x128xf32>
    %div3A_49 = arith.divf %broadcast_in_dim3A_46, %div3A_48 : vector<1x128xf32>
    %get3A_50 = arith.constant 0 : index
    %get3A_51 = arith.constant 0 : index
    %get3A_52 = vector.load %arg6[%get3A_50, %get3A_51] : memref<1x128xf32, #tpu.memory_space<vmem>>, vector<1x128xf32>
    %sub3A_53 = vector.broadcast %div3A_42 : vector<1x128xf32> to vector<10000x128xf32>
    %sub3A_54 = arith.subf %max3A_39, %sub3A_53 : vector<10000x128xf32>
    %mul3A_55 = vector.broadcast %get3A_52 : vector<1x128xf32> to vector<10000x128xf32>
    %mul3A_56 = arith.mulf %mul3A_55, %sub3A_54 : vector<10000x128xf32>
    %add3A_57 = arith.constant 9.99999974E-6 : f32
    %add3A_58 = vector.broadcast %add3A_57 : f32 to vector<1x128xf32>
    %add3A_59 = arith.addf %div3A_49, %add3A_58 : vector<1x128xf32>
    %rsqrt3A = math.rsqrt %add3A_59 : vector<1x128xf32>
    %mul3A_60 = vector.broadcast %rsqrt3A : vector<1x128xf32> to vector<10000x128xf32>
    %mul3A_61 = arith.mulf %mul3A_56, %mul3A_60 : vector<10000x128xf32>
    %get3A_62 = arith.constant 0 : index
    %get3A_63 = arith.constant 0 : index
    %get3A_64 = vector.load %arg7[%get3A_62, %get3A_63] : memref<1x128xf32, #tpu.memory_space<vmem>>, vector<1x128xf32>
    %add3A_65 = vector.broadcast %get3A_64 : vector<1x128xf32> to vector<10000x128xf32>
    %add3A_66 = arith.addf %mul3A_61, %add3A_65 : vector<10000x128xf32>
    %get3A_67 = arith.constant 0 : index
    %get3A_68 = arith.constant 0 : index
    %get3A_69 = vector.load %arg10[%get3A_67, %get3A_68] : memref<1x10000xi32, #tpu.memory_space<vmem>>, vector<1x10000xi32>
    %iota3A = tpu.iota {dimensions = array<i32: 0>} : vector<128x10000xi32>
    %eq3A = vector.broadcast %get3A_69 : vector<1x10000xi32> to vector<128x10000xi32>
    %eq3A_70 = arith.cmpi eq, %eq3A, %iota3A : vector<128x10000xi32>
    %jit3A = arith.constant 1.000000e+00 : f32
    %jit3A_71 = arith.constant 0.000000e+00 : f32
    %broadcast_in_dim3A_72 = vector.broadcast %jit3A : f32 to vector<128x10000xf32>
    %broadcast_in_dim3A_73 = vector.broadcast %jit3A_71 : f32 to vector<128x10000xf32>
    %select_n3A = arith.select %eq3A_70, %broadcast_in_dim3A_72, %broadcast_in_dim3A_73 : vector<128x10000xi1>, vector<128x10000xf32>
    %reduce_sum3A_74 = arith.constant dense<0.000000e+00> : vector<128xf32>
    %reduce_sum3A_75 = vector.multi_reduction <add>, %select_n3A, %reduce_sum3A_74 [1] : vector<128x10000xf32> to vector<128xf32>
    %broadcast_in_dim3A_76 = vector.shape_cast %reduce_sum3A_75 : vector<128xf32> to vector<128x1xf32>
    %max3A_77 = arith.constant 1.000000e+00 : f32
    %max3A_78 = vector.broadcast %max3A_77 : f32 to vector<128x1xf32>
    %max3A_79 = arith.maximumf %broadcast_in_dim3A_76, %max3A_78 : vector<128x1xf32>
    %get3A_80 = arith.constant 0 : index
    %get3A_81 = arith.constant 0 : index
    %get3A_82 = vector.load %arg9[%get3A_80, %get3A_81] : memref<10000x128xf32, #tpu.memory_space<vmem>>, vector<10000x128xf32>
    %dot_general3A_83 = arith.constant dense<0.000000e+00> : vector<128x128xf32>
    %dot_general3A_84 = tpu.matmul %select_n3A, %get3A_82, %dot_general3A_83 {dimension_numbers = #tpu.dot_dimension_numbers<[1], [0], [0], [1], [0, 0, 1, 1], [], []>, transpose_lhs_hint = false} : vector<128x10000xf32>, vector<10000x128xf32>, vector<128x128xf32> -> vector<128x128xf32>
    %get3A_85 = arith.constant 0 : index
    %get3A_86 = arith.constant 0 : index
    %get3A_87 = vector.load %arg0[%get3A_85, %get3A_86] : memref<10000x128xf32, #tpu.memory_space<vmem>>, vector<10000x128xf32>
    %dot_general3A_88 = arith.constant dense<0.000000e+00> : vector<128x128xf32>
    %dot_general3A_89 = tpu.matmul %select_n3A, %get3A_87, %dot_general3A_88 {dimension_numbers = #tpu.dot_dimension_numbers<[1], [0], [0], [1], [0, 0, 1, 1], [], []>, transpose_lhs_hint = false} : vector<128x10000xf32>, vector<10000x128xf32>, vector<128x128xf32> -> vector<128x128xf32>
    %dot_general3A_90 = arith.constant dense<0.000000e+00> : vector<128x128xf32>
    %dot_general3A_91 = tpu.matmul %select_n3A, %add3A_66, %dot_general3A_90 {dimension_numbers = #tpu.dot_dimension_numbers<[1], [0], [0], [1], [0, 0, 1, 1], [], []>, transpose_lhs_hint = false} : vector<128x10000xf32>, vector<10000x128xf32>, vector<128x128xf32> -> vector<128x128xf32>
    %concatenate3A = tpu.concatenate %dot_general3A_84, %dot_general3A_89, %dot_general3A_91 in 1 : vector<128x128xf32>, vector<128x128xf32>, vector<128x128xf32> -> vector<128x384xf32>
    %div3A_92 = vector.broadcast %max3A_79 : vector<128x1xf32> to vector<128x384xf32>
    %div3A_93 = arith.divf %concatenate3A, %div3A_92 : vector<128x384xf32>
    %get3A_94 = arith.constant 0 : index
    %get3A_95 = arith.constant 0 : index
    %get3A_96 = vector.load %arg11[%get3A_94, %get3A_95] : memref<384x128xf32, #tpu.memory_space<vmem>>, vector<384x128xf32>
    %dot_general3A_97 = arith.constant dense<0.000000e+00> : vector<128x128xf32>
    %dot_general3A_98 = tpu.matmul %div3A_93, %get3A_96, %dot_general3A_97 {dimension_numbers = #tpu.dot_dimension_numbers<[1], [0], [0], [1], [0, 0, 1, 1], [], []>, transpose_lhs_hint = false} : vector<128x384xf32>, vector<384x128xf32>, vector<128x128xf32> -> vector<128x128xf32>
    %get3A_99 = arith.constant 0 : index
    %get3A_100 = arith.constant 0 : index
    %get3A_101 = vector.load %arg12[%get3A_99, %get3A_100] : memref<1x128xf32, #tpu.memory_space<vmem>>, vector<1x128xf32>
    %add3A_102 = vector.broadcast %get3A_101 : vector<1x128xf32> to vector<128x128xf32>
    %add3A_103 = arith.addf %dot_general3A_98, %add3A_102 : vector<128x128xf32>
    %max3A_104 = arith.constant 0.000000e+00 : f32
    %max3A_105 = vector.broadcast %max3A_104 : f32 to vector<128x128xf32>
    %max3A_106 = arith.maximumf %add3A_103, %max3A_105 : vector<128x128xf32>
    %get3A_107 = arith.constant 0 : index
    %get3A_108 = arith.constant 0 : index
    %get3A_109 = vector.load %arg13[%get3A_107, %get3A_108] : memref<128x10xf32, #tpu.memory_space<vmem>>, vector<128x10xf32>
    %dot_general3A_110 = arith.constant dense<0.000000e+00> : vector<128x10xf32>
    %dot_general3A_111 = tpu.matmul %max3A_106, %get3A_109, %dot_general3A_110 {dimension_numbers = #tpu.dot_dimension_numbers<[1], [0], [0], [1], [0, 0, 1, 1], [], []>, transpose_lhs_hint = false} : vector<128x128xf32>, vector<128x10xf32>, vector<128x10xf32> -> vector<128x10xf32>
    %get3A_112 = arith.constant 0 : index
    %get3A_113 = arith.constant 0 : index
    %get3A_114 = vector.load %arg14[%get3A_112, %get3A_113] : memref<1x10xf32, #tpu.memory_space<vmem>>, vector<1x10xf32>
    %add3A_115 = vector.broadcast %get3A_114 : vector<1x10xf32> to vector<128x10xf32>
    %add3A_116 = arith.addf %dot_general3A_111, %add3A_115 : vector<128x10xf32>
    %reduce_max3A = arith.constant dense<0xFF800000> : vector<128xf32>
    %reduce_max3A_117 = vector.multi_reduction <maximumf>, %add3A_116, %reduce_max3A [1] : vector<128x10xf32> to vector<128xf32>
    %broadcast_in_dim3A_118 = vector.shape_cast %reduce_max3A_117 : vector<128xf32> to vector<128x1xf32>
    %sub3A_119 = vector.broadcast %broadcast_in_dim3A_118 : vector<128x1xf32> to vector<128x10xf32>
    %sub3A_120 = arith.subf %add3A_116, %sub3A_119 : vector<128x10xf32>
    %exp3A = math.exp %sub3A_120 : vector<128x10xf32>
    %reduce_sum3A_121 = arith.constant dense<0.000000e+00> : vector<128xf32>
    %reduce_sum3A_122 = vector.multi_reduction <add>, %exp3A, %reduce_sum3A_121 [1] : vector<128x10xf32> to vector<128xf32>
    %broadcast_in_dim3A_123 = vector.shape_cast %reduce_sum3A_122 : vector<128xf32> to vector<128x1xf32>
    %log3A = math.log %broadcast_in_dim3A_123 : vector<128x1xf32>
    %sub3A_124 = vector.broadcast %log3A : vector<128x1xf32> to vector<128x10xf32>
    %sub3A_125 = arith.subf %sub3A_120, %sub3A_124 : vector<128x10xf32>
    %swap3A = arith.constant 0 : index
    %swap3A_126 = arith.constant 0 : index
    %swap3A_127 = vector.load %arg15[%swap3A, %swap3A_126] : memref<128x10xf32, #tpu.memory_space<vmem>>, vector<128x10xf32>
    tpu.vector_store %arg15[%swap3A, %swap3A_126], %sub3A_125 {strides = array<i32>} : memref<128x10xf32, #tpu.memory_space<vmem>>, vector<128x10xf32>,
    return
  }
}

</mosaic_0001>

<sc_bundles>
// kernel: kernel.11.cloned.1.call-start
scs
__scs_entry_jumppad:
0x0: {  	(pc) =	sbr.rel $0x88, $3  }
0x1: {  	(tag) =	ssettag $0x0;
	lr =	simm.s32 $0x1  }
0x2: {  	[smem:$0x3F85] =	sst lr;
	_ =	strace $0xD0000000  }
0x3: {  	_ = 	snop  }
0x4: {  	_ = 	snop  }
0x5: {  	_ = 	snop  }
0x6: {  	_ = 	snop  }
0x7: {  	_ = 	snop  }
__scs_overlays_trampoline_lowered:
0x8: {  	[smem:$0x3F94] =	sst s0  }
0x9: {  	[smem:$0x3F95] =	sst s1  }
0xa: {  	[smem:$0x3F96] =	sst s2  }
0xb: {  	[smem:$0x3F97] =	sst s3  }
0xc: {  	[smem:$0x3F98] =	sst s4  }
0xd: {  	[smem:$0x3F99] =	sst s5  }
0xe: {  	[smem:$0x3F9A] =	sst s6  }
0xf: {  	[smem:$0x3F9B] =	sst s7  }
0x10: {  	[smem:$0x3F9C] =	sst s8  }
0x11: {  	[smem:$0x3F9D] =	sst s9;
	s0 =	simm.s32 @!p0 $0x0  }
0x12: {  	s1 =	sld [smem:$0x3F83];
	s0 =	simm.s32 @p0 $0x1  }
0x13: {  	[smem:$0x3F9E] =	sst s0;
	s0 =	simm.s32 @!p1 $0x0  }
0x14: {  	s2 =	sld [smem:$0x3F82];
	s0 =	simm.s32 @p1 $0x1  }
0x15: {  	[smem:$0x3F9F] =	sst s0;
	s0 =	simm.s32 @!p2 $0x0  }
0x16: {  	s3 =	sld [smem:$0x3FDB];
	s0 =	simm.s32 @p2 $0x1  }
0x17: {  	s4 =	simm.s32 $0x1BF5;
	[smem:$0x3FA1] =	sst s0  }
0x18: {  	s0 =	sld [smem:$0x3F84];
	_ =	swait.ge [sflag:s4], $0x0  }
0x19: {  	s7 =	sld [smem:$0x3F85]  }
0x1a: {  	s8 =	sadd.s32 $0xFFFFE003, lr  }
0x1b: {  	s9 =	sadd.s32 $0xFFFFFEF7, lr;
	s5 =	simm.s32 $0xFFFFFFFF;
	p2 =	slt.u32 s8, $0xFFFFF086  }
0x1c: {  	p1 =	slt.u32 s9, $0xF7A;
	s5 =	simm.s32 @!p2 $0x0  }
0x1d: {  	s5 =	simm.s32 @p1 $0x1;
	p0 =	seq.s32 s7, s2  }
0x1e: {  	s7 =	smul.u32 @!p0 $0xF7A, s2;
	p2 =	seq.s32 @!p0 s5, $0x0  }
0x1f: {  	s9 =	smul.u32 $0xF7A, s1;
	s8 =	simm.s32 @!p0 $0x1BF5;
	p2 =	por !p2, p0  }
0x20: {  	[sflag:s8] =	ssyncset.s32 @!p0 $0xFFFFF086;
	s6 =	sadd.s32 @!p0 s3, s7;
	s7 =	simm.s32 @!p0 $0x108  }
0x21: {  	s3 =	sadd.s32 s3, s9;
	s6 =	sadd.s32 @!p0 $0x88, s6;
	s7 =	simm.s32 @p2 $0x1082  }
0x22: {  	[simem:s7], [sflag:s8] =	dma.local @!p0 [hbm:s6], $0xF7A  }
0x23: {  	s9 =	sor.u32 $0xD0000000, s2;
	s6 =	simm.s32 $0x108;
	_ =	swait.ge @!p0 [sflag:s8], $0x0  }
0x24: {  	s3 =	sadd.s32 $0x88, s3;
	s6 =	simm.s32 @!p1 $0x1082;
	[sflag:s4] =	ssyncset.s32 $0xFFFFF086  }
0x25: {  	[simem:s6], [sflag:s4] =	dma.local [hbm:s3], $0xF7A  }
0x26: {  	[smem:$0x3F85] =	sst s1;
	(tag) =	ssettag s2;
	_ =	strace s9  }
0x27: {  	s1 =	sld [smem:$0x3F95]  }
0x28: {  	s2 =	sld [smem:$0x3F96]  }
0x29: {  	s4 =	sld [smem:$0x3F98]  }
0x2a: {  	p0 =	seq.s32 s5, $0x0;
	s5 =	sld [smem:$0x3F99]  }
0x2b: {  	s6 =	sld [smem:$0x3F9A]  }
0x2c: {  	s7 =	sld [smem:$0x3F9B]  }
0x2d: {  	s3 =	simm.s32 $0x108;
	s8 =	sld [smem:$0x3F9C]  }
0x2e: {  	s3 =	simm.s32 @!p0 $0x1082;
	s9 =	sld [smem:$0x3F9D]  }
0x2f: {  	lr =	sadd.s32 s0, s3;
	s0 =	sld [smem:$0x3F94]  }
0x30: {  	s3 =	sld [smem:$0x3F97]  }
0x31: {  	[smem:$0x3FA0] =	sst s10  }
0x32: {  	s10 =	sld [smem:$0x3F9E];
	_ =	sdelay $0x3  }
0x33: {  	p0 =	seq.s32 s10, $0x1;
	s10 =	sld [smem:$0x3FA0];
	_ =	sdelay $0x3  }
0x34: {  	[smem:$0x3FA0] =	sst s10  }
0x35: {  	s10 =	sld [smem:$0x3F9F];
	_ =	sdelay $0x3  }
0x36: {  	p1 =	seq.s32 s10, $0x1;
	s10 =	sld [smem:$0x3FA0];
	_ =	sdelay $0x3  }
0x37: {  	[smem:$0x3FA0] =	sst s10  }
0x38: {  	s10 =	sld [smem:$0x3FA1]  }
0x39: {  	_ = 	snop;
	(pc) =	sbr.ind lr, $3  }
0x3a: {  	_ = 	snop  }
0x3b: {  	_ = 	snop  }
0x3c: {  	p2 =	seq.s32 s10, $0x1;
	s10 =	sld [smem:$0x3FA0]  }
0x3d: {  	_ =	shalt  }
0x3e: {  	_ =	shalt  }
0x3f: {  	_ =	shalt  }
0x40: {  	_ =	shalt  }
0x41: {  	_ =	shalt  }
0x42: {  	_ =	shalt  }
0x43: {  	_ =	shalt  }
0x44: {  	_ =	shalt  }
0x45: {  	_ =	shalt  }
0x46: {  	_ =	shalt  }
0x47: {  	_ =	shalt  }
0x48: {  	_ =	shalt  }
0x49: {  	_ =	shalt  }
0x4a: {  	_ =	shalt  }
0x4b: {  	_ =	shalt  }
0x4c: {  	_ =	shalt  }
0x4d: {  	_ =	shalt  }
0x4e: {  	_ =	shalt  }
0x4f: {  	_ =	shalt  }
0x50: {  	_ =	shalt  }
0x51: {  	_ =	shalt  }
0x52: {  	_ =	shalt  }
0x53: {  	_ =	shalt  }
0x54: {  	_ =	shalt  }
0x55: {  	_ =	shalt  }
0x56: {  	_ =	shalt  }
0x57: {  	_ =	shalt  }
0x58: {  	_ =	shalt  }
0x59: {  	_ =	shalt  }
0x5a: {  	_ =	shalt  }
0x5b: {  	_ =	shalt  }
0x5c: {  	_ =	shalt  }
0x5d: {  	_ =	shalt  }
0x5e: {  	_ =	shalt  }
0x5f: {  	_ =	shalt  }
0x60: {  	_ =	shalt  }
0x61: {  	_ =	shalt  }
0x62: {  	_ =	shalt  }
0x63: {  	_ =	shalt  }
0x64: {  	_ =	shalt  }
0x65: {  	_ =	shalt  }
0x66: {  	_ =	shalt  }
0x67: {  	_ =	shalt  }
0x68: {  	_ =	shalt  }
0x69: {  	_ =	shalt  }
0x6a: {  	_ =	shalt  }
0x6b: {  	_ =	shalt  }
0x6c: {  	_ =	shalt  }
0x6d: {  	_ =	shalt  }
0x6e: {  	_ =	shalt  }
0x6f: {  	_ =	shalt  }
0x70: {  	_ =	shalt  }
0x71: {  	_ =	shalt  }
0x72: {  	_ =	shalt  }
0x73: {  	_ =	shalt  }
0x74: {  	_ =	shalt  }
0x75: {  	_ =	shalt  }
0x76: {  	_ =	shalt  }
0x77: {  	_ =	shalt  }
0x78: {  	_ =	shalt  }
0x79: {  	_ =	shalt  }
0x7a: {  	_ =	shalt  }
0x7b: {  	_ =	shalt  }
0x7c: {  	_ =	shalt  }
0x7d: {  	_ =	shalt  }
0x7e: {  	_ =	shalt  }
0x7f: {  	_ =	shalt  }
0x80: {  	_ =	shalt  }
0x81: {  	_ =	shalt  }
0x82: {  	_ =	shalt  }
0x83: {  	_ =	shalt  }
0x84: {  	_ =	shalt  }
0x85: {  	_ =	shalt  }
0x86: {  	_ =	shalt  }
0x87: {  	_ =	shalt  }
.Lfunc_end0:
.L_simem_size_0:
called_computation.1_lowered:
.L_overlay_start_0:
0x88: {  	s2 =	sld [smem:$0x3FD9]  }
0x89: {  	s3 =	sld [smem:$0x3FFE];
	_ =	sdelay $0x1  }
0x8a: {  	s1 =	srdreg.scid  }
0x8b: {  	s0 =	sand.u32 $0x1, s1  }
0x8c: {  	s16 =	sshll.u32 s0, $0xA;
	s2 =	sadd.s32 s3, s2  }
0x8d: {  	s2 =	sadd.s32 s2, s16  }
0x8e: {  	[smem:$0x3FAC] =	sst s2  }
0x8f: {  	_ = 	snop  }
0x90: {  	(tm) =	ssettm $0x1  }
0x91: {  	s17 =	sld [smem:$0x3FFB];
	_ =	sdelay $0x3  }
0x92: {  	_ =	strace s17  }
0x93: {  	s2 =	sld [smem:$0x3FFC];
	_ =	sdelay $0x3  }
0x94: {  	_ =	strace s2  }
0x95: {  	s2 =	sld [smem:$0x3FFD];
	_ =	sdelay $0x3  }
0x96: {  	_ =	strace s2  }
0x97: {  	_ =	strace $0x8FFFFFFF  }
0x98: {  	s18 =	sld [smem:$0x3FDB];
	_ =	sdelay $0x1  }
0x99: {  	s19 =	simm.s32 $_scs_section_size  }
0x9a: {  	s4 =	simm.s32 $_size__tile_overlayer_lowered;
	s5 =	simm.s32 $_tile_overlayer_lowered  }
0x9b: {  	s22 =	simm.s32 $0x1BFF;
	s21 =	sshll.u32 s5, $0x1;
	s2 =	sadd.s32 s19, s18  }
0x9c: {  	s6 =	simm.s32 $0x0;
	s20 =	sshll.u32 s4, $0x1;
	s4 =	sadd.s32 s21, s2  }
0x9d: {  	[timem:s6], [sflag:s22] =	dma.local [hbm:s4], s20  }
0x9e: {  	_ =	swait.ge [sflag:s22], s20  }
0x9f: {  	s3 =	ssub.s32 $0x0, s20;
	[sflag:s22] =	ssyncset.done $0x0  }
0xa0: {  	[sflag:s22] =	ssyncadd.s32 s3;
	_ =	sdelay $0x1  }
0xa1: {  	s23 =	simm.s32 $0x1B8B  }
0xa2: {  	_ =	swait.ge [sflag:s23], $0x1  }
0xa3: {  	[sflag:s23] =	ssyncset.done $0x0  }
0xa4: {  	s25 =	simm.s32 $0x1B8E;
	s24 =	sld [smem:$0x3FFE];
	[sflag:s23] =	ssyncadd.s32 $0xFFFFFFFF  }
0xa5: {  	s26 =	simm.s32 $execute0_lowered;
	[smem:$0x3FD2] =	sst s25  }
0xa6: {  	s4 =	sshll.u32 s26, $0x1;
	_ =	strace $0x80000049;
	[dreg:$0x1] =	wrdreg $0xFFFFFFFF  }
0xa7: {  	s28 =	simm.s32 $_size_execute0_lowered;
	s2 =	sadd.s32 s2, s4;
	[dreg:$0x0] =	wrdreg $0x0  }
0xa8: {  	s4 =	sshll.u32 s28, $0x1;
	[dreg:$0x2] =	wrdreg s2  }
0xa9: {  	[dreg:$0x3] =	wrdreg s4  }
0xaa: {  	[dreg:$0x4] =	wrdreg $0xC0  }
0xab: {  	_ =	task [dreg:s6], $0x5FFFF  }
0xac: {  	[dreg:$0x1] =	wrdreg $0xFFFFFFFF  }
0xad: {  	[dreg:$0x0] =	wrdreg $0x60  }
0xae: {  	[dreg:$0x2] =	wrdreg s24  }
0xaf: {  	[dreg:$0x3] =	wrdreg $0x0  }
0xb0: {  	[dreg:$0x4] =	wrdreg $0x9  }
0xb1: {  	_ =	task.clear_ibuf [dreg:s6], $0x5FFFF;
	_ =	strace $0x90000049  }
0xb2: {  	s29 =	simm.s32 $0x9;
	_ =	strace $0x8000004B  }
0xb3: {  	_ =	swait.ge [sflag:s29], $0x1  }
0xb4: {  	[sflag:s29] =	ssyncadd.s32 $0xFFFFFFFF  }
0xb5: {  	_ =	strace $0x9000004B  }
0xb6: {  	_ =	sfence  }
0xb7: {  	s30 =	sld [smem:$0x0];
	_ =	sdelay $0x2  }
0xb8: {  	s31 =	sshll.u32 s1, $0xD;
	s1 =	sshrl.u32 s1, $0x2  }
0xb9: {  	s3 =	sand.u32 $0x4000, s31;
	s1 =	sadd.s32 s1, s30  }
0xba: {  	s0 =	sor.u32 s3, s0;
	s1 =	sshll.u32 s1, $0x11  }
0xbb: {  	s0 =	sor.u32 s1, s0  }
0xbc: {  	s0 =	sadd.s32 $0x8F2B, s0  }
0xbd: {  	[sflag:s0] =	ssyncadd.remote.s32 $0x1  }
0xbe: {  	_ =	sfence.sel $0xFFFF  }
0xbf: {  	[dreg:$0x0] =	wrdreg $0xFFFFFFFF;
	(pc) =	sbr.abs _section_cstart, $3  }
0xc0: {  	[dreg:$0x1] =	wrdreg $0xFFFFFFFF  }
0xc1: {  	_ =	task.clear_ibuf [dreg:s6], $0x2FFFF;
	_ =	strace $0x9FFFFFFF  }
0xc2: {  	(tm) =	ssettm $0x7FFFFFFF  }
0xc3: {  	_ =	shalt  }
tec
execute0_lowered:
.L_overlay_start_1:
0x0: {  	(tag) =	ssettag $0x1  }
0x1: {  	s0 =	rddreg [dreg:$0x0]  }
0x2: {  	s2 =	rddreg [dreg:$0x1];
	s3 =	simm.s32 $0x0  }
0x3: {  	s12 =	stileid.u32;
	s1 =	srdreg.scid;
	s16 =	simm.s32 $0x7  }
0x4: {  	s17 =	simm.s32 $0x13C00;
	s28 =	simm.s32 $0x13D80;
	s29 =	simm.s32 $0x3  }
0x5: {  	s30 =	simm.s32 $0x13E80;
	s31 =	simm.s32 $0x4;
	s5 =	smul.u32 $0x2780, s12  }
0x6: {  	[smem:$0x7FF] =	sst s3;
	s1 =	sand.u32 $0x1, s1;
	s19 =	smul.u32 $0x4F000, s12  }
0x7: {  	s4 =	sadd.s32 $0x40800, s0;
	s7 =	sadd.s32 $0x4A00, s0;
	s21 =	smul.u32 $0x51, s12  }
0x8: {  	s22 =	sshll.u32 s12, $0x6;
	_ =	strace $0x8000004A;
	s6 =	smul.u32 $0x27800, s1  }
0x9: {  	s9 =	sshll.u32 s1, $0x4;
	s20 =	ssub.s32 $0x2, s1;
	s1 =	smul.u32 $0x510, s1  }
0xa: {  	s8 =	sadd.s32 s5, s0;
	s18 =	sor.u32 s12, s9;
	s11 =	sshrl.u32 s20, $0x1  }
0xb: {  	s9 =	sshrl.u32 s19, $0x2;
	s19 =	simm.s32 $0x13F00;
	s5 =	sadd.s32 s5, s6  }
0xc: {  	s10 =	smul.u32 $0x5100, s18;
	s15 =	sadd.s32 s9, s2;
	s8 =	sadd.s32 $0x19000, s8  }
0xd: {  	s23 =	smul.u32 $0xA20, s18;
	s6 =	sor.u32 $0x1C07, s22;
	s1 =	sadd.s32 s21, s1  }
0xe: {  	s18 =	simm.s32 $0x80;
	s21 =	simm.s32 $0x17F00;
	s22 =	simm.s32 $0x13E00  }
0xf: {  	s0 =	sadd.s32 s5, s0;
	s5 =	ssub.s32 s20, s11;
	[dreg:$0x3] =	wrdreg s8  }
0x10: {  	s1 =	sshll.u32 s1, $0x5;
	s15 =	sshrl.u32 s15, $0x3;
	s20 =	simm.s32 $0x13D00  }
0x11: {  	s24 =	sshrl.u32 s10, $0x3;
	s25 =	sadd.s32 s7, s23;
	s1 =	sadd.s32 s1, s7  }
0x12: {  	s10 =	sadd.s32 $0x67A00, s0;
	s11 =	smax.u32 s5, $0x1;
	s23 =	simm.s32 $0x1BF00  }
0x13: {  	s0 =	simm.s32 $0x5;
	s5 =	simm.s32 $0x0;
	[dreg:$0x4] =	wrdreg s25  }
0x14: {  	s8 =	sadd.s32 s7, s24;
	s12 =	sadd.s32 $0xA0, s1;
	s13 =	sadd.s32 $0x80, s1  }
0x15: {  	s14 =	sadd.s32 $0x60, s1;
	s24 =	simm.s32 $0x1;
	s26 =	sadd.s32 $0x20, s8  }
0x16: {  	s25 =	simm.s32 $0x13C80;
	s8 =	sadd.s32 $0x40, s8;
	[dreg:$0x5] =	wrdreg s26  }
0x17: {  	s1 =	simm.s32 $0x6;
	[dreg:$0x6] =	wrdreg s8;
	s26 =	simm.s32 $0x2  }
.LBB2_1:
0x18: {  	s7 =	rddreg [dreg:$0x3]  }
0x19: {  	[spmem:s15], [sflag:s6] =	dma.local [hbm:s7], $0x2780  }
0x1a: {  	_ =	swait.ge [sflag:s16], $0x2780  }
0x1b: {  	[sflag:s16] =	ssyncset.done $0x0  }
0x1c: {  	[sflag:s16] =	ssyncadd.s32 $0xFFFFD880  }
0x1d: {  	[bflag:$0x0] =	sbarrier.arrive $0xFFFF  }
0x1e: {  	s8 =	rddreg [dreg:$0x4]  }
0x1f: {  	[tilespmem:s17], [sflag:$0x7] =	stream.linear.gather [hbm4b:s8+s3], $0x100, $0x38;
	[tilespmem:$0x1FF00] =	vst v63  }
0x20: {  	_ =	swait.ge [sflag:s16], $0x100  }
0x21: {  	[sflag:s16] =	ssyncset.done $0x0  }
0x22: {  	[sflag:s16] =	ssyncadd.s32 $0xFFFFFF00  }
0x23: {  	[tilespmem:s19], [sflag:$0x1] =	stream.indirect.gather [hbm4b:s4+s18], $0x80, s17, s18, $0xb8;
	[tilespmem:$0x1FF00] =	vst v63  }
0x24: {  	s9 =	rddreg [dreg:$0x5]  }
0x25: {  	[tilespmem:s20], [sflag:$0x7] =	stream.linear.gather [hbm4b:s9+s3], $0x100, $0x38;
	[tilespmem:$0x1FF00] =	vst v63  }
0x26: {  	_ =	swait.ge [sflag:s16], $0x100  }
0x27: {  	[sflag:s16] =	ssyncset.done $0x0  }
0x28: {  	[sflag:s16] =	ssyncadd.s32 $0xFFFFFF00  }
0x29: {  	[tilespmem:s21], [sflag:$0x2] =	stream.indirect.gather [hbm4b:s4+s18], $0x80, s20, s18, $0xb8;
	[tilespmem:$0x1FF00] =	vst v63  }
0x2a: {  	s8 =	rddreg [dreg:$0x6]  }
0x2b: {  	[tilespmem:s22], [sflag:$0x7] =	stream.linear.gather [hbm4b:s8+s3], $0x100, $0x38;
	[tilespmem:$0x1FF00] =	vst v63  }
0x2c: {  	_ =	swait.ge [sflag:s16], $0x100  }
0x2d: {  	[sflag:s16] =	ssyncset.done $0x0  }
0x2e: {  	[sflag:s16] =	ssyncadd.s32 $0xFFFFFF00  }
0x2f: {  	[tilespmem:s23], [sflag:$0x3] =	stream.indirect.gather [hbm4b:s4+s18], $0x80, s22, s18, $0xb8;
	[tilespmem:$0x1FF00] =	vst v63  }
0x30: {  	_ =	swait.ge [sflag:s24], $0x4000  }
0x31: {  	[sflag:s24] =	ssyncset.done $0x0  }
0x32: {  	[sflag:s24] =	ssyncadd.s32 $0xFFFFC000  }
0x33: {  	[spmem:s2] =	stream.indirect.scatter.add.f32 [tilespmem:s19], [sflag:$0x4], $0x80, s25, s18, $0xb8;
	[tilespmem:$0x1FF00] =	vst v63  }
0x34: {  	_ =	swait.ge [sflag:s26], $0x4000  }
0x35: {  	[sflag:s26] =	ssyncset.done $0x0  }
0x36: {  	[sflag:s26] =	ssyncadd.s32 $0xFFFFC000  }
0x37: {  	[spmem:s2] =	stream.indirect.scatter.add.f32 [tilespmem:s21], [sflag:$0x5], $0x80, s28, s18, $0xb8;
	[tilespmem:$0x1FF00] =	vst v63  }
0x38: {  	_ =	swait.ge [sflag:s29], $0x4000  }
0x39: {  	[sflag:s29] =	ssyncset.done $0x0  }
0x3a: {  	[sflag:s29] =	ssyncadd.s32 $0xFFFFC000  }
0x3b: {  	[spmem:s2] =	stream.indirect.scatter.add.f32 [tilespmem:s23], [sflag:$0x6], $0x80, s30, s18, $0xb8;
	[tilespmem:$0x1FF00] =	vst v63  }
0x3c: {  	_ =	swait.ge [sflag:s31], $0x4000  }
0x3d: {  	[sflag:s31] =	ssyncset.done $0x0  }
0x3e: {  	s9 =	sadd.s32 $0x0, s14;
	[sflag:s31] =	ssyncadd.s32 $0xFFFFC000  }
0x3f: {  	[tilespmem:s17], [sflag:$0x7] =	stream.linear.gather [hbm4b:s9+s3], $0x100, $0x38;
	[tilespmem:$0x1FF00] =	vst v63  }
0x40: {  	_ =	swait.ge [sflag:s16], $0x100  }
0x41: {  	[sflag:s16] =	ssyncset.done $0x0  }
0x42: {  	[sflag:s16] =	ssyncadd.s32 $0xFFFFFF00  }
0x43: {  	[tilespmem:s19], [sflag:$0x1] =	stream.indirect.gather [hbm4b:s4+s18], $0x80, s17, s18, $0xb8;
	[tilespmem:$0x1FF00] =	vst v63  }
0x44: {  	_ =	swait.ge [sflag:s0], $0x4000  }
0x45: {  	[sflag:s0] =	ssyncset.done $0x0  }
0x46: {  	s8 =	sadd.s32 $0x0, s13;
	[sflag:s0] =	ssyncadd.s32 $0xFFFFC000  }
0x47: {  	[tilespmem:s20], [sflag:$0x7] =	stream.linear.gather [hbm4b:s8+s3], $0x100, $0x38;
	[tilespmem:$0x1FF00] =	vst v63  }
0x48: {  	_ =	swait.ge [sflag:s16], $0x100  }
0x49: {  	[sflag:s16] =	ssyncset.done $0x0  }
0x4a: {  	[sflag:s16] =	ssyncadd.s32 $0xFFFFFF00  }
0x4b: {  	[tilespmem:s21], [sflag:$0x2] =	stream.indirect.gather [hbm4b:s4+s18], $0x80, s20, s18, $0xb8;
	[tilespmem:$0x1FF00] =	vst v63  }
0x4c: {  	_ =	swait.ge [sflag:s1], $0x4000  }
0x4d: {  	[sflag:s1] =	ssyncset.done $0x0  }
0x4e: {  	s9 =	sadd.s32 $0x0, s12;
	[sflag:s1] =	ssyncadd.s32 $0xFFFFC000  }
0x4f: {  	[tilespmem:s22], [sflag:$0x7] =	stream.linear.gather [hbm4b:s9+s3], $0x100, $0x38;
	[tilespmem:$0x1FF00] =	vst v63  }
0x50: {  	_ =	swait.ge [sflag:s16], $0x100  }
0x51: {  	[sflag:s16] =	ssyncset.done $0x0  }
0x52: {  	s7 =	simm.s32 $0x60;
	[sflag:s16] =	ssyncadd.s32 $0xFFFFFF00  }
.LBB2_2:
0x53: {  	[tilespmem:s23], [sflag:$0x3] =	stream.indirect.gather [hbm4b:s4+s18], $0x80, s22, s18, $0xb8;
	[tilespmem:$0x1FF00] =	vst v63  }
0x54: {  	s8 =	smov.u32 s7  }
0x55: {  	p0 =	sne.s32 s7, $0x9C0;
	s7 =	sadd.s32 $0x60, s7;
	_ =	swait.ge [sflag:s24], $0x4000  }
0x56: {  	[sflag:s24] =	ssyncset.done $0x0  }
0x57: {  	[sflag:s24] =	ssyncadd.s32 $0xFFFFC000  }
0x58: {  	[spmem:s2] =	stream.indirect.scatter.add.f32 [tilespmem:s19], [sflag:$0x4], $0x80, s25, s18, $0xb8;
	[tilespmem:$0x1FF00] =	vst v63  }
0x59: {  	_ =	swait.ge [sflag:s26], $0x4000  }
0x5a: {  	[sflag:s26] =	ssyncset.done $0x0  }
0x5b: {  	[sflag:s26] =	ssyncadd.s32 $0xFFFFC000  }
0x5c: {  	[spmem:s2] =	stream.indirect.scatter.add.f32 [tilespmem:s21], [sflag:$0x5], $0x80, s28, s18, $0xb8;
	[tilespmem:$0x1FF00] =	vst v63  }
0x5d: {  	_ =	swait.ge [sflag:s29], $0x4000  }
0x5e: {  	[sflag:s29] =	ssyncset.done $0x0  }
0x5f: {  	[sflag:s29] =	ssyncadd.s32 $0xFFFFC000  }
0x60: {  	[spmem:s2] =	stream.indirect.scatter.add.f32 [tilespmem:s23], [sflag:$0x6], $0x80, s30, s18, $0xb8;
	[tilespmem:$0x1FF00] =	vst v63  }
0x61: {  	_ =	swait.ge [sflag:s31], $0x4000  }
0x62: {  	[sflag:s31] =	ssyncset.done $0x0  }
0x63: {  	s9 =	sadd.s32 s8, s14;
	[sflag:s31] =	ssyncadd.s32 $0xFFFFC000  }
0x64: {  	[tilespmem:s17], [sflag:$0x7] =	stream.linear.gather [hbm4b:s9+s3], $0x100, $0x38;
	[tilespmem:$0x1FF00] =	vst v63  }
0x65: {  	_ =	swait.ge [sflag:s16], $0x100  }
0x66: {  	[sflag:s16] =	ssyncset.done $0x0  }
0x67: {  	[sflag:s16] =	ssyncadd.s32 $0xFFFFFF00  }
0x68: {  	[tilespmem:s19], [sflag:$0x1] =	stream.indirect.gather [hbm4b:s4+s18], $0x80, s17, s18, $0xb8;
	[tilespmem:$0x1FF00] =	vst v63  }
0x69: {  	_ =	swait.ge [sflag:s0], $0x4000  }
0x6a: {  	[sflag:s0] =	ssyncset.done $0x0  }
0x6b: {  	s9 =	sadd.s32 s8, s13;
	[sflag:s0] =	ssyncadd.s32 $0xFFFFC000  }
0x6c: {  	[tilespmem:s20], [sflag:$0x7] =	stream.linear.gather [hbm4b:s9+s3], $0x100, $0x38;
	[tilespmem:$0x1FF00] =	vst v63  }
0x6d: {  	_ =	swait.ge [sflag:s16], $0x100  }
0x6e: {  	[sflag:s16] =	ssyncset.done $0x0  }
0x6f: {  	[sflag:s16] =	ssyncadd.s32 $0xFFFFFF00  }
0x70: {  	[tilespmem:s21], [sflag:$0x2] =	stream.indirect.gather [hbm4b:s4+s18], $0x80, s20, s18, $0xb8;
	[tilespmem:$0x1FF00] =	vst v63  }
0x71: {  	_ =	swait.ge [sflag:s1], $0x4000  }
0x72: {  	[sflag:s1] =	ssyncset.done $0x0  }
.Ltmp0:
0x73: {  	s8 =	sadd.s32 s8, s12;
	[sflag:s1] =	ssyncadd.s32 $0xFFFFC000;
	(pc) =	sbr.rel @p0 .LBB2_2-.Ltmp0, $4  }
0x74: {  	[tilespmem:s22], [sflag:$0x7] =	stream.linear.gather [hbm4b:s8+s3], $0x100, $0x38;
	[tilespmem:$0x1FF00] =	vst v63  }
0x75: {  	_ =	swait.ge [sflag:s16], $0x100  }
0x76: {  	[sflag:s16] =	ssyncset.done $0x0  }
0x77: {  	[sflag:s16] =	ssyncadd.s32 $0xFFFFFF00  }
0x78: {  	[tilespmem:s23], [sflag:$0x3] =	stream.indirect.gather [hbm4b:s4+s18], $0x80, s22, s18, $0xb8;
	[tilespmem:$0x1FF00] =	vst v63  }
0x79: {  	_ =	swait.ge [sflag:s24], $0x4000  }
0x7a: {  	[sflag:s24] =	ssyncset.done $0x0  }
0x7b: {  	[sflag:s24] =	ssyncadd.s32 $0xFFFFC000  }
0x7c: {  	_ =	swait.ge [sflag:s26], $0x4000  }
0x7d: {  	[sflag:s26] =	ssyncset.done $0x0  }
0x7e: {  	[sflag:s26] =	ssyncadd.s32 $0xFFFFC000  }
0x7f: {  	_ =	swait.ge [sflag:s29], $0x4000  }
0x80: {  	s5 =	sadd.s32 $0x1, s5;
	[sflag:s29] =	ssyncset.done $0x0  }
0x81: {  	p0 =	sne.s32 s5, s11;
	[sflag:s29] =	ssyncadd.s32 $0xFFFFC000  }
.Ltmp1:
0x82: {  	[bflag:$0x0] =	sbarrier.arrive $0xFFFF;
	(pc) =	sbr.rel @p0 .LBB2_1-.Ltmp1, $4  }
0x83: {  	[hbm:s10], [sflag:s6] =	dma.local [spmem:s15], $0x2780  }
0x84: {  	_ =	swait.ge [sflag:s16], $0x2780  }
0x85: {  	[sflag:s16] =	ssyncset.done $0x0  }
0x86: {  	[sflag:s16] =	ssyncadd.s32 $0xFFFFD880  }
0x87: {  	_ =	sfence.sel $0x180000  }
0x88: {  	[bflag:$0x0] =	sbarrier.arrive $0xFFFF  }
0x89: {  	_ =	strace $0x9000004A  }
0x8a: {  	s0 =	stileid.u32;
	[bflag:$0x2] =	sbarrier.arrive $0xFFFF  }
0x8b: {  	p0 =	sne.s32 s0, $0x0;
	s0 =	rddreg [dreg:$0x2]  }
0x8c: {  	s0 =	sadd.s32 @!p0 $0x100000, s0  }
0x8d: {  	[sflag:s0] =	ssyncadd.tile.s32 @!p0 $0x1;
	_ =	shalt  }
.Lfunc_end2:
_tile_overlayer_lowered:
.L_overlay_start_2:
0x8e: {  	(tag) =	ssettag $0x2  }
0x8f: {  	s0 =	rddreg [dreg:$0x0];
	s2 =	stileid.u32  }
0x90: {  	s1 =	rddreg [dreg:$0x1];
	p0 =	sne.s32 s2, $0x0  }
0x91: {  	s3 =	rddreg [dreg:$0x2];
	[bflag:$0x3] =	sbarrier.arrive $0xFFFF;
	s2 =	simm.s32 @!p0 $0x1C07  }
0x92: {  	[timem:s3], [sflag:s2] =	dma.local @!p0 [hbm:s0], s1  }
0x93: {  	s0 =	simm.s32 @!p0 $0x7  }
0x94: {  	_ =	swait.ge @!p0 [sflag:s0], s1  }
0x95: {  	s1 =	ssub.s32 @!p0 $0x0, s1;
	[sflag:s0] =	ssyncset.done @!p0 $0x0  }
0x96: {  	[sflag:s0] =	ssyncadd.s32 @!p0 s1  }
0x97: {  	[bflag:$0x3] =	sbarrier.arrive $0xFFFF  }
0x98: {  	_ =	shalt  }

// kernel: kernel.14.cloned.1.call-start
scs
__scs_entry_jumppad:
0x0: {  	(pc) =	sbr.rel $0x88, $3  }
0x1: {  	(tag) =	ssettag $0x0;
	lr =	simm.s32 $0x1  }
0x2: {  	[smem:$0x3F85] =	sst lr;
	_ =	strace $0xD0000000  }
0x3: {  	_ = 	snop  }
0x4: {  	_ = 	snop  }
0x5: {  	_ = 	snop  }
0x6: {  	_ = 	snop  }
0x7: {  	_ = 	snop  }
__scs_overlays_trampoline_lowered:
0x8: {  	[smem:$0x3F94] =	sst s0  }
0x9: {  	[smem:$0x3F95] =	sst s1  }
0xa: {  	[smem:$0x3F96] =	sst s2  }
0xb: {  	[smem:$0x3F97] =	sst s3  }
0xc: {  	[smem:$0x3F98] =	sst s4  }
0xd: {  	[smem:$0x3F99] =	sst s5  }
0xe: {  	[smem:$0x3F9A] =	sst s6  }
0xf: {  	[smem:$0x3F9B] =	sst s7  }
0x10: {  	[smem:$0x3F9C] =	sst s8  }
0x11: {  	[smem:$0x3F9D] =	sst s9;
	s0 =	simm.s32 @!p0 $0x0  }
0x12: {  	s1 =	sld [smem:$0x3F83];
	s0 =	simm.s32 @p0 $0x1  }
0x13: {  	[smem:$0x3F9E] =	sst s0;
	s0 =	simm.s32 @!p1 $0x0  }
0x14: {  	s2 =	sld [smem:$0x3F82];
	s0 =	simm.s32 @p1 $0x1  }
0x15: {  	[smem:$0x3F9F] =	sst s0;
	s0 =	simm.s32 @!p2 $0x0  }
0x16: {  	s3 =	sld [smem:$0x3FDB];
	s0 =	simm.s32 @p2 $0x1  }
0x17: {  	s4 =	simm.s32 $0x1BF5;
	[smem:$0x3FA1] =	sst s0  }
0x18: {  	s0 =	sld [smem:$0x3F84];
	_ =	swait.ge [sflag:s4], $0x0  }
0x19: {  	s7 =	sld [smem:$0x3F85]  }
0x1a: {  	s8 =	sadd.s32 $0xFFFFE003, lr  }
0x1b: {  	s9 =	sadd.s32 $0xFFFFFEF7, lr;
	s5 =	simm.s32 $0xFFFFFFFF;
	p2 =	slt.u32 s8, $0xFFFFF086  }
0x1c: {  	p1 =	slt.u32 s9, $0xF7A;
	s5 =	simm.s32 @!p2 $0x0  }
0x1d: {  	s5 =	simm.s32 @p1 $0x1;
	p0 =	seq.s32 s7, s2  }
0x1e: {  	s7 =	smul.u32 @!p0 $0xF7A, s2;
	p2 =	seq.s32 @!p0 s5, $0x0  }
0x1f: {  	s9 =	smul.u32 $0xF7A, s1;
	s8 =	simm.s32 @!p0 $0x1BF5;
	p2 =	por !p2, p0  }
0x20: {  	[sflag:s8] =	ssyncset.s32 @!p0 $0xFFFFF086;
	s6 =	sadd.s32 @!p0 s3, s7;
	s7 =	simm.s32 @!p0 $0x108  }
0x21: {  	s3 =	sadd.s32 s3, s9;
	s6 =	sadd.s32 @!p0 $0x88, s6;
	s7 =	simm.s32 @p2 $0x1082  }
0x22: {  	[simem:s7], [sflag:s8] =	dma.local @!p0 [hbm:s6], $0xF7A  }
0x23: {  	s9 =	sor.u32 $0xD0000000, s2;
	s6 =	simm.s32 $0x108;
	_ =	swait.ge @!p0 [sflag:s8], $0x0  }
0x24: {  	s3 =	sadd.s32 $0x88, s3;
	s6 =	simm.s32 @!p1 $0x1082;
	[sflag:s4] =	ssyncset.s32 $0xFFFFF086  }
0x25: {  	[simem:s6], [sflag:s4] =	dma.local [hbm:s3], $0xF7A  }
0x26: {  	[smem:$0x3F85] =	sst s1;
	(tag) =	ssettag s2;
	_ =	strace s9  }
0x27: {  	s1 =	sld [smem:$0x3F95]  }
0x28: {  	s2 =	sld [smem:$0x3F96]  }
0x29: {  	s4 =	sld [smem:$0x3F98]  }
0x2a: {  	p0 =	seq.s32 s5, $0x0;
	s5 =	sld [smem:$0x3F99]  }
0x2b: {  	s6 =	sld [smem:$0x3F9A]  }
0x2c: {  	s7 =	sld [smem:$0x3F9B]  }
0x2d: {  	s3 =	simm.s32 $0x108;
	s8 =	sld [smem:$0x3F9C]  }
0x2e: {  	s3 =	simm.s32 @!p0 $0x1082;
	s9 =	sld [smem:$0x3F9D]  }
0x2f: {  	lr =	sadd.s32 s0, s3;
	s0 =	sld [smem:$0x3F94]  }
0x30: {  	s3 =	sld [smem:$0x3F97]  }
0x31: {  	[smem:$0x3FA0] =	sst s10  }
0x32: {  	s10 =	sld [smem:$0x3F9E];
	_ =	sdelay $0x3  }
0x33: {  	p0 =	seq.s32 s10, $0x1;
	s10 =	sld [smem:$0x3FA0];
	_ =	sdelay $0x3  }
0x34: {  	[smem:$0x3FA0] =	sst s10  }
0x35: {  	s10 =	sld [smem:$0x3F9F];
	_ =	sdelay $0x3  }
0x36: {  	p1 =	seq.s32 s10, $0x1;
	s10 =	sld [smem:$0x3FA0];
	_ =	sdelay $0x3  }
0x37: {  	[smem:$0x3FA0] =	sst s10  }
0x38: {  	s10 =	sld [smem:$0x3FA1]  }
0x39: {  	_ = 	snop;
	(pc) =	sbr.ind lr, $3  }
0x3a: {  	_ = 	snop  }
0x3b: {  	_ = 	snop  }
0x3c: {  	p2 =	seq.s32 s10, $0x1;
	s10 =	sld [smem:$0x3FA0]  }
0x3d: {  	_ =	shalt  }
0x3e: {  	_ =	shalt  }
0x3f: {  	_ =	shalt  }
0x40: {  	_ =	shalt  }
0x41: {  	_ =	shalt  }
0x42: {  	_ =	shalt  }
0x43: {  	_ =	shalt  }
0x44: {  	_ =	shalt  }
0x45: {  	_ =	shalt  }
0x46: {  	_ =	shalt  }
0x47: {  	_ =	shalt  }
0x48: {  	_ =	shalt  }
0x49: {  	_ =	shalt  }
0x4a: {  	_ =	shalt  }
0x4b: {  	_ =	shalt  }
0x4c: {  	_ =	shalt  }
0x4d: {  	_ =	shalt  }
0x4e: {  	_ =	shalt  }
0x4f: {  	_ =	shalt  }
0x50: {  	_ =	shalt  }
0x51: {  	_ =	shalt  }
0x52: {  	_ =	shalt  }
0x53: {  	_ =	shalt  }
0x54: {  	_ =	shalt  }
0x55: {  	_ =	shalt  }
0x56: {  	_ =	shalt  }
0x57: {  	_ =	shalt  }
0x58: {  	_ =	shalt  }
0x59: {  	_ =	shalt  }
0x5a: {  	_ =	shalt  }
0x5b: {  	_ =	shalt  }
0x5c: {  	_ =	shalt  }
0x5d: {  	_ =	shalt  }
0x5e: {  	_ =	shalt  }
0x5f: {  	_ =	shalt  }
0x60: {  	_ =	shalt  }
0x61: {  	_ =	shalt  }
0x62: {  	_ =	shalt  }
0x63: {  	_ =	shalt  }
0x64: {  	_ =	shalt  }
0x65: {  	_ =	shalt  }
0x66: {  	_ =	shalt  }
0x67: {  	_ =	shalt  }
0x68: {  	_ =	shalt  }
0x69: {  	_ =	shalt  }
0x6a: {  	_ =	shalt  }
0x6b: {  	_ =	shalt  }
0x6c: {  	_ =	shalt  }
0x6d: {  	_ =	shalt  }
0x6e: {  	_ =	shalt  }
0x6f: {  	_ =	shalt  }
0x70: {  	_ =	shalt  }
0x71: {  	_ =	shalt  }
0x72: {  	_ =	shalt  }
0x73: {  	_ =	shalt  }
0x74: {  	_ =	shalt  }
0x75: {  	_ =	shalt  }
0x76: {  	_ =	shalt  }
0x77: {  	_ =	shalt  }
0x78: {  	_ =	shalt  }
0x79: {  	_ =	shalt  }
0x7a: {  	_ =	shalt  }
0x7b: {  	_ =	shalt  }
0x7c: {  	_ =	shalt  }
0x7d: {  	_ =	shalt  }
0x7e: {  	_ =	shalt  }
0x7f: {  	_ =	shalt  }
0x80: {  	_ =	shalt  }
0x81: {  	_ =	shalt  }
0x82: {  	_ =	shalt  }
0x83: {  	_ =	shalt  }
0x84: {  	_ =	shalt  }
0x85: {  	_ =	shalt  }
0x86: {  	_ =	shalt  }
0x87: {  	_ =	shalt  }
.Lfunc_end0:
.L_simem_size_0:
called_computation.2_lowered:
.L_overlay_start_0:
0x88: {  	s2 =	sld [smem:$0x3FD9]  }
0x89: {  	s3 =	sld [smem:$0x3FFE];
	_ =	sdelay $0x1  }
0x8a: {  	s1 =	srdreg.scid  }
0x8b: {  	s0 =	sand.u32 $0x1, s1  }
0x8c: {  	s16 =	sshll.u32 s0, $0xA;
	s2 =	sadd.s32 s3, s2  }
0x8d: {  	s2 =	sadd.s32 s2, s16  }
0x8e: {  	[smem:$0x3FAC] =	sst s2  }
0x8f: {  	_ = 	snop  }
0x90: {  	(tm) =	ssettm $0x1  }
0x91: {  	s17 =	sld [smem:$0x3FFB];
	_ =	sdelay $0x3  }
0x92: {  	_ =	strace s17  }
0x93: {  	s2 =	sld [smem:$0x3FFC];
	_ =	sdelay $0x3  }
0x94: {  	_ =	strace s2  }
0x95: {  	s2 =	sld [smem:$0x3FFD];
	_ =	sdelay $0x3  }
0x96: {  	_ =	strace s2  }
0x97: {  	_ =	strace $0x8FFFFFFF  }
0x98: {  	s18 =	sld [smem:$0x3FDB];
	_ =	sdelay $0x1  }
0x99: {  	s19 =	simm.s32 $_scs_section_size  }
0x9a: {  	s4 =	simm.s32 $_size__tile_overlayer_lowered;
	s5 =	simm.s32 $_tile_overlayer_lowered  }
0x9b: {  	s22 =	simm.s32 $0x1BFF;
	s21 =	sshll.u32 s5, $0x1;
	s2 =	sadd.s32 s19, s18  }
0x9c: {  	s6 =	simm.s32 $0x0;
	s20 =	sshll.u32 s4, $0x1;
	s4 =	sadd.s32 s21, s2  }
0x9d: {  	[timem:s6], [sflag:s22] =	dma.local [hbm:s4], s20  }
0x9e: {  	_ =	swait.ge [sflag:s22], s20  }
0x9f: {  	s3 =	ssub.s32 $0x0, s20;
	[sflag:s22] =	ssyncset.done $0x0  }
0xa0: {  	[sflag:s22] =	ssyncadd.s32 s3;
	_ =	sdelay $0x1  }
0xa1: {  	s23 =	simm.s32 $0x1B8B  }
0xa2: {  	_ =	swait.ge [sflag:s23], $0x1  }
0xa3: {  	[sflag:s23] =	ssyncset.done $0x0  }
0xa4: {  	s25 =	simm.s32 $0x1B8E;
	s24 =	sld [smem:$0x3FFE];
	[sflag:s23] =	ssyncadd.s32 $0xFFFFFFFF  }
0xa5: {  	s26 =	simm.s32 $execute0_lowered;
	[smem:$0x3FD2] =	sst s25  }
0xa6: {  	s4 =	sshll.u32 s26, $0x1;
	_ =	strace $0x8000004C;
	[dreg:$0x1] =	wrdreg $0xFFFFFFFF  }
0xa7: {  	s28 =	simm.s32 $_size_execute0_lowered;
	s2 =	sadd.s32 s2, s4;
	[dreg:$0x0] =	wrdreg $0x0  }
0xa8: {  	s4 =	sshll.u32 s28, $0x1;
	[dreg:$0x2] =	wrdreg s2  }
0xa9: {  	[dreg:$0x3] =	wrdreg s4  }
0xaa: {  	[dreg:$0x4] =	wrdreg $0xC0  }
0xab: {  	_ =	task [dreg:s6], $0x5FFFF  }
0xac: {  	[dreg:$0x1] =	wrdreg $0xFFFFFFFF  }
0xad: {  	[dreg:$0x0] =	wrdreg $0x60  }
0xae: {  	[dreg:$0x2] =	wrdreg s24  }
0xaf: {  	[dreg:$0x3] =	wrdreg $0x0  }
0xb0: {  	[dreg:$0x4] =	wrdreg $0x9  }
0xb1: {  	_ =	task.clear_ibuf [dreg:s6], $0x5FFFF;
	_ =	strace $0x9000004C  }
0xb2: {  	s29 =	simm.s32 $0x9;
	_ =	strace $0x8000004E  }
0xb3: {  	_ =	swait.ge [sflag:s29], $0x1  }
0xb4: {  	[sflag:s29] =	ssyncadd.s32 $0xFFFFFFFF  }
0xb5: {  	_ =	strace $0x9000004E  }
0xb6: {  	_ =	sfence  }
0xb7: {  	s30 =	sld [smem:$0x0];
	_ =	sdelay $0x2  }
0xb8: {  	s31 =	sshll.u32 s1, $0xD;
	s1 =	sshrl.u32 s1, $0x2  }
0xb9: {  	s3 =	sand.u32 $0x4000, s31;
	s1 =	sadd.s32 s1, s30  }
0xba: {  	s0 =	sor.u32 s3, s0;
	s1 =	sshll.u32 s1, $0x11  }
0xbb: {  	s0 =	sor.u32 s1, s0  }
0xbc: {  	s0 =	sadd.s32 $0x8F2B, s0  }
0xbd: {  	[sflag:s0] =	ssyncadd.remote.s32 $0x1  }
0xbe: {  	_ =	sfence.sel $0xFFFF  }
0xbf: {  	[dreg:$0x0] =	wrdreg $0xFFFFFFFF;
	(pc) =	sbr.abs _section_cstart, $3  }
0xc0: {  	[dreg:$0x1] =	wrdreg $0xFFFFFFFF  }
0xc1: {  	_ =	task.clear_ibuf [dreg:s6], $0x2FFFF;
	_ =	strace $0x9FFFFFFF  }
0xc2: {  	(tm) =	ssettm $0x7FFFFFFF  }
0xc3: {  	_ =	shalt  }
tec
execute0_lowered:
.L_overlay_start_1:
0x0: {  	(tag) =	ssettag $0x1  }
0x1: {  	s0 =	rddreg [dreg:$0x0]  }
0x2: {  	s2 =	rddreg [dreg:$0x1];
	s3 =	simm.s32 $0x0  }
0x3: {  	s12 =	stileid.u32;
	s1 =	srdreg.scid;
	s16 =	simm.s32 $0x7  }
0x4: {  	s17 =	simm.s32 $0x13C00;
	s28 =	simm.s32 $0x13D80;
	s29 =	simm.s32 $0x3  }
0x5: {  	s30 =	simm.s32 $0x13E80;
	s31 =	simm.s32 $0x4;
	s5 =	smul.u32 $0x2780, s12  }
0x6: {  	[smem:$0x7FF] =	sst s3;
	s1 =	sand.u32 $0x1, s1;
	s19 =	smul.u32 $0x4F000, s12  }
0x7: {  	s4 =	sadd.s32 $0x40800, s0;
	s7 =	sadd.s32 $0x4A00, s0;
	s21 =	smul.u32 $0x51, s12  }
0x8: {  	s22 =	sshll.u32 s12, $0x6;
	_ =	strace $0x8000004D;
	s6 =	smul.u32 $0x27800, s1  }
0x9: {  	s9 =	sshll.u32 s1, $0x4;
	s20 =	ssub.s32 $0x2, s1;
	s1 =	smul.u32 $0x510, s1  }
0xa: {  	s8 =	sadd.s32 s5, s0;
	s18 =	sor.u32 s12, s9;
	s11 =	sshrl.u32 s20, $0x1  }
0xb: {  	s9 =	sshrl.u32 s19, $0x2;
	s19 =	simm.s32 $0x13F00;
	s5 =	sadd.s32 s5, s6  }
0xc: {  	s10 =	smul.u32 $0x5100, s18;
	s15 =	sadd.s32 s9, s2;
	s8 =	sadd.s32 $0x19000, s8  }
0xd: {  	s23 =	smul.u32 $0xA20, s18;
	s6 =	sor.u32 $0x1C07, s22;
	s1 =	sadd.s32 s21, s1  }
0xe: {  	s18 =	simm.s32 $0x80;
	s21 =	simm.s32 $0x17F00;
	s22 =	simm.s32 $0x13E00  }
0xf: {  	s0 =	sadd.s32 s5, s0;
	s5 =	ssub.s32 s20, s11;
	[dreg:$0x3] =	wrdreg s8  }
0x10: {  	s1 =	sshll.u32 s1, $0x5;
	s15 =	sshrl.u32 s15, $0x3;
	s20 =	simm.s32 $0x13D00  }
0x11: {  	s24 =	sshrl.u32 s10, $0x3;
	s25 =	sadd.s32 s7, s23;
	s1 =	sadd.s32 s1, s7  }
0x12: {  	s10 =	sadd.s32 $0x67A00, s0;
	s11 =	smax.u32 s5, $0x1;
	s23 =	simm.s32 $0x1BF00  }
0x13: {  	s0 =	simm.s32 $0x5;
	s5 =	simm.s32 $0x0;
	[dreg:$0x4] =	wrdreg s25  }
0x14: {  	s8 =	sadd.s32 s7, s24;
	s12 =	sadd.s32 $0xA0, s1;
	s13 =	sadd.s32 $0x80, s1  }
0x15: {  	s14 =	sadd.s32 $0x60, s1;
	s24 =	simm.s32 $0x1;
	s26 =	sadd.s32 $0x20, s8  }
0x16: {  	s25 =	simm.s32 $0x13C80;
	s8 =	sadd.s32 $0x40, s8;
	[dreg:$0x5] =	wrdreg s26  }
0x17: {  	s1 =	simm.s32 $0x6;
	[dreg:$0x6] =	wrdreg s8;
	s26 =	simm.s32 $0x2  }
.LBB2_1:
0x18: {  	s7 =	rddreg [dreg:$0x3]  }
0x19: {  	[spmem:s15], [sflag:s6] =	dma.local [hbm:s7], $0x2780  }
0x1a: {  	_ =	swait.ge [sflag:s16], $0x2780  }
0x1b: {  	[sflag:s16] =	ssyncset.done $0x0  }
0x1c: {  	[sflag:s16] =	ssyncadd.s32 $0xFFFFD880  }
0x1d: {  	[bflag:$0x0] =	sbarrier.arrive $0xFFFF  }
0x1e: {  	s8 =	rddreg [dreg:$0x4]  }
0x1f: {  	[tilespmem:s17], [sflag:$0x7] =	stream.linear.gather [hbm4b:s8+s3], $0x100, $0x38;
	[tilespmem:$0x1FF00] =	vst v63  }
0x20: {  	_ =	swait.ge [sflag:s16], $0x100  }
0x21: {  	[sflag:s16] =	ssyncset.done $0x0  }
0x22: {  	[sflag:s16] =	ssyncadd.s32 $0xFFFFFF00  }
0x23: {  	[tilespmem:s19], [sflag:$0x1] =	stream.indirect.gather [hbm4b:s4+s18], $0x80, s17, s18, $0xb8;
	[tilespmem:$0x1FF00] =	vst v63  }
0x24: {  	s9 =	rddreg [dreg:$0x5]  }
0x25: {  	[tilespmem:s20], [sflag:$0x7] =	stream.linear.gather [hbm4b:s9+s3], $0x100, $0x38;
	[tilespmem:$0x1FF00] =	vst v63  }
0x26: {  	_ =	swait.ge [sflag:s16], $0x100  }
0x27: {  	[sflag:s16] =	ssyncset.done $0x0  }
0x28: {  	[sflag:s16] =	ssyncadd.s32 $0xFFFFFF00  }
0x29: {  	[tilespmem:s21], [sflag:$0x2] =	stream.indirect.gather [hbm4b:s4+s18], $0x80, s20, s18, $0xb8;
	[tilespmem:$0x1FF00] =	vst v63  }
0x2a: {  	s8 =	rddreg [dreg:$0x6]  }
0x2b: {  	[tilespmem:s22], [sflag:$0x7] =	stream.linear.gather [hbm4b:s8+s3], $0x100, $0x38;
	[tilespmem:$0x1FF00] =	vst v63  }
0x2c: {  	_ =	swait.ge [sflag:s16], $0x100  }
0x2d: {  	[sflag:s16] =	ssyncset.done $0x0  }
0x2e: {  	[sflag:s16] =	ssyncadd.s32 $0xFFFFFF00  }
0x2f: {  	[tilespmem:s23], [sflag:$0x3] =	stream.indirect.gather [hbm4b:s4+s18], $0x80, s22, s18, $0xb8;
	[tilespmem:$0x1FF00] =	vst v63  }
0x30: {  	_ =	swait.ge [sflag:s24], $0x4000  }
0x31: {  	[sflag:s24] =	ssyncset.done $0x0  }
0x32: {  	[sflag:s24] =	ssyncadd.s32 $0xFFFFC000  }
0x33: {  	[spmem:s2] =	stream.indirect.scatter.add.f32 [tilespmem:s19], [sflag:$0x4], $0x80, s25, s18, $0xb8;
	[tilespmem:$0x1FF00] =	vst v63  }
0x34: {  	_ =	swait.ge [sflag:s26], $0x4000  }
0x35: {  	[sflag:s26] =	ssyncset.done $0x0  }
0x36: {  	[sflag:s26] =	ssyncadd.s32 $0xFFFFC000  }
0x37: {  	[spmem:s2] =	stream.indirect.scatter.add.f32 [tilespmem:s21], [sflag:$0x5], $0x80, s28, s18, $0xb8;
	[tilespmem:$0x1FF00] =	vst v63  }
0x38: {  	_ =	swait.ge [sflag:s29], $0x4000  }
0x39: {  	[sflag:s29] =	ssyncset.done $0x0  }
0x3a: {  	[sflag:s29] =	ssyncadd.s32 $0xFFFFC000  }
0x3b: {  	[spmem:s2] =	stream.indirect.scatter.add.f32 [tilespmem:s23], [sflag:$0x6], $0x80, s30, s18, $0xb8;
	[tilespmem:$0x1FF00] =	vst v63  }
0x3c: {  	_ =	swait.ge [sflag:s31], $0x4000  }
0x3d: {  	[sflag:s31] =	ssyncset.done $0x0  }
0x3e: {  	s9 =	sadd.s32 $0x0, s14;
	[sflag:s31] =	ssyncadd.s32 $0xFFFFC000  }
0x3f: {  	[tilespmem:s17], [sflag:$0x7] =	stream.linear.gather [hbm4b:s9+s3], $0x100, $0x38;
	[tilespmem:$0x1FF00] =	vst v63  }
0x40: {  	_ =	swait.ge [sflag:s16], $0x100  }
0x41: {  	[sflag:s16] =	ssyncset.done $0x0  }
0x42: {  	[sflag:s16] =	ssyncadd.s32 $0xFFFFFF00  }
0x43: {  	[tilespmem:s19], [sflag:$0x1] =	stream.indirect.gather [hbm4b:s4+s18], $0x80, s17, s18, $0xb8;
	[tilespmem:$0x1FF00] =	vst v63  }
0x44: {  	_ =	swait.ge [sflag:s0], $0x4000  }
0x45: {  	[sflag:s0] =	ssyncset.done $0x0  }
0x46: {  	s8 =	sadd.s32 $0x0, s13;
	[sflag:s0] =	ssyncadd.s32 $0xFFFFC000  }
0x47: {  	[tilespmem:s20], [sflag:$0x7] =	stream.linear.gather [hbm4b:s8+s3], $0x100, $0x38;
	[tilespmem:$0x1FF00] =	vst v63  }
0x48: {  	_ =	swait.ge [sflag:s16], $0x100  }
0x49: {  	[sflag:s16] =	ssyncset.done $0x0  }
0x4a: {  	[sflag:s16] =	ssyncadd.s32 $0xFFFFFF00  }
0x4b: {  	[tilespmem:s21], [sflag:$0x2] =	stream.indirect.gather [hbm4b:s4+s18], $0x80, s20, s18, $0xb8;
	[tilespmem:$0x1FF00] =	vst v63  }
0x4c: {  	_ =	swait.ge [sflag:s1], $0x4000  }
0x4d: {  	[sflag:s1] =	ssyncset.done $0x0  }
0x4e: {  	s9 =	sadd.s32 $0x0, s12;
	[sflag:s1] =	ssyncadd.s32 $0xFFFFC000  }
0x4f: {  	[tilespmem:s22], [sflag:$0x7] =	stream.linear.gather [hbm4b:s9+s3], $0x100, $0x38;
	[tilespmem:$0x1FF00] =	vst v63  }
0x50: {  	_ =	swait.ge [sflag:s16], $0x100  }
0x51: {  	[sflag:s16] =	ssyncset.done $0x0  }
0x52: {  	s7 =	simm.s32 $0x60;
	[sflag:s16] =	ssyncadd.s32 $0xFFFFFF00  }
.LBB2_2:
0x53: {  	[tilespmem:s23], [sflag:$0x3] =	stream.indirect.gather [hbm4b:s4+s18], $0x80, s22, s18, $0xb8;
	[tilespmem:$0x1FF00] =	vst v63  }
0x54: {  	s8 =	smov.u32 s7  }
0x55: {  	p0 =	sne.s32 s7, $0x9C0;
	s7 =	sadd.s32 $0x60, s7;
	_ =	swait.ge [sflag:s24], $0x4000  }
0x56: {  	[sflag:s24] =	ssyncset.done $0x0  }
0x57: {  	[sflag:s24] =	ssyncadd.s32 $0xFFFFC000  }
0x58: {  	[spmem:s2] =	stream.indirect.scatter.add.f32 [tilespmem:s19], [sflag:$0x4], $0x80, s25, s18, $0xb8;
	[tilespmem:$0x1FF00] =	vst v63  }
0x59: {  	_ =	swait.ge [sflag:s26], $0x4000  }
0x5a: {  	[sflag:s26] =	ssyncset.done $0x0  }
0x5b: {  	[sflag:s26] =	ssyncadd.s32 $0xFFFFC000  }
0x5c: {  	[spmem:s2] =	stream.indirect.scatter.add.f32 [tilespmem:s21], [sflag:$0x5], $0x80, s28, s18, $0xb8;
	[tilespmem:$0x1FF00] =	vst v63  }
0x5d: {  	_ =	swait.ge [sflag:s29], $0x4000  }
0x5e: {  	[sflag:s29] =	ssyncset.done $0x0  }
0x5f: {  	[sflag:s29] =	ssyncadd.s32 $0xFFFFC000  }
0x60: {  	[spmem:s2] =	stream.indirect.scatter.add.f32 [tilespmem:s23], [sflag:$0x6], $0x80, s30, s18, $0xb8;
	[tilespmem:$0x1FF00] =	vst v63  }
0x61: {  	_ =	swait.ge [sflag:s31], $0x4000  }
0x62: {  	[sflag:s31] =	ssyncset.done $0x0  }
0x63: {  	s9 =	sadd.s32 s8, s14;
	[sflag:s31] =	ssyncadd.s32 $0xFFFFC000  }
0x64: {  	[tilespmem:s17], [sflag:$0x7] =	stream.linear.gather [hbm4b:s9+s3], $0x100, $0x38;
	[tilespmem:$0x1FF00] =	vst v63  }
0x65: {  	_ =	swait.ge [sflag:s16], $0x100  }
0x66: {  	[sflag:s16] =	ssyncset.done $0x0  }
0x67: {  	[sflag:s16] =	ssyncadd.s32 $0xFFFFFF00  }
0x68: {  	[tilespmem:s19], [sflag:$0x1] =	stream.indirect.gather [hbm4b:s4+s18], $0x80, s17, s18, $0xb8;
	[tilespmem:$0x1FF00] =	vst v63  }
0x69: {  	_ =	swait.ge [sflag:s0], $0x4000  }
0x6a: {  	[sflag:s0] =	ssyncset.done $0x0  }
0x6b: {  	s9 =	sadd.s32 s8, s13;
	[sflag:s0] =	ssyncadd.s32 $0xFFFFC000  }
0x6c: {  	[tilespmem:s20], [sflag:$0x7] =	stream.linear.gather [hbm4b:s9+s3], $0x100, $0x38;
	[tilespmem:$0x1FF00] =	vst v63  }
0x6d: {  	_ =	swait.ge [sflag:s16], $0x100  }
0x6e: {  	[sflag:s16] =	ssyncset.done $0x0  }
0x6f: {  	[sflag:s16] =	ssyncadd.s32 $0xFFFFFF00  }
0x70: {  	[tilespmem:s21], [sflag:$0x2] =	stream.indirect.gather [hbm4b:s4+s18], $0x80, s20, s18, $0xb8;
	[tilespmem:$0x1FF00] =	vst v63  }
0x71: {  	_ =	swait.ge [sflag:s1], $0x4000  }
0x72: {  	[sflag:s1] =	ssyncset.done $0x0  }
.Ltmp0:
0x73: {  	s8 =	sadd.s32 s8, s12;
	[sflag:s1] =	ssyncadd.s32 $0xFFFFC000;
	(pc) =	sbr.rel @p0 .LBB2_2-.Ltmp0, $4  }
0x74: {  	[tilespmem:s22], [sflag:$0x7] =	stream.linear.gather [hbm4b:s8+s3], $0x100, $0x38;
	[tilespmem:$0x1FF00] =	vst v63  }
0x75: {  	_ =	swait.ge [sflag:s16], $0x100  }
0x76: {  	[sflag:s16] =	ssyncset.done $0x0  }
0x77: {  	[sflag:s16] =	ssyncadd.s32 $0xFFFFFF00  }
0x78: {  	[tilespmem:s23], [sflag:$0x3] =	stream.indirect.gather [hbm4b:s4+s18], $0x80, s22, s18, $0xb8;
	[tilespmem:$0x1FF00] =	vst v63  }
0x79: {  	_ =	swait.ge [sflag:s24], $0x4000  }
0x7a: {  	[sflag:s24] =	ssyncset.done $0x0  }
0x7b: {  	[sflag:s24] =	ssyncadd.s32 $0xFFFFC000  }
0x7c: {  	_ =	swait.ge [sflag:s26], $0x4000  }
0x7d: {  	[sflag:s26] =	ssyncset.done $0x0  }
0x7e: {  	[sflag:s26] =	ssyncadd.s32 $0xFFFFC000  }
0x7f: {  	_ =	swait.ge [sflag:s29], $0x4000  }
0x80: {  	s5 =	sadd.s32 $0x1, s5;
	[sflag:s29] =	ssyncset.done $0x0  }
0x81: {  	p0 =	sne.s32 s5, s11;
	[sflag:s29] =	ssyncadd.s32 $0xFFFFC000  }
.Ltmp1:
0x82: {  	[bflag:$0x0] =	sbarrier.arrive $0xFFFF;
	(pc) =	sbr.rel @p0 .LBB2_1-.Ltmp1, $4  }
0x83: {  	[hbm:s10], [sflag:s6] =	dma.local [spmem:s15], $0x2780  }
0x84: {  	_ =	swait.ge [sflag:s16], $0x2780  }
0x85: {  	[sflag:s16] =	ssyncset.done $0x0  }
0x86: {  	[sflag:s16] =	ssyncadd.s32 $0xFFFFD880  }
0x87: {  	_ =	sfence.sel $0x180000  }
0x88: {  	[bflag:$0x0] =	sbarrier.arrive $0xFFFF  }
0x89: {  	_ =	strace $0x9000004D  }
0x8a: {  	s0 =	stileid.u32;
	[bflag:$0x2] =	sbarrier.arrive $0xFFFF  }
0x8b: {  	p0 =	sne.s32 s0, $0x0;
	s0 =	rddreg [dreg:$0x2]  }
0x8c: {  	s0 =	sadd.s32 @!p0 $0x100000, s0  }
0x8d: {  	[sflag:s0] =	ssyncadd.tile.s32 @!p0 $0x1;
	_ =	shalt  }
.Lfunc_end2:
_tile_overlayer_lowered:
.L_overlay_start_2:
0x8e: {  	(tag) =	ssettag $0x2  }
0x8f: {  	s0 =	rddreg [dreg:$0x0];
	s2 =	stileid.u32  }
0x90: {  	s1 =	rddreg [dreg:$0x1];
	p0 =	sne.s32 s2, $0x0  }
0x91: {  	s3 =	rddreg [dreg:$0x2];
	[bflag:$0x3] =	sbarrier.arrive $0xFFFF;
	s2 =	simm.s32 @!p0 $0x1C07  }
0x92: {  	[timem:s3], [sflag:s2] =	dma.local @!p0 [hbm:s0], s1  }
0x93: {  	s0 =	simm.s32 @!p0 $0x7  }
0x94: {  	_ =	swait.ge @!p0 [sflag:s0], s1  }
0x95: {  	s1 =	ssub.s32 @!p0 $0x0, s1;
	[sflag:s0] =	ssyncset.done @!p0 $0x0  }
0x96: {  	[sflag:s0] =	ssyncadd.s32 @!p0 s1  }
0x97: {  	[bflag:$0x3] =	sbarrier.arrive $0xFFFF  }
0x98: {  	_ =	shalt  }

// kernel: kernel.8.cloned.1.call-start
scs
__scs_entry_jumppad:
0x0: {  	(pc) =	sbr.rel $0x88, $3  }
0x1: {  	(tag) =	ssettag $0x0;
	lr =	simm.s32 $0x1  }
0x2: {  	[smem:$0x3F85] =	sst lr;
	_ =	strace $0xD0000000  }
0x3: {  	_ = 	snop  }
0x4: {  	_ = 	snop  }
0x5: {  	_ = 	snop  }
0x6: {  	_ = 	snop  }
0x7: {  	_ = 	snop  }
__scs_overlays_trampoline_lowered:
0x8: {  	[smem:$0x3F94] =	sst s0  }
0x9: {  	[smem:$0x3F95] =	sst s1  }
0xa: {  	[smem:$0x3F96] =	sst s2  }
0xb: {  	[smem:$0x3F97] =	sst s3  }
0xc: {  	[smem:$0x3F98] =	sst s4  }
0xd: {  	[smem:$0x3F99] =	sst s5  }
0xe: {  	[smem:$0x3F9A] =	sst s6  }
0xf: {  	[smem:$0x3F9B] =	sst s7  }
0x10: {  	[smem:$0x3F9C] =	sst s8  }
0x11: {  	[smem:$0x3F9D] =	sst s9;
	s0 =	simm.s32 @!p0 $0x0  }
0x12: {  	s1 =	sld [smem:$0x3F83];
	s0 =	simm.s32 @p0 $0x1  }
0x13: {  	[smem:$0x3F9E] =	sst s0;
	s0 =	simm.s32 @!p1 $0x0  }
0x14: {  	s2 =	sld [smem:$0x3F82];
	s0 =	simm.s32 @p1 $0x1  }
0x15: {  	[smem:$0x3F9F] =	sst s0;
	s0 =	simm.s32 @!p2 $0x0  }
0x16: {  	s3 =	sld [smem:$0x3FDB];
	s0 =	simm.s32 @p2 $0x1  }
0x17: {  	s4 =	simm.s32 $0x1BF5;
	[smem:$0x3FA1] =	sst s0  }
0x18: {  	s0 =	sld [smem:$0x3F84];
	_ =	swait.ge [sflag:s4], $0x0  }
0x19: {  	s7 =	sld [smem:$0x3F85]  }
0x1a: {  	s8 =	sadd.s32 $0xFFFFE003, lr  }
0x1b: {  	s9 =	sadd.s32 $0xFFFFFEF7, lr;
	s5 =	simm.s32 $0xFFFFFFFF;
	p2 =	slt.u32 s8, $0xFFFFF086  }
0x1c: {  	p1 =	slt.u32 s9, $0xF7A;
	s5 =	simm.s32 @!p2 $0x0  }
0x1d: {  	s5 =	simm.s32 @p1 $0x1;
	p0 =	seq.s32 s7, s2  }
0x1e: {  	s7 =	smul.u32 @!p0 $0xF7A, s2;
	p2 =	seq.s32 @!p0 s5, $0x0  }
0x1f: {  	s9 =	smul.u32 $0xF7A, s1;
	s8 =	simm.s32 @!p0 $0x1BF5;
	p2 =	por !p2, p0  }
0x20: {  	[sflag:s8] =	ssyncset.s32 @!p0 $0xFFFFF086;
	s6 =	sadd.s32 @!p0 s3, s7;
	s7 =	simm.s32 @!p0 $0x108  }
0x21: {  	s3 =	sadd.s32 s3, s9;
	s6 =	sadd.s32 @!p0 $0x88, s6;
	s7 =	simm.s32 @p2 $0x1082  }
0x22: {  	[simem:s7], [sflag:s8] =	dma.local @!p0 [hbm:s6], $0xF7A  }
0x23: {  	s9 =	sor.u32 $0xD0000000, s2;
	s6 =	simm.s32 $0x108;
	_ =	swait.ge @!p0 [sflag:s8], $0x0  }
0x24: {  	s3 =	sadd.s32 $0x88, s3;
	s6 =	simm.s32 @!p1 $0x1082;
	[sflag:s4] =	ssyncset.s32 $0xFFFFF086  }
0x25: {  	[simem:s6], [sflag:s4] =	dma.local [hbm:s3], $0xF7A  }
0x26: {  	[smem:$0x3F85] =	sst s1;
	(tag) =	ssettag s2;
	_ =	strace s9  }
0x27: {  	s1 =	sld [smem:$0x3F95]  }
0x28: {  	s2 =	sld [smem:$0x3F96]  }
0x29: {  	s4 =	sld [smem:$0x3F98]  }
0x2a: {  	p0 =	seq.s32 s5, $0x0;
	s5 =	sld [smem:$0x3F99]  }
0x2b: {  	s6 =	sld [smem:$0x3F9A]  }
0x2c: {  	s7 =	sld [smem:$0x3F9B]  }
0x2d: {  	s3 =	simm.s32 $0x108;
	s8 =	sld [smem:$0x3F9C]  }
0x2e: {  	s3 =	simm.s32 @!p0 $0x1082;
	s9 =	sld [smem:$0x3F9D]  }
0x2f: {  	lr =	sadd.s32 s0, s3;
	s0 =	sld [smem:$0x3F94]  }
0x30: {  	s3 =	sld [smem:$0x3F97]  }
0x31: {  	[smem:$0x3FA0] =	sst s10  }
0x32: {  	s10 =	sld [smem:$0x3F9E];
	_ =	sdelay $0x3  }
0x33: {  	p0 =	seq.s32 s10, $0x1;
	s10 =	sld [smem:$0x3FA0];
	_ =	sdelay $0x3  }
0x34: {  	[smem:$0x3FA0] =	sst s10  }
0x35: {  	s10 =	sld [smem:$0x3F9F];
	_ =	sdelay $0x3  }
0x36: {  	p1 =	seq.s32 s10, $0x1;
	s10 =	sld [smem:$0x3FA0];
	_ =	sdelay $0x3  }
0x37: {  	[smem:$0x3FA0] =	sst s10  }
0x38: {  	s10 =	sld [smem:$0x3FA1]  }
0x39: {  	_ = 	snop;
	(pc) =	sbr.ind lr, $3  }
0x3a: {  	_ = 	snop  }
0x3b: {  	_ = 	snop  }
0x3c: {  	p2 =	seq.s32 s10, $0x1;
	s10 =	sld [smem:$0x3FA0]  }
0x3d: {  	_ =	shalt  }
0x3e: {  	_ =	shalt  }
0x3f: {  	_ =	shalt  }
0x40: {  	_ =	shalt  }
0x41: {  	_ =	shalt  }
0x42: {  	_ =	shalt  }
0x43: {  	_ =	shalt  }
0x44: {  	_ =	shalt  }
0x45: {  	_ =	shalt  }
0x46: {  	_ =	shalt  }
0x47: {  	_ =	shalt  }
0x48: {  	_ =	shalt  }
0x49: {  	_ =	shalt  }
0x4a: {  	_ =	shalt  }
0x4b: {  	_ =	shalt  }
0x4c: {  	_ =	shalt  }
0x4d: {  	_ =	shalt  }
0x4e: {  	_ =	shalt  }
0x4f: {  	_ =	shalt  }
0x50: {  	_ =	shalt  }
0x51: {  	_ =	shalt  }
0x52: {  	_ =	shalt  }
0x53: {  	_ =	shalt  }
0x54: {  	_ =	shalt  }
0x55: {  	_ =	shalt  }
0x56: {  	_ =	shalt  }
0x57: {  	_ =	shalt  }
0x58: {  	_ =	shalt  }
0x59: {  	_ =	shalt  }
0x5a: {  	_ =	shalt  }
0x5b: {  	_ =	shalt  }
0x5c: {  	_ =	shalt  }
0x5d: {  	_ =	shalt  }
0x5e: {  	_ =	shalt  }
0x5f: {  	_ =	shalt  }
0x60: {  	_ =	shalt  }
0x61: {  	_ =	shalt  }
0x62: {  	_ =	shalt  }
0x63: {  	_ =	shalt  }
0x64: {  	_ =	shalt  }
0x65: {  	_ =	shalt  }
0x66: {  	_ =	shalt  }
0x67: {  	_ =	shalt  }
0x68: {  	_ =	shalt  }
0x69: {  	_ =	shalt  }
0x6a: {  	_ =	shalt  }
0x6b: {  	_ =	shalt  }
0x6c: {  	_ =	shalt  }
0x6d: {  	_ =	shalt  }
0x6e: {  	_ =	shalt  }
0x6f: {  	_ =	shalt  }
0x70: {  	_ =	shalt  }
0x71: {  	_ =	shalt  }
0x72: {  	_ =	shalt  }
0x73: {  	_ =	shalt  }
0x74: {  	_ =	shalt  }
0x75: {  	_ =	shalt  }
0x76: {  	_ =	shalt  }
0x77: {  	_ =	shalt  }
0x78: {  	_ =	shalt  }
0x79: {  	_ =	shalt  }
0x7a: {  	_ =	shalt  }
0x7b: {  	_ =	shalt  }
0x7c: {  	_ =	shalt  }
0x7d: {  	_ =	shalt  }
0x7e: {  	_ =	shalt  }
0x7f: {  	_ =	shalt  }
0x80: {  	_ =	shalt  }
0x81: {  	_ =	shalt  }
0x82: {  	_ =	shalt  }
0x83: {  	_ =	shalt  }
0x84: {  	_ =	shalt  }
0x85: {  	_ =	shalt  }
0x86: {  	_ =	shalt  }
0x87: {  	_ =	shalt  }
.Lfunc_end0:
.L_simem_size_0:
called_computation_lowered:
.L_overlay_start_0:
0x88: {  	s2 =	sld [smem:$0x3FD9]  }
0x89: {  	s3 =	sld [smem:$0x3FFE];
	_ =	sdelay $0x1  }
0x8a: {  	s1 =	srdreg.scid  }
0x8b: {  	s0 =	sand.u32 $0x1, s1  }
0x8c: {  	s17 =	sshll.u32 s0, $0xA;
	s2 =	sadd.s32 s3, s2  }
0x8d: {  	s2 =	sadd.s32 s2, s17  }
0x8e: {  	[smem:$0x3FAC] =	sst s2  }
0x8f: {  	_ = 	snop  }
0x90: {  	s2 =	sld [smem:$0x3FC9];
	(tm) =	ssettm $0x1  }
0x91: {  	s18 =	sld [smem:$0x3FFB];
	_ =	sdelay $0x3  }
0x92: {  	_ =	strace s18  }
0x93: {  	s3 =	sld [smem:$0x3FFC];
	_ =	sdelay $0x3  }
0x94: {  	_ =	strace s3  }
0x95: {  	s3 =	sld [smem:$0x3FFD];
	_ =	sdelay $0x3  }
0x96: {  	_ =	strace s3  }
0x97: {  	_ =	strace $0x8FFFFFFF  }
0x98: {  	s19 =	sld [smem:$0x3FDB];
	_ =	sdelay $0x1  }
0x99: {  	s4 =	simm.s32 $_scs_section_size  }
0x9a: {  	s5 =	simm.s32 $_size__tile_overlayer_lowered;
	s6 =	simm.s32 $_tile_overlayer_lowered  }
0x9b: {  	s22 =	simm.s32 $0x1BFF;
	s21 =	sshll.u32 s6, $0x1;
	s3 =	sadd.s32 s4, s19  }
0x9c: {  	s7 =	simm.s32 $0x0;
	s20 =	sshll.u32 s5, $0x1;
	s5 =	sadd.s32 s21, s3  }
0x9d: {  	[timem:s7], [sflag:s22] =	dma.local [hbm:s5], s20  }
0x9e: {  	_ =	swait.ge [sflag:s22], s20  }
0x9f: {  	s4 =	ssub.s32 $0x0, s20;
	[sflag:s22] =	ssyncset.done $0x0  }
0xa0: {  	[sflag:s22] =	ssyncadd.s32 s4;
	_ =	sdelay $0x1  }
0xa1: {  	s23 =	simm.s32 $0x1B8B  }
0xa2: {  	_ =	swait.ge [sflag:s23], $0x1  }
0xa3: {  	[sflag:s23] =	ssyncset.done $0x0  }
0xa4: {  	s25 =	simm.s32 $0x1B8E;
	s24 =	sld [smem:$0x3FFE];
	[sflag:s23] =	ssyncadd.s32 $0xFFFFFFFF  }
0xa5: {  	s26 =	simm.s32 $execute0_lowered;
	[smem:$0x3FD2] =	sst s25  }
0xa6: {  	s5 =	sshll.u32 s26, $0x1;
	_ =	strace $0x80000046;
	[dreg:$0x1] =	wrdreg $0xFFFFFFFF  }
0xa7: {  	s28 =	simm.s32 $_size_execute0_lowered;
	s3 =	sadd.s32 s3, s5;
	[dreg:$0x0] =	wrdreg $0x0  }
0xa8: {  	s5 =	sshll.u32 s28, $0x1;
	[dreg:$0x2] =	wrdreg s3  }
0xa9: {  	[dreg:$0x3] =	wrdreg s5  }
0xaa: {  	[dreg:$0x4] =	wrdreg $0xC0  }
0xab: {  	_ =	task [dreg:s7], $0x5FFFF  }
0xac: {  	[dreg:$0x1] =	wrdreg $0xFFFFFFFF  }
0xad: {  	[dreg:$0x0] =	wrdreg $0x60  }
0xae: {  	[dreg:$0x2] =	wrdreg s2  }
0xaf: {  	[dreg:$0x3] =	wrdreg s24  }
0xb0: {  	[dreg:$0x4] =	wrdreg $0x0  }
0xb1: {  	[dreg:$0x5] =	wrdreg $0x9  }
0xb2: {  	_ =	task.clear_ibuf [dreg:s7], $0x6FFFF;
	_ =	strace $0x90000046  }
0xb3: {  	s29 =	simm.s32 $0x9;
	_ =	strace $0x80000048  }
0xb4: {  	_ =	swait.ge [sflag:s29], $0x1  }
0xb5: {  	[sflag:s29] =	ssyncadd.s32 $0xFFFFFFFF  }
0xb6: {  	_ =	strace $0x90000048  }
0xb7: {  	_ =	sfence  }
0xb8: {  	s30 =	sld [smem:$0x0];
	_ =	sdelay $0x2  }
0xb9: {  	s31 =	sshll.u32 s1, $0xD;
	s1 =	sshrl.u32 s1, $0x2  }
0xba: {  	s3 =	sand.u32 $0x4000, s31;
	s1 =	sadd.s32 s1, s30  }
0xbb: {  	s0 =	sor.u32 s3, s0;
	s1 =	sshll.u32 s1, $0x11  }
0xbc: {  	s0 =	sor.u32 s1, s0  }
0xbd: {  	s0 =	sadd.s32 $0x8F2B, s0  }
0xbe: {  	[sflag:s0] =	ssyncadd.remote.s32 $0x1  }
0xbf: {  	_ =	sfence.sel $0xFFFF  }
0xc0: {  	[dreg:$0x0] =	wrdreg $0xFFFFFFFF;
	(pc) =	sbr.abs _section_cstart, $3  }
0xc1: {  	[dreg:$0x1] =	wrdreg $0xFFFFFFFF  }
0xc2: {  	_ =	task.clear_ibuf [dreg:s7], $0x2FFFF;
	_ =	strace $0x9FFFFFFF  }
0xc3: {  	(tm) =	ssettm $0x7FFFFFFF  }
tec
execute0_lowered:
.L_overlay_start_1:
0x0: {  	(tag) =	ssettag $0x1  }
0x1: {  	s1 =	rddreg [dreg:$0x0]  }
0x2: {  	s0 =	rddreg [dreg:$0x1]  }
0x3: {  	s3 =	rddreg [dreg:$0x2]  }
0x4: {  	s4 =	simm.s32 $0x0;
	s12 =	stileid.u32;
	s2 =	srdreg.scid  }
0x5: {  	s16 =	simm.s32 $0x7;
	s17 =	simm.s32 $0x13C00;
	s28 =	simm.s32 $0x13D80  }
0x6: {  	s29 =	simm.s32 $0x3;
	s30 =	simm.s32 $0x13E80;
	s5 =	smul.u32 $0x2780, s12  }
0x7: {  	s31 =	simm.s32 $0x4;
	[smem:$0x7FF] =	sst s4;
	s19 =	smul.u32 $0x4F000, s12  }
0x8: {  	s2 =	sand.u32 $0x1, s2;
	s7 =	sadd.s32 $0x4A00, s0;
	s21 =	smul.u32 $0x51, s12  }
0x9: {  	s22 =	sshll.u32 s12, $0x6;
	_ =	strace $0x80000047;
	s6 =	smul.u32 $0x27800, s2  }
0xa: {  	s9 =	sshll.u32 s2, $0x4;
	s20 =	ssub.s32 $0x2, s2;
	s2 =	smul.u32 $0x510, s2  }
0xb: {  	s8 =	sadd.s32 s5, s0;
	s18 =	sor.u32 s12, s9;
	s11 =	sshrl.u32 s20, $0x1  }
0xc: {  	s9 =	sshrl.u32 s19, $0x2;
	s19 =	simm.s32 $0x13F00;
	s5 =	sadd.s32 s5, s6  }
0xd: {  	s10 =	smul.u32 $0x5100, s18;
	s15 =	sadd.s32 s9, s3;
	s8 =	sadd.s32 $0x19000, s8  }
0xe: {  	s23 =	smul.u32 $0xA20, s18;
	s6 =	sor.u32 $0x1C07, s22;
	s2 =	sadd.s32 s21, s2  }
0xf: {  	s18 =	simm.s32 $0x80;
	s21 =	simm.s32 $0x17F00;
	s22 =	simm.s32 $0x13E00  }
0x10: {  	s0 =	sadd.s32 s5, s0;
	s5 =	ssub.s32 s20, s11;
	[dreg:$0x4] =	wrdreg s8  }
0x11: {  	s2 =	sshll.u32 s2, $0x5;
	s15 =	sshrl.u32 s15, $0x3;
	s20 =	simm.s32 $0x13D00  }
0x12: {  	s24 =	sshrl.u32 s10, $0x3;
	s25 =	sadd.s32 s7, s23;
	s2 =	sadd.s32 s2, s7  }
0x13: {  	s10 =	sadd.s32 $0x40800, s0;
	s11 =	smax.u32 s5, $0x1;
	s23 =	simm.s32 $0x1BF00  }
0x14: {  	s0 =	simm.s32 $0x5;
	s5 =	simm.s32 $0x0;
	[dreg:$0x5] =	wrdreg s25  }
0x15: {  	s8 =	sadd.s32 s7, s24;
	s12 =	sadd.s32 $0xA0, s2;
	s13 =	sadd.s32 $0x80, s2  }
0x16: {  	s14 =	sadd.s32 $0x60, s2;
	s24 =	simm.s32 $0x1;
	s26 =	sadd.s32 $0x20, s8  }
0x17: {  	s25 =	simm.s32 $0x13C80;
	s8 =	sadd.s32 $0x40, s8;
	[dreg:$0x6] =	wrdreg s26  }
0x18: {  	s2 =	simm.s32 $0x6;
	[dreg:$0x7] =	wrdreg s8;
	s26 =	simm.s32 $0x2  }
.LBB2_1:
0x19: {  	s7 =	rddreg [dreg:$0x4]  }
0x1a: {  	[spmem:s15], [sflag:s6] =	dma.local [hbm:s7], $0x2780  }
0x1b: {  	_ =	swait.ge [sflag:s16], $0x2780  }
0x1c: {  	[sflag:s16] =	ssyncset.done $0x0  }
0x1d: {  	[sflag:s16] =	ssyncadd.s32 $0xFFFFD880  }
0x1e: {  	[bflag:$0x0] =	sbarrier.arrive $0xFFFF  }
0x1f: {  	s8 =	rddreg [dreg:$0x5]  }
0x20: {  	[tilespmem:s17], [sflag:$0x7] =	stream.linear.gather [hbm4b:s8+s4], $0x100, $0x38;
	[tilespmem:$0x1FF00] =	vst v63  }
0x21: {  	_ =	swait.ge [sflag:s16], $0x100  }
0x22: {  	[sflag:s16] =	ssyncset.done $0x0  }
0x23: {  	[sflag:s16] =	ssyncadd.s32 $0xFFFFFF00  }
0x24: {  	[tilespmem:s19], [sflag:$0x1] =	stream.indirect.gather [hbm4b:s1+s18], $0x80, s17, s18, $0xb8;
	[tilespmem:$0x1FF00] =	vst v63  }
0x25: {  	s9 =	rddreg [dreg:$0x6]  }
0x26: {  	[tilespmem:s20], [sflag:$0x7] =	stream.linear.gather [hbm4b:s9+s4], $0x100, $0x38;
	[tilespmem:$0x1FF00] =	vst v63  }
0x27: {  	_ =	swait.ge [sflag:s16], $0x100  }
0x28: {  	[sflag:s16] =	ssyncset.done $0x0  }
0x29: {  	[sflag:s16] =	ssyncadd.s32 $0xFFFFFF00  }
0x2a: {  	[tilespmem:s21], [sflag:$0x2] =	stream.indirect.gather [hbm4b:s1+s18], $0x80, s20, s18, $0xb8;
	[tilespmem:$0x1FF00] =	vst v63  }
0x2b: {  	s8 =	rddreg [dreg:$0x7]  }
0x2c: {  	[tilespmem:s22], [sflag:$0x7] =	stream.linear.gather [hbm4b:s8+s4], $0x100, $0x38;
	[tilespmem:$0x1FF00] =	vst v63  }
0x2d: {  	_ =	swait.ge [sflag:s16], $0x100  }
0x2e: {  	[sflag:s16] =	ssyncset.done $0x0  }
0x2f: {  	[sflag:s16] =	ssyncadd.s32 $0xFFFFFF00  }
0x30: {  	[tilespmem:s23], [sflag:$0x3] =	stream.indirect.gather [hbm4b:s1+s18], $0x80, s22, s18, $0xb8;
	[tilespmem:$0x1FF00] =	vst v63  }
0x31: {  	_ =	swait.ge [sflag:s24], $0x4000  }
0x32: {  	[sflag:s24] =	ssyncset.done $0x0  }
0x33: {  	[sflag:s24] =	ssyncadd.s32 $0xFFFFC000  }
0x34: {  	[spmem:s3] =	stream.indirect.scatter.add.f32 [tilespmem:s19], [sflag:$0x4], $0x80, s25, s18, $0xb8;
	[tilespmem:$0x1FF00] =	vst v63  }
0x35: {  	_ =	swait.ge [sflag:s26], $0x4000  }
0x36: {  	[sflag:s26] =	ssyncset.done $0x0  }
0x37: {  	[sflag:s26] =	ssyncadd.s32 $0xFFFFC000  }
0x38: {  	[spmem:s3] =	stream.indirect.scatter.add.f32 [tilespmem:s21], [sflag:$0x5], $0x80, s28, s18, $0xb8;
	[tilespmem:$0x1FF00] =	vst v63  }
0x39: {  	_ =	swait.ge [sflag:s29], $0x4000  }
0x3a: {  	[sflag:s29] =	ssyncset.done $0x0  }
0x3b: {  	[sflag:s29] =	ssyncadd.s32 $0xFFFFC000  }
0x3c: {  	[spmem:s3] =	stream.indirect.scatter.add.f32 [tilespmem:s23], [sflag:$0x6], $0x80, s30, s18, $0xb8;
	[tilespmem:$0x1FF00] =	vst v63  }
0x3d: {  	_ =	swait.ge [sflag:s31], $0x4000  }
0x3e: {  	[sflag:s31] =	ssyncset.done $0x0  }
0x3f: {  	s9 =	sadd.s32 $0x0, s14;
	[sflag:s31] =	ssyncadd.s32 $0xFFFFC000  }
0x40: {  	[tilespmem:s17], [sflag:$0x7] =	stream.linear.gather [hbm4b:s9+s4], $0x100, $0x38;
	[tilespmem:$0x1FF00] =	vst v63  }
0x41: {  	_ =	swait.ge [sflag:s16], $0x100  }
0x42: {  	[sflag:s16] =	ssyncset.done $0x0  }
0x43: {  	[sflag:s16] =	ssyncadd.s32 $0xFFFFFF00  }
0x44: {  	[tilespmem:s19], [sflag:$0x1] =	stream.indirect.gather [hbm4b:s1+s18], $0x80, s17, s18, $0xb8;
	[tilespmem:$0x1FF00] =	vst v63  }
0x45: {  	_ =	swait.ge [sflag:s0], $0x4000  }
0x46: {  	[sflag:s0] =	ssyncset.done $0x0  }
0x47: {  	s8 =	sadd.s32 $0x0, s13;
	[sflag:s0] =	ssyncadd.s32 $0xFFFFC000  }
0x48: {  	[tilespmem:s20], [sflag:$0x7] =	stream.linear.gather [hbm4b:s8+s4], $0x100, $0x38;
	[tilespmem:$0x1FF00] =	vst v63  }
0x49: {  	_ =	swait.ge [sflag:s16], $0x100  }
0x4a: {  	[sflag:s16] =	ssyncset.done $0x0  }
0x4b: {  	[sflag:s16] =	ssyncadd.s32 $0xFFFFFF00  }
0x4c: {  	[tilespmem:s21], [sflag:$0x2] =	stream.indirect.gather [hbm4b:s1+s18], $0x80, s20, s18, $0xb8;
	[tilespmem:$0x1FF00] =	vst v63  }
0x4d: {  	_ =	swait.ge [sflag:s2], $0x4000  }
0x4e: {  	[sflag:s2] =	ssyncset.done $0x0  }
0x4f: {  	s9 =	sadd.s32 $0x0, s12;
	[sflag:s2] =	ssyncadd.s32 $0xFFFFC000  }
0x50: {  	[tilespmem:s22], [sflag:$0x7] =	stream.linear.gather [hbm4b:s9+s4], $0x100, $0x38;
	[tilespmem:$0x1FF00] =	vst v63  }
0x51: {  	_ =	swait.ge [sflag:s16], $0x100  }
0x52: {  	[sflag:s16] =	ssyncset.done $0x0  }
0x53: {  	s7 =	simm.s32 $0x60;
	[sflag:s16] =	ssyncadd.s32 $0xFFFFFF00  }
.LBB2_2:
0x54: {  	[tilespmem:s23], [sflag:$0x3] =	stream.indirect.gather [hbm4b:s1+s18], $0x80, s22, s18, $0xb8;
	[tilespmem:$0x1FF00] =	vst v63  }
0x55: {  	s8 =	smov.u32 s7  }
0x56: {  	p0 =	sne.s32 s7, $0x9C0;
	s7 =	sadd.s32 $0x60, s7;
	_ =	swait.ge [sflag:s24], $0x4000  }
0x57: {  	[sflag:s24] =	ssyncset.done $0x0  }
0x58: {  	[sflag:s24] =	ssyncadd.s32 $0xFFFFC000  }
0x59: {  	[spmem:s3] =	stream.indirect.scatter.add.f32 [tilespmem:s19], [sflag:$0x4], $0x80, s25, s18, $0xb8;
	[tilespmem:$0x1FF00] =	vst v63  }
0x5a: {  	_ =	swait.ge [sflag:s26], $0x4000  }
0x5b: {  	[sflag:s26] =	ssyncset.done $0x0  }
0x5c: {  	[sflag:s26] =	ssyncadd.s32 $0xFFFFC000  }
0x5d: {  	[spmem:s3] =	stream.indirect.scatter.add.f32 [tilespmem:s21], [sflag:$0x5], $0x80, s28, s18, $0xb8;
	[tilespmem:$0x1FF00] =	vst v63  }
0x5e: {  	_ =	swait.ge [sflag:s29], $0x4000  }
0x5f: {  	[sflag:s29] =	ssyncset.done $0x0  }
0x60: {  	[sflag:s29] =	ssyncadd.s32 $0xFFFFC000  }
0x61: {  	[spmem:s3] =	stream.indirect.scatter.add.f32 [tilespmem:s23], [sflag:$0x6], $0x80, s30, s18, $0xb8;
	[tilespmem:$0x1FF00] =	vst v63  }
0x62: {  	_ =	swait.ge [sflag:s31], $0x4000  }
0x63: {  	[sflag:s31] =	ssyncset.done $0x0  }
0x64: {  	s9 =	sadd.s32 s8, s14;
	[sflag:s31] =	ssyncadd.s32 $0xFFFFC000  }
0x65: {  	[tilespmem:s17], [sflag:$0x7] =	stream.linear.gather [hbm4b:s9+s4], $0x100, $0x38;
	[tilespmem:$0x1FF00] =	vst v63  }
0x66: {  	_ =	swait.ge [sflag:s16], $0x100  }
0x67: {  	[sflag:s16] =	ssyncset.done $0x0  }
0x68: {  	[sflag:s16] =	ssyncadd.s32 $0xFFFFFF00  }
0x69: {  	[tilespmem:s19], [sflag:$0x1] =	stream.indirect.gather [hbm4b:s1+s18], $0x80, s17, s18, $0xb8;
	[tilespmem:$0x1FF00] =	vst v63  }
0x6a: {  	_ =	swait.ge [sflag:s0], $0x4000  }
0x6b: {  	[sflag:s0] =	ssyncset.done $0x0  }
0x6c: {  	s9 =	sadd.s32 s8, s13;
	[sflag:s0] =	ssyncadd.s32 $0xFFFFC000  }
0x6d: {  	[tilespmem:s20], [sflag:$0x7] =	stream.linear.gather [hbm4b:s9+s4], $0x100, $0x38;
	[tilespmem:$0x1FF00] =	vst v63  }
0x6e: {  	_ =	swait.ge [sflag:s16], $0x100  }
0x6f: {  	[sflag:s16] =	ssyncset.done $0x0  }
0x70: {  	[sflag:s16] =	ssyncadd.s32 $0xFFFFFF00  }
0x71: {  	[tilespmem:s21], [sflag:$0x2] =	stream.indirect.gather [hbm4b:s1+s18], $0x80, s20, s18, $0xb8;
	[tilespmem:$0x1FF00] =	vst v63  }
0x72: {  	_ =	swait.ge [sflag:s2], $0x4000  }
0x73: {  	[sflag:s2] =	ssyncset.done $0x0  }
.Ltmp0:
0x74: {  	s8 =	sadd.s32 s8, s12;
	[sflag:s2] =	ssyncadd.s32 $0xFFFFC000;
	(pc) =	sbr.rel @p0 .LBB2_2-.Ltmp0, $4  }
0x75: {  	[tilespmem:s22], [sflag:$0x7] =	stream.linear.gather [hbm4b:s8+s4], $0x100, $0x38;
	[tilespmem:$0x1FF00] =	vst v63  }
0x76: {  	_ =	swait.ge [sflag:s16], $0x100  }
0x77: {  	[sflag:s16] =	ssyncset.done $0x0  }
0x78: {  	[sflag:s16] =	ssyncadd.s32 $0xFFFFFF00  }
0x79: {  	[tilespmem:s23], [sflag:$0x3] =	stream.indirect.gather [hbm4b:s1+s18], $0x80, s22, s18, $0xb8;
	[tilespmem:$0x1FF00] =	vst v63  }
0x7a: {  	_ =	swait.ge [sflag:s24], $0x4000  }
0x7b: {  	[sflag:s24] =	ssyncset.done $0x0  }
0x7c: {  	[sflag:s24] =	ssyncadd.s32 $0xFFFFC000  }
0x7d: {  	_ =	swait.ge [sflag:s26], $0x4000  }
0x7e: {  	[sflag:s26] =	ssyncset.done $0x0  }
0x7f: {  	[sflag:s26] =	ssyncadd.s32 $0xFFFFC000  }
0x80: {  	_ =	swait.ge [sflag:s29], $0x4000  }
0x81: {  	s5 =	sadd.s32 $0x1, s5;
	[sflag:s29] =	ssyncset.done $0x0  }
0x82: {  	p0 =	sne.s32 s5, s11;
	[sflag:s29] =	ssyncadd.s32 $0xFFFFC000  }
.Ltmp1:
0x83: {  	[bflag:$0x0] =	sbarrier.arrive $0xFFFF;
	(pc) =	sbr.rel @p0 .LBB2_1-.Ltmp1, $4  }
0x84: {  	[hbm:s10], [sflag:s6] =	dma.local [spmem:s15], $0x2780  }
0x85: {  	_ =	swait.ge [sflag:s16], $0x2780  }
0x86: {  	[sflag:s16] =	ssyncset.done $0x0  }
0x87: {  	[sflag:s16] =	ssyncadd.s32 $0xFFFFD880  }
0x88: {  	_ =	sfence.sel $0x180000  }
0x89: {  	[bflag:$0x0] =	sbarrier.arrive $0xFFFF  }
0x8a: {  	_ =	strace $0x90000047  }
0x8b: {  	s0 =	stileid.u32;
	[bflag:$0x2] =	sbarrier.arrive $0xFFFF  }
0x8c: {  	p0 =	sne.s32 s0, $0x0;
	s0 =	rddreg [dreg:$0x3]  }
0x8d: {  	s0 =	sadd.s32 @!p0 $0x100000, s0  }
0x8e: {  	[sflag:s0] =	ssyncadd.tile.s32 @!p0 $0x1;
	_ =	shalt  }
.Lfunc_end2:
_tile_overlayer_lowered:
.L_overlay_start_2:
0x8f: {  	(tag) =	ssettag $0x2  }
0x90: {  	s0 =	rddreg [dreg:$0x0];
	s2 =	stileid.u32  }
0x91: {  	s1 =	rddreg [dreg:$0x1];
	p0 =	sne.s32 s2, $0x0  }
0x92: {  	s3 =	rddreg [dreg:$0x2];
	[bflag:$0x3] =	sbarrier.arrive $0xFFFF;
	s2 =	simm.s32 @!p0 $0x1C07  }
0x93: {  	[timem:s3], [sflag:s2] =	dma.local @!p0 [hbm:s0], s1  }
0x94: {  	s0 =	simm.s32 @!p0 $0x7  }
0x95: {  	_ =	swait.ge @!p0 [sflag:s0], s1  }
0x96: {  	s1 =	ssub.s32 @!p0 $0x0, s1;
	[sflag:s0] =	ssyncset.done @!p0 $0x0  }
0x97: {  	[sflag:s0] =	ssyncadd.s32 @!p0 s1  }
0x98: {  	[bflag:$0x3] =	sbarrier.arrive $0xFFFF  }
0x99: {  	_ =	shalt  }

</sc_bundles>
